<compile_context>
chip_gen: v7x
topology: tpu7x:2x2x1
jax: 0.10.2.dev20260603
libtpu: 0.0.44.dev20260713+nightly
codegen_flags: <defaults>
</compile_context>

<pallas_src>
import functools

import jax
import jax.numpy as jnp
import numpy as np
from jax import lax
from jax.experimental import pallas as pl
from jax.experimental.pallas import tpu as pltpu
from jax.experimental.pallas import tpu_sc as plsc

N_ATOMS = 50000
N_EDGES = 800000
CUTOFF = 5.0
WIDTH = 0.5

NC = 2
NS = 16
NW = NC * NS

E_PAD = 819200
EW = E_PAD // NW
CHUNK = 1024
IDXW = 128
IDXROWS = CHUNK // IDXW
NCHUNK = EW // CHUNK

VCOL = 512
VROWS = E_PAD // VCOL
CROWS = CHUNK // VCOL

N_PAD = 50176
ROWS_PER_TILE = N_PAD // NS

BROW = 160
PF = 12


def _edge_feat_body(v_ref, p_ref):
    vx = v_ref[0]
    vy = v_ref[1]
    vz = v_ref[2]
    r2 = vx * vx + vy * vy + vz * vz + 1e-12
    inv_r2 = 1.0 / r2
    r = jnp.sqrt(r2)
    theta = (jnp.pi / CUTOFF) * jnp.minimum(r, CUTOFF)
    u = theta - (jnp.pi / 2)
    u2 = u * u
    sin_u = u * (1.0 + u2 * (-1.6666667e-1 + u2 * (8.3333331e-3
            + u2 * (-1.9840874e-4 + u2 * 2.7525562e-6))))
    cos_u = 1.0 + u2 * (-0.5 + u2 * (4.1666668e-2 + u2 * (-1.3888889e-3
            + u2 * (2.4801587e-5 + u2 * -2.7557319e-7))))
    s1 = cos_u
    c1 = -sin_u
    two_c1 = 2.0 * c1
    sines = [s1, two_c1 * s1]
    for _ in range(6):
        sines.append(two_c1 * sines[-1] - sines[-2])
    s5 = sines[4]
    fc = jnp.where(r < CUTOFF - WIDTH, 1.0, s5 * s5)
    fc = jnp.where(r < CUTOFF, fc, 0.0)
    scale = inv_r2 * fc
    rows = jnp.stack(
        [s * scale for s in sines]
        + [vx, vy, vz, jnp.zeros((BROW, VCOL), jnp.float32)], axis=1)
    p_ref[...] = rows.reshape(BROW * PF, VCOL)


def _edge_feats(vt3):
    return pl.pallas_call(
        _edge_feat_body,
        grid=(VROWS // BROW,),
        in_specs=[pl.BlockSpec((3, BROW, VCOL), lambda i: (0, i, 0))],
        out_specs=pl.BlockSpec((BROW * PF, VCOL), lambda i: (i, 0)),
        out_shape=jax.ShapeDtypeStruct((VROWS * PF, VCOL), jnp.float32),
    )(vt3)


def _sc_body(p_hbm, cen_hbm, nei_hbm, sp_hbm, g_hbm, out_hbm,
             sp_v, g_v, p_v0, p_v1, cen_v0, cen_v1, nei_v0, nei_v1,
             stg_v, stg_w, acc_sh, dsem0, dsem1, ssem0, ssem1):
    cid = lax.axis_index("c")
    sid = lax.axis_index("s")
    wid = sid * NC + cid

    pltpu.sync_copy(sp_hbm, sp_v)
    pltpu.sync_copy(g_hbm, g_v)

    zero16 = jnp.zeros((16,), jnp.float32)

    def _zero_body(i, _):
        stg_v[i, :] = zero16
        stg_w[i, :] = zero16
        return 0

    lax.fori_loop(0, CHUNK, _zero_body, 0)

    quarter = ROWS_PER_TILE // 4
    r0 = sid * ROWS_PER_TILE
    for k in range(4):
        pltpu.sync_copy(stg_v.at[pl.ds(0, quarter)],
                        acc_sh.at[pl.ds(r0 + k * quarter, quarter)])
    plsc.subcore_barrier()

    lane = lax.iota(jnp.int32, 16)
    bufs = ((p_v0, cen_v0, nei_v0, dsem0), (p_v1, cen_v1, nei_v1, dsem1))

    def _fire(it, buf):
        p_v, cen_v, nei_v, sem = buf
        base = pl.multiple_of(wid * EW + it * CHUNK, CHUNK)
        pr0 = pl.multiple_of((base // VCOL) * PF, CROWS * PF)
        row0 = pl.multiple_of(base // IDXW, IDXROWS)
        pltpu.make_async_copy(
            p_hbm.at[pl.ds(pr0, CROWS * PF)], p_v, sem).start()
        pltpu.make_async_copy(
            cen_hbm.at[pl.ds(row0, IDXROWS)], cen_v, sem).start()
        pltpu.make_async_copy(
            nei_hbm.at[pl.ds(row0, IDXROWS)], nei_v, sem).start()

    def _wait(buf):
        p_v, cen_v, nei_v, sem = buf
        pltpu.make_async_copy(
            p_hbm.at[pl.ds(0, CROWS * PF)], p_v, sem).wait()
        pltpu.make_async_copy(
            cen_hbm.at[pl.ds(0, IDXROWS)], cen_v, sem).wait()
        pltpu.make_async_copy(
            nei_hbm.at[pl.ds(0, IDXROWS)], nei_v, sem).wait()

    def _drain(stg, cen_v, ssem):
        for j in range(IDXROWS):
            pltpu.make_async_copy(stg.at[pl.ds(j * IDXW, IDXW)],
                                  acc_sh.at[cen_v.at[j]], ssem).wait()

    def _process(buf, stg, ssem):
        p_v, cen_v, nei_v, _ = buf

        def _a_body(a, _):
            def _r_body(r8, _):
                def _q_body(q, _):
                    colv = r8 * IDXW + q * 16
                    j = a * 4 + r8
                    off = q * 16
                    e0 = a * VCOL + colv
                    nvec = nei_v[j, pl.ds(off, 16)]
                    cvec = cen_v[j, pl.ds(off, 16)]
                    t_w = plsc.load_gather(
                        sp_v, [lax.shift_right_logical(nvec, 2)])
                    s_w = plsc.load_gather(
                        sp_v, [lax.shift_right_logical(cvec, 2)])
                    t_sp = lax.shift_right_logical(
                        t_w, lax.shift_left(nvec & 3, 3)) & 7
                    s_sp = lax.shift_right_logical(
                        s_w, lax.shift_left(cvec & 3, 3)) & 7
                    u24 = (t_sp * 5 + s_sp) * 24
                    col = pl.ds(colv, 16)
                    a16 = a * PF
                    rfc = [p_v[a16 + i, col] for i in range(8)]
                    ys = []
                    for b in range(3):
                        acc = rfc[0] * plsc.load_gather(g_v, [u24 + (b * 8)])
                        for i in range(1, 8):
                            acc = acc + rfc[i] * plsc.load_gather(
                                g_v, [u24 + (b * 8 + i)])
                        ys.append(acc)
                    rows = e0 + lane
                    for m in range(3):
                        d = p_v[a16 + 8 + m, col]
                        for b in range(3):
                            plsc.store_scatter(
                                stg,
                                [rows, jnp.full((16,), m * 3 + b, jnp.int32)],
                                d * ys[b])
                    return 0

                lax.fori_loop(0, IDXW // 16, _q_body, 0)
                return 0

            lax.fori_loop(0, VCOL // IDXW, _r_body, 0)
            return 0

        lax.fori_loop(0, CROWS, _a_body, 0)

        for j in range(IDXROWS):
            pltpu.make_async_copy(stg.at[pl.ds(j * IDXW, IDXW)],
                                  acc_sh.at[cen_v.at[j]], ssem).start(add=True)

    _fire(0, bufs[0])
    stgs = (stg_v, stg_w)
    ssems = (ssem0, ssem1)

    def _chunk_body(it, _):
        @pl.when(lax.rem(it, 2) == 0)
        def _():
            _wait(bufs[0])

            @pl.when(it >= 1)
            def _():
                _drain(stgs[1], bufs[1][1], ssems[1])

            @pl.when(it + 1 < NCHUNK)
            def _():
                _fire(it + 1, bufs[1])

            _process(bufs[0], stgs[0], ssems[0])

        @pl.when(lax.rem(it, 2) == 1)
        def _():
            _wait(bufs[1])

            @pl.when(it >= 1)
            def _():
                _drain(stgs[0], bufs[0][1], ssems[0])

            @pl.when(it + 1 < NCHUNK)
            def _():
                _fire(it + 1, bufs[0])

            _process(bufs[1], stgs[1], ssems[1])

        return 0

    lax.fori_loop(0, NCHUNK, _chunk_body, 0)
    _drain(stgs[(NCHUNK - 1) % 2], bufs[(NCHUNK - 1) % 2][1],
           ssems[(NCHUNK - 1) % 2])

    plsc.subcore_barrier()
    pltpu.sync_copy(acc_sh.at[pl.ds(r0, ROWS_PER_TILE)],
                    out_hbm.at[cid, pl.ds(r0, ROWS_PER_TILE)])


@functools.cache
def _make_sc_scatter():
    return pl.kernel(
        _sc_body,
        out_type=jax.ShapeDtypeStruct((NC, N_PAD, 16), jnp.float32),
        mesh=plsc.VectorSubcoreMesh(core_axis_name="c", subcore_axis_name="s",
                                    num_cores=NC, num_subcores=NS),
        scratch_types=[
            pltpu.VMEM((N_PAD // 4,), jnp.int32),
            pltpu.VMEM((640,), jnp.float32),
            pltpu.VMEM((CROWS * PF, VCOL), jnp.float32),
            pltpu.VMEM((CROWS * PF, VCOL), jnp.float32),
            pltpu.VMEM((IDXROWS, IDXW), jnp.int32),
            pltpu.VMEM((IDXROWS, IDXW), jnp.int32),
            pltpu.VMEM((IDXROWS, IDXW), jnp.int32),
            pltpu.VMEM((IDXROWS, IDXW), jnp.int32),
            pltpu.VMEM((CHUNK, 16), jnp.float32),
            pltpu.VMEM((CHUNK, 16), jnp.float32),
            pltpu.VMEM_SHARED((N_PAD, 16), jnp.float32),
            pltpu.SemaphoreType.DMA,
            pltpu.SemaphoreType.DMA,
            pltpu.SemaphoreType.DMA,
            pltpu.SemaphoreType.DMA,
        ],
        compiler_params=pltpu.CompilerParams(needs_layout_passes=False,
                                             use_tc_tiling_on_sc=False),
    )


def _combine_body(p_ref, o_ref):
    o_ref[...] = p_ref[0] + p_ref[1]


def _combine(parts):
    rows = N_PAD // 8
    bn8 = rows // 16
    flat = parts.reshape(NC, rows, 128)
    out = pl.pallas_call(
        _combine_body,
        grid=(16,),
        in_specs=[pl.BlockSpec((2, bn8, 128), lambda i: (0, i, 0))],
        out_specs=pl.BlockSpec((bn8, 128), lambda i: (i, 0)),
        out_shape=jax.ShapeDtypeStruct((rows, 128), jnp.float32),
    )(flat)
    return out.reshape(N_PAD, 16)


def kernel(interatomic_vectors, centers, neighbors, species, sample_values,
           neighbor_embed, center_embed, W):
    del sample_values
    ce4 = center_embed.reshape(5, 8, 4)
    w4 = W.reshape(3, 8, 4)
    g = jnp.einsum("tj,sij,bij->tsbi", neighbor_embed, ce4, w4)
    g_flat = jnp.pad(g.reshape(-1), (0, 640 - 600)).astype(jnp.float32)

    vt3 = jnp.pad(interatomic_vectors.T,
                  ((0, 0), (0, E_PAD - N_EDGES))).reshape(3, VROWS, VCOL)
    p = _edge_feats(vt3)

    cen2 = jnp.pad(centers, (0, E_PAD - N_EDGES)).reshape(E_PAD // IDXW, IDXW)
    nei2 = jnp.pad(neighbors, (0, E_PAD - N_EDGES)).reshape(E_PAD // IDXW, IDXW)
    sp4 = jnp.pad(species, (0, N_PAD - N_ATOMS)).reshape(N_PAD // 4, 4)
    sp_packed = (sp4[:, 0] | (sp4[:, 1] << 8) | (sp4[:, 2] << 16)
                 | (sp4[:, 3] << 24))

    parts = _make_sc_scatter()(p, cen2, nei2, sp_packed, g_flat)
    return _combine(parts)[:N_ATOMS, :9].reshape(N_ATOMS, 3, 3)

# --- scband reference (transcript-rebuilt; emitter-appended) ---
"""Pipeline reference for scband-vector-basis-69587060130230 (READ-ONLY COPY).

The authoritative reference and input builder live on the scoring server;
editing this copy changes nothing except your own understanding.
"""

import jax, jax.numpy as jnp
import numpy as np

N_ATOMS = 50000
N_EDGES = 800000
N_SPECIES = 5
N_RADIAL = 8
PSEUDO = 4
EMBED = N_RADIAL * PSEUDO  # 32 = l1_n_radial * pseudo_species
CUTOFF = 5.0
WIDTH = 0.5


def setup_inputs(seed: int = 0) -> dict:
    key = jax.random.key(seed)
    ks = jax.random.split(key, 8)
    interatomic_vectors = jax.random.normal(ks[0], (N_EDGES, 3), dtype=jnp.float32) * 2.0
    centers = jax.random.randint(ks[1], (N_EDGES,), 0, N_ATOMS, dtype=jnp.int32)
    neighbors = jax.random.randint(ks[2], (N_EDGES,), 0, N_ATOMS, dtype=jnp.int32)
    species = jax.random.randint(ks[3], (N_ATOMS,), 0, N_SPECIES, dtype=jnp.int32)
    sample_values = jnp.stack(
        [jnp.zeros((N_ATOMS,), dtype=jnp.int32), jnp.arange(N_ATOMS, dtype=jnp.int32)], axis=1
    )
    # learned parameters (non-legacy / alchemical path)
    neighbor_embed = jax.random.normal(ks[4], (N_SPECIES, PSEUDO), dtype=jnp.float32)  # alchemical pseudo-species mixing
    center_embed = jax.random.normal(ks[5], (N_SPECIES, EMBED), dtype=jnp.float32)  # center_encoding nn.Embedding weight
    W = jax.random.normal(ks[6], (3, EMBED), dtype=jnp.float32) / np.sqrt(EMBED)  # contraction_for_tensors Linear weight
    return {
        "interatomic_vectors": interatomic_vectors,
        "centers": centers,
        "neighbors": neighbors,
        "species": species,
        "sample_values": sample_values,
        "neighbor_embed": neighbor_embed,
        "center_embed": center_embed,
        "W": W,
    }


def _vector_basis(interatomic_vectors, centers, neighbors, species, neighbor_embed, center_embed, W):
    # l=1 spherical expansion with LaplacianEigenstates-style radial basis
    r = jnp.sqrt(jnp.sum(interatomic_vectors ** 2, axis=1) + 1e-12)  # (E,)
    dirs = interatomic_vectors / r[:, None]  # (E, 3) ~ l=1 harmonics (mu = -1, 0, 1) up to constant
    # shifted cosine cutoff function
    inner = CUTOFF - WIDTH
    t = jnp.clip((r - inner) / WIDTH, 0.0, 1.0)
    fc = 0.5 * (1.0 + jnp.cos(jnp.pi * t)) * (r < CUTOFF)
    # radial basis: spherical-Bessel-like eigenstates sin(n pi r / rc) / r
    n = jnp.arange(1, N_RADIAL + 1, dtype=jnp.float32)
    R = jnp.sin(n[None, :] * jnp.pi * r[:, None] / CUTOFF) / r[:, None] * fc[:, None]  # (E, 8)
    # alchemical neighbor-species embedding (gather)
    A = neighbor_embed[species[neighbors]]  # (E, 4)
    radchem = (R[:, :, None] * A[:, None, :]).reshape(-1, EMBED)  # (E, 32)
    edge_feat = dirs[:, :, None] * radchem[:, None, :]  # (E, 3, 32)
    # scatter-add over center atoms (density accumulation)
    expansion = jax.ops.segment_sum(edge_feat, centers, num_segments=N_ATOMS)  # (N, 3, 32)
    # center encoding: multiply by embedding of center species
    enc = center_embed[species]  # (N, 32)
    expansion = expansion * enc[:, None, :]
    # contraction to 3 basis vectors per atom
    out = jnp.einsum("nmf,bf->nmb", expansion, W)  # (N, 3, 3)
    return out


def reference(interatomic_vectors, centers, neighbors, species, sample_values, neighbor_embed, center_embed, W):
    return _vector_basis(interatomic_vectors, centers, neighbors, species, neighbor_embed, center_embed, W)

if __name__ == "__main__":
    import jax
    _d = setup_inputs()
    print(jax.jit(kernel)(*tuple(_d.values())))

</pallas_src>

<mosaic_0001>
#map = affine_map<(d0, d1) -> (0, 0)>
#map1 = affine_map<(d0, d1) -> (0)>
#map2 = affine_map<(d0, d1) -> (0, 0, 0)>
module attributes {stable_mosaic.version = 14 : i64} {
  func.func @_sc_body(%arg0: i32, %arg1: i32, %arg2: memref<19200x512xf32, #tpu.memory_space<hbm>>, %arg3: memref<6400x128xi32, #tpu.memory_space<hbm>>, %arg4: memref<6400x128xi32, #tpu.memory_space<hbm>>, %arg5: memref<12544xi32, #tpu.memory_space<hbm>>, %arg6: memref<640xf32, #tpu.memory_space<hbm>>, %arg7: memref<2x50176x16xf32, #tpu.memory_space<hbm>>, %arg8: memref<12544xi32, #tpu.memory_space<vmem>>, %arg9: memref<640xf32, #tpu.memory_space<vmem>>, %arg10: memref<24x512xf32, #tpu.memory_space<vmem>>, %arg11: memref<24x512xf32, #tpu.memory_space<vmem>>, %arg12: memref<8x128xi32, #tpu.memory_space<vmem>>, %arg13: memref<8x128xi32, #tpu.memory_space<vmem>>, %arg14: memref<8x128xi32, #tpu.memory_space<vmem>>, %arg15: memref<8x128xi32, #tpu.memory_space<vmem>>, %arg16: memref<1024x16xf32, #tpu.memory_space<vmem>>, %arg17: memref<1024x16xf32, #tpu.memory_space<vmem>>, %arg18: memref<50176x16xf32, #tpu.memory_space<vmem_shared>>, %arg19: memref<!tpu.dma_semaphore, #tpu.memory_space<semaphore_mem>>, %arg20: memref<!tpu.dma_semaphore, #tpu.memory_space<semaphore_mem>>, %arg21: memref<!tpu.dma_semaphore, #tpu.memory_space<semaphore_mem>>, %arg22: memref<!tpu.dma_semaphore, #tpu.memory_space<semaphore_mem>>) attributes {dimension_semantics = [#tpu.dimension_semantics<core_parallel>, #tpu.dimension_semantics<subcore_parallel>], iteration_bounds = array<i64: 2, 16>, scalar_prefetch = 0 : i64, scratch_operands = 15 : i64, tpu.core_type = #tpu.core_type<sc_vector_subcore>, window_params = [{transform_indices = #map}, {transform_indices = #map}, {transform_indices = #map}, {transform_indices = #map1}, {transform_indices = #map1}, {transform_indices = #map2}]} {
    %mul3A = arith.constant 2 : i32
    %mul3A_0 = arith.muli %arg1, %mul3A : i32
    %add3A = arith.addi %mul3A_0, %arg0 : i32
    "tpu.region"() ({
      %run_scoped3A = tpu.sem_alloc : memref<!tpu.dma_semaphore, #tpu.memory_space<semaphore_mem>>
      tpu.enqueue_dma source(%arg5 : memref<12544xi32, #tpu.memory_space<hbm>>) target(%arg8 : memref<12544xi32, #tpu.memory_space<vmem>>) target_semaphore(%run_scoped3A : memref<!tpu.dma_semaphore, #tpu.memory_space<semaphore_mem>>)
      tpu.wait_dma2 semaphore(%run_scoped3A : memref<!tpu.dma_semaphore, #tpu.memory_space<semaphore_mem>>) src(%arg5 : memref<12544xi32, #tpu.memory_space<hbm>>) dst(%arg8 : memref<12544xi32, #tpu.memory_space<vmem>>)
      tpu.yield
    }) : () -> ()
    "tpu.region"() ({
      %run_scoped3A = tpu.sem_alloc : memref<!tpu.dma_semaphore, #tpu.memory_space<semaphore_mem>>
      tpu.enqueue_dma source(%arg6 : memref<640xf32, #tpu.memory_space<hbm>>) target(%arg9 : memref<640xf32, #tpu.memory_space<vmem>>) target_semaphore(%run_scoped3A : memref<!tpu.dma_semaphore, #tpu.memory_space<semaphore_mem>>)
      tpu.wait_dma2 semaphore(%run_scoped3A : memref<!tpu.dma_semaphore, #tpu.memory_space<semaphore_mem>>) src(%arg6 : memref<640xf32, #tpu.memory_space<hbm>>) dst(%arg9 : memref<640xf32, #tpu.memory_space<vmem>>)
      tpu.yield
    }) : () -> ()
    %broadcast_in_dim3A = arith.constant 0.000000e+00 : f32
    %broadcast_in_dim3A_1 = vector.broadcast %broadcast_in_dim3A : f32 to vector<16xf32>
    %scan3A = arith.constant 0 : i32
    %scan3A_2 = arith.constant 0 : i32
    %scan3A_3 = arith.constant 1024 : i32
    %scan3A_4 = arith.addi %scan3A_2, %scan3A_3 : i32
    %scan3A_5 = arith.constant 1 : i32
    %scan3A_6 = scf.for %scan3A_164 = %scan3A_2 to %scan3A_4 step %scan3A_5 iter_args(%scan3A_165 = %scan3A) -> (i32)  : i32 {
      %swap3A = arith.index_cast %scan3A_164 : i32 to index
      %swap3A_166 = arith.constant 0 : index
      %swap3A_167 = tpu.vector_load %arg16[%swap3A, %swap3A_166] {strides = array<i32>} : memref<1024x16xf32, #tpu.memory_space<vmem>>, vector<16xf32>,
      tpu.vector_store %arg16[%swap3A, %swap3A_166], %broadcast_in_dim3A_1 {strides = array<i32>} : memref<1024x16xf32, #tpu.memory_space<vmem>>, vector<16xf32>,
      %swap3A_168 = arith.index_cast %scan3A_164 : i32 to index
      %swap3A_169 = arith.constant 0 : index
      %swap3A_170 = tpu.vector_load %arg17[%swap3A_168, %swap3A_169] {strides = array<i32>} : memref<1024x16xf32, #tpu.memory_space<vmem>>, vector<16xf32>,
      tpu.vector_store %arg17[%swap3A_168, %swap3A_169], %broadcast_in_dim3A_1 {strides = array<i32>} : memref<1024x16xf32, #tpu.memory_space<vmem>>, vector<16xf32>,
      %scan3A_171 = arith.constant 0 : i32
      scf.yield %scan3A_171 : i32
    }
    %scan3A_7 = arith.constant 1024 : i32
    %mul3A_8 = arith.constant 3136 : i32
    %mul3A_9 = arith.muli %arg1, %mul3A_8 : i32
    %add3A_10 = arith.constant 0 : i32
    %add3A_11 = arith.addi %mul3A_9, %add3A_10 : i32
    "tpu.region"() ({
      %run_scoped3A = tpu.sem_alloc : memref<!tpu.dma_semaphore, #tpu.memory_space<semaphore_mem>>
      %dma_start3A_164 = arith.constant 0 : i32
      %dma_start3A_165 = arith.constant 0 : i32
      %dma_start3A_166 = tpu.memref_slice %arg16[%dma_start3A_164, %dma_start3A_165] : memref<1024x16xf32, #tpu.memory_space<vmem>> -> memref<784x16xf32, #tpu.memory_space<vmem>>
      %dma_start3A_167 = arith.constant 0 : i32
      %dma_start3A_168 = tpu.memref_slice %arg18[%add3A_11, %dma_start3A_167] : memref<50176x16xf32, #tpu.memory_space<vmem_shared>> -> memref<784x16xf32, #tpu.memory_space<vmem_shared>>
      %dma_start3A_169 = arith.constant 0 : i32
      %dma_start3A_170 = tpu.memref_slice %arg18[%add3A_11, %dma_start3A_169] : memref<50176x16xf32, #tpu.memory_space<vmem_shared>> -> memref<784x16xf32, #tpu.memory_space<vmem_shared>>
      %dma_start3A_171 = arith.constant 0 : i32
      %dma_start3A_172 = arith.constant 0 : i32
      %dma_start3A_173 = tpu.memref_slice %arg16[%dma_start3A_171, %dma_start3A_172] : memref<1024x16xf32, #tpu.memory_space<vmem>> -> memref<784x16xf32, #tpu.memory_space<vmem>>
      tpu.enqueue_dma source(%dma_start3A_173 : memref<784x16xf32, #tpu.memory_space<vmem>>) target(%dma_start3A_170 : memref<784x16xf32, #tpu.memory_space<vmem_shared>>) target_semaphore(%run_scoped3A : memref<!tpu.dma_semaphore, #tpu.memory_space<semaphore_mem>>)
      %dma_wait3A_174 = arith.constant 0 : i32
      %dma_wait3A_175 = arith.constant 0 : i32
      %dma_wait3A_176 = tpu.memref_slice %arg16[%dma_wait3A_174, %dma_wait3A_175] : memref<1024x16xf32, #tpu.memory_space<vmem>> -> memref<784x16xf32, #tpu.memory_space<vmem>>
      %dma_wait3A_177 = arith.constant 0 : i32
      %dma_wait3A_178 = tpu.memref_slice %arg18[%add3A_11, %dma_wait3A_177] : memref<50176x16xf32, #tpu.memory_space<vmem_shared>> -> memref<784x16xf32, #tpu.memory_space<vmem_shared>>
      %dma_wait3A_179 = arith.constant 0 : i32
      %dma_wait3A_180 = tpu.memref_slice %arg18[%add3A_11, %dma_wait3A_179] : memref<50176x16xf32, #tpu.memory_space<vmem_shared>> -> memref<784x16xf32, #tpu.memory_space<vmem_shared>>
      %dma_wait3A_181 = arith.constant 0 : i32
      %dma_wait3A_182 = arith.constant 0 : i32
      %dma_wait3A_183 = tpu.memref_slice %arg16[%dma_wait3A_181, %dma_wait3A_182] : memref<1024x16xf32, #tpu.memory_space<vmem>> -> memref<784x16xf32, #tpu.memory_space<vmem>>
      tpu.wait_dma2 semaphore(%run_scoped3A : memref<!tpu.dma_semaphore, #tpu.memory_space<semaphore_mem>>) src(%dma_wait3A_183 : memref<784x16xf32, #tpu.memory_space<vmem>>) dst(%dma_wait3A_180 : memref<784x16xf32, #tpu.memory_space<vmem_shared>>)
      tpu.yield
    }) : () -> ()
    %add3A_12 = arith.constant 784 : i32
    %add3A_13 = arith.addi %mul3A_9, %add3A_12 : i32
    "tpu.region"() ({
      %run_scoped3A = tpu.sem_alloc : memref<!tpu.dma_semaphore, #tpu.memory_space<semaphore_mem>>
      %dma_start3A_164 = arith.constant 0 : i32
      %dma_start3A_165 = arith.constant 0 : i32
      %dma_start3A_166 = tpu.memref_slice %arg16[%dma_start3A_164, %dma_start3A_165] : memref<1024x16xf32, #tpu.memory_space<vmem>> -> memref<784x16xf32, #tpu.memory_space<vmem>>
      %dma_start3A_167 = arith.constant 0 : i32
      %dma_start3A_168 = tpu.memref_slice %arg18[%add3A_13, %dma_start3A_167] : memref<50176x16xf32, #tpu.memory_space<vmem_shared>> -> memref<784x16xf32, #tpu.memory_space<vmem_shared>>
      %dma_start3A_169 = arith.constant 0 : i32
      %dma_start3A_170 = tpu.memref_slice %arg18[%add3A_13, %dma_start3A_169] : memref<50176x16xf32, #tpu.memory_space<vmem_shared>> -> memref<784x16xf32, #tpu.memory_space<vmem_shared>>
      %dma_start3A_171 = arith.constant 0 : i32
      %dma_start3A_172 = arith.constant 0 : i32
      %dma_start3A_173 = tpu.memref_slice %arg16[%dma_start3A_171, %dma_start3A_172] : memref<1024x16xf32, #tpu.memory_space<vmem>> -> memref<784x16xf32, #tpu.memory_space<vmem>>
      tpu.enqueue_dma source(%dma_start3A_173 : memref<784x16xf32, #tpu.memory_space<vmem>>) target(%dma_start3A_170 : memref<784x16xf32, #tpu.memory_space<vmem_shared>>) target_semaphore(%run_scoped3A : memref<!tpu.dma_semaphore, #tpu.memory_space<semaphore_mem>>)
      %dma_wait3A_174 = arith.constant 0 : i32
      %dma_wait3A_175 = arith.constant 0 : i32
      %dma_wait3A_176 = tpu.memref_slice %arg16[%dma_wait3A_174, %dma_wait3A_175] : memref<1024x16xf32, #tpu.memory_space<vmem>> -> memref<784x16xf32, #tpu.memory_space<vmem>>
      %dma_wait3A_177 = arith.constant 0 : i32
      %dma_wait3A_178 = tpu.memref_slice %arg18[%add3A_13, %dma_wait3A_177] : memref<50176x16xf32, #tpu.memory_space<vmem_shared>> -> memref<784x16xf32, #tpu.memory_space<vmem_shared>>
      %dma_wait3A_179 = arith.constant 0 : i32
      %dma_wait3A_180 = tpu.memref_slice %arg18[%add3A_13, %dma_wait3A_179] : memref<50176x16xf32, #tpu.memory_space<vmem_shared>> -> memref<784x16xf32, #tpu.memory_space<vmem_shared>>
      %dma_wait3A_181 = arith.constant 0 : i32
      %dma_wait3A_182 = arith.constant 0 : i32
      %dma_wait3A_183 = tpu.memref_slice %arg16[%dma_wait3A_181, %dma_wait3A_182] : memref<1024x16xf32, #tpu.memory_space<vmem>> -> memref<784x16xf32, #tpu.memory_space<vmem>>
      tpu.wait_dma2 semaphore(%run_scoped3A : memref<!tpu.dma_semaphore, #tpu.memory_space<semaphore_mem>>) src(%dma_wait3A_183 : memref<784x16xf32, #tpu.memory_space<vmem>>) dst(%dma_wait3A_180 : memref<784x16xf32, #tpu.memory_space<vmem_shared>>)
      tpu.yield
    }) : () -> ()
    %add3A_14 = arith.constant 1568 : i32
    %add3A_15 = arith.addi %mul3A_9, %add3A_14 : i32
    "tpu.region"() ({
      %run_scoped3A = tpu.sem_alloc : memref<!tpu.dma_semaphore, #tpu.memory_space<semaphore_mem>>
      %dma_start3A_164 = arith.constant 0 : i32
      %dma_start3A_165 = arith.constant 0 : i32
      %dma_start3A_166 = tpu.memref_slice %arg16[%dma_start3A_164, %dma_start3A_165] : memref<1024x16xf32, #tpu.memory_space<vmem>> -> memref<784x16xf32, #tpu.memory_space<vmem>>
      %dma_start3A_167 = arith.constant 0 : i32
      %dma_start3A_168 = tpu.memref_slice %arg18[%add3A_15, %dma_start3A_167] : memref<50176x16xf32, #tpu.memory_space<vmem_shared>> -> memref<784x16xf32, #tpu.memory_space<vmem_shared>>
      %dma_start3A_169 = arith.constant 0 : i32
      %dma_start3A_170 = tpu.memref_slice %arg18[%add3A_15, %dma_start3A_169] : memref<50176x16xf32, #tpu.memory_space<vmem_shared>> -> memref<784x16xf32, #tpu.memory_space<vmem_shared>>
      %dma_start3A_171 = arith.constant 0 : i32
      %dma_start3A_172 = arith.constant 0 : i32
      %dma_start3A_173 = tpu.memref_slice %arg16[%dma_start3A_171, %dma_start3A_172] : memref<1024x16xf32, #tpu.memory_space<vmem>> -> memref<784x16xf32, #tpu.memory_space<vmem>>
      tpu.enqueue_dma source(%dma_start3A_173 : memref<784x16xf32, #tpu.memory_space<vmem>>) target(%dma_start3A_170 : memref<784x16xf32, #tpu.memory_space<vmem_shared>>) target_semaphore(%run_scoped3A : memref<!tpu.dma_semaphore, #tpu.memory_space<semaphore_mem>>)
      %dma_wait3A_174 = arith.constant 0 : i32
      %dma_wait3A_175 = arith.constant 0 : i32
      %dma_wait3A_176 = tpu.memref_slice %arg16[%dma_wait3A_174, %dma_wait3A_175] : memref<1024x16xf32, #tpu.memory_space<vmem>> -> memref<784x16xf32, #tpu.memory_space<vmem>>
      %dma_wait3A_177 = arith.constant 0 : i32
      %dma_wait3A_178 = tpu.memref_slice %arg18[%add3A_15, %dma_wait3A_177] : memref<50176x16xf32, #tpu.memory_space<vmem_shared>> -> memref<784x16xf32, #tpu.memory_space<vmem_shared>>
      %dma_wait3A_179 = arith.constant 0 : i32
      %dma_wait3A_180 = tpu.memref_slice %arg18[%add3A_15, %dma_wait3A_179] : memref<50176x16xf32, #tpu.memory_space<vmem_shared>> -> memref<784x16xf32, #tpu.memory_space<vmem_shared>>
      %dma_wait3A_181 = arith.constant 0 : i32
      %dma_wait3A_182 = arith.constant 0 : i32
      %dma_wait3A_183 = tpu.memref_slice %arg16[%dma_wait3A_181, %dma_wait3A_182] : memref<1024x16xf32, #tpu.memory_space<vmem>> -> memref<784x16xf32, #tpu.memory_space<vmem>>
      tpu.wait_dma2 semaphore(%run_scoped3A : memref<!tpu.dma_semaphore, #tpu.memory_space<semaphore_mem>>) src(%dma_wait3A_183 : memref<784x16xf32, #tpu.memory_space<vmem>>) dst(%dma_wait3A_180 : memref<784x16xf32, #tpu.memory_space<vmem_shared>>)
      tpu.yield
    }) : () -> ()
    %add3A_16 = arith.constant 2352 : i32
    %add3A_17 = arith.addi %mul3A_9, %add3A_16 : i32
    "tpu.region"() ({
      %run_scoped3A = tpu.sem_alloc : memref<!tpu.dma_semaphore, #tpu.memory_space<semaphore_mem>>
      %dma_start3A_164 = arith.constant 0 : i32
      %dma_start3A_165 = arith.constant 0 : i32
      %dma_start3A_166 = tpu.memref_slice %arg16[%dma_start3A_164, %dma_start3A_165] : memref<1024x16xf32, #tpu.memory_space<vmem>> -> memref<784x16xf32, #tpu.memory_space<vmem>>
      %dma_start3A_167 = arith.constant 0 : i32
      %dma_start3A_168 = tpu.memref_slice %arg18[%add3A_17, %dma_start3A_167] : memref<50176x16xf32, #tpu.memory_space<vmem_shared>> -> memref<784x16xf32, #tpu.memory_space<vmem_shared>>
      %dma_start3A_169 = arith.constant 0 : i32
      %dma_start3A_170 = tpu.memref_slice %arg18[%add3A_17, %dma_start3A_169] : memref<50176x16xf32, #tpu.memory_space<vmem_shared>> -> memref<784x16xf32, #tpu.memory_space<vmem_shared>>
      %dma_start3A_171 = arith.constant 0 : i32
      %dma_start3A_172 = arith.constant 0 : i32
      %dma_start3A_173 = tpu.memref_slice %arg16[%dma_start3A_171, %dma_start3A_172] : memref<1024x16xf32, #tpu.memory_space<vmem>> -> memref<784x16xf32, #tpu.memory_space<vmem>>
      tpu.enqueue_dma source(%dma_start3A_173 : memref<784x16xf32, #tpu.memory_space<vmem>>) target(%dma_start3A_170 : memref<784x16xf32, #tpu.memory_space<vmem_shared>>) target_semaphore(%run_scoped3A : memref<!tpu.dma_semaphore, #tpu.memory_space<semaphore_mem>>)
      %dma_wait3A_174 = arith.constant 0 : i32
      %dma_wait3A_175 = arith.constant 0 : i32
      %dma_wait3A_176 = tpu.memref_slice %arg16[%dma_wait3A_174, %dma_wait3A_175] : memref<1024x16xf32, #tpu.memory_space<vmem>> -> memref<784x16xf32, #tpu.memory_space<vmem>>
      %dma_wait3A_177 = arith.constant 0 : i32
      %dma_wait3A_178 = tpu.memref_slice %arg18[%add3A_17, %dma_wait3A_177] : memref<50176x16xf32, #tpu.memory_space<vmem_shared>> -> memref<784x16xf32, #tpu.memory_space<vmem_shared>>
      %dma_wait3A_179 = arith.constant 0 : i32
      %dma_wait3A_180 = tpu.memref_slice %arg18[%add3A_17, %dma_wait3A_179] : memref<50176x16xf32, #tpu.memory_space<vmem_shared>> -> memref<784x16xf32, #tpu.memory_space<vmem_shared>>
      %dma_wait3A_181 = arith.constant 0 : i32
      %dma_wait3A_182 = arith.constant 0 : i32
      %dma_wait3A_183 = tpu.memref_slice %arg16[%dma_wait3A_181, %dma_wait3A_182] : memref<1024x16xf32, #tpu.memory_space<vmem>> -> memref<784x16xf32, #tpu.memory_space<vmem>>
      tpu.wait_dma2 semaphore(%run_scoped3A : memref<!tpu.dma_semaphore, #tpu.memory_space<semaphore_mem>>) src(%dma_wait3A_183 : memref<784x16xf32, #tpu.memory_space<vmem>>) dst(%dma_wait3A_180 : memref<784x16xf32, #tpu.memory_space<vmem_shared>>)
      tpu.yield
    }) : () -> ()
    %barrier3A = arith.constant 0 : index
    tpu.barrier barrier_id(%barrier3A)
    %iota3A = tpu.iota {dimensions = array<i32: 0>} : vector<16xi32>
    %mul3A_18 = arith.constant 25600 : i32
    %mul3A_19 = arith.muli %add3A, %mul3A_18 : i32
    %add3A_20 = arith.constant 0 : i32
    %add3A_21 = arith.addi %mul3A_19, %add3A_20 : i32
    %multiple_of3A = tpu.assume_multiple %add3A_21, 1024 : i32
    %jit3A = arith.constant 512 : i32
    %div3A = arith.divsi %multiple_of3A, %jit3A : i32
    %sign3A = arith.constant 0 : i32
    %sign3A_22 = arith.cmpi sgt, %multiple_of3A, %sign3A : i32
    %sign3A_23 = arith.extui %sign3A_22 : i1 to i32
    %sign3A_24 = arith.constant 0 : i32
    %sign3A_25 = arith.cmpi slt, %multiple_of3A, %sign3A_24 : i32
    %sign3A_26 = arith.extui %sign3A_25 : i1 to i32
    %sign3A_27 = arith.subi %sign3A_23, %sign3A_26 : i32
    %sign3A_28 = arith.constant 0 : i32
    %sign3A_29 = arith.cmpi sgt, %jit3A, %sign3A_28 : i32
    %sign3A_30 = arith.extui %sign3A_29 : i1 to i32
    %sign3A_31 = arith.constant 0 : i32
    %sign3A_32 = arith.cmpi slt, %jit3A, %sign3A_31 : i32
    %sign3A_33 = arith.extui %sign3A_32 : i1 to i32
    %sign3A_34 = arith.subi %sign3A_30, %sign3A_33 : i32
    %ne3A = arith.cmpi ne, %sign3A_27, %sign3A_34 : i32
    %rem3A = arith.remsi %multiple_of3A, %jit3A : i32
    %ne3A_35 = arith.constant 0 : i32
    %ne3A_36 = arith.cmpi ne, %rem3A, %ne3A_35 : i32
    %and3A = arith.andi %ne3A, %ne3A_36 : i1
    %sub3A = arith.constant 1 : i32
    %sub3A_37 = arith.subi %div3A, %sub3A : i32
    %select_n3A = arith.select %and3A, %sub3A_37, %div3A : i32
    %mul3A_38 = arith.constant 12 : i32
    %mul3A_39 = arith.muli %select_n3A, %mul3A_38 : i32
    %multiple_of3A_40 = tpu.assume_multiple %mul3A_39, 24 : i32
    %jit3A_41 = arith.constant 128 : i32
    %div3A_42 = arith.divsi %multiple_of3A, %jit3A_41 : i32
    %sign3A_43 = arith.constant 0 : i32
    %sign3A_44 = arith.cmpi sgt, %multiple_of3A, %sign3A_43 : i32
    %sign3A_45 = arith.extui %sign3A_44 : i1 to i32
    %sign3A_46 = arith.constant 0 : i32
    %sign3A_47 = arith.cmpi slt, %multiple_of3A, %sign3A_46 : i32
    %sign3A_48 = arith.extui %sign3A_47 : i1 to i32
    %sign3A_49 = arith.subi %sign3A_45, %sign3A_48 : i32
    %sign3A_50 = arith.constant 0 : i32
    %sign3A_51 = arith.cmpi sgt, %jit3A_41, %sign3A_50 : i32
    %sign3A_52 = arith.extui %sign3A_51 : i1 to i32
    %sign3A_53 = arith.constant 0 : i32
    %sign3A_54 = arith.cmpi slt, %jit3A_41, %sign3A_53 : i32
    %sign3A_55 = arith.extui %sign3A_54 : i1 to i32
    %sign3A_56 = arith.subi %sign3A_52, %sign3A_55 : i32
    %ne3A_57 = arith.cmpi ne, %sign3A_49, %sign3A_56 : i32
    %rem3A_58 = arith.remsi %multiple_of3A, %jit3A_41 : i32
    %ne3A_59 = arith.constant 0 : i32
    %ne3A_60 = arith.cmpi ne, %rem3A_58, %ne3A_59 : i32
    %and3A_61 = arith.andi %ne3A_57, %ne3A_60 : i1
    %sub3A_62 = arith.constant 1 : i32
    %sub3A_63 = arith.subi %div3A_42, %sub3A_62 : i32
    %select_n3A_64 = arith.select %and3A_61, %sub3A_63, %div3A_42 : i32
    %multiple_of3A_65 = tpu.assume_multiple %select_n3A_64, 8 : i32
    %dma_start3A = arith.constant 0 : i32
    %dma_start3A_66 = tpu.memref_slice %arg2[%multiple_of3A_40, %dma_start3A] : memref<19200x512xf32, #tpu.memory_space<hbm>> -> memref<24x512xf32, #tpu.memory_space<hbm>>
    %dma_start3A_67 = arith.constant 0 : i32
    %dma_start3A_68 = tpu.memref_slice %arg2[%multiple_of3A_40, %dma_start3A_67] : memref<19200x512xf32, #tpu.memory_space<hbm>> -> memref<24x512xf32, #tpu.memory_space<hbm>>
    tpu.enqueue_dma source(%dma_start3A_68 : memref<24x512xf32, #tpu.memory_space<hbm>>) target(%arg10 : memref<24x512xf32, #tpu.memory_space<vmem>>) target_semaphore(%arg19 : memref<!tpu.dma_semaphore, #tpu.memory_space<semaphore_mem>>)
    %dma_start3A_69 = arith.constant 0 : i32
    %dma_start3A_70 = tpu.memref_slice %arg3[%multiple_of3A_65, %dma_start3A_69] : memref<6400x128xi32, #tpu.memory_space<hbm>> -> memref<8x128xi32, #tpu.memory_space<hbm>>
    %dma_start3A_71 = arith.constant 0 : i32
    %dma_start3A_72 = tpu.memref_slice %arg3[%multiple_of3A_65, %dma_start3A_71] : memref<6400x128xi32, #tpu.memory_space<hbm>> -> memref<8x128xi32, #tpu.memory_space<hbm>>
    tpu.enqueue_dma source(%dma_start3A_72 : memref<8x128xi32, #tpu.memory_space<hbm>>) target(%arg12 : memref<8x128xi32, #tpu.memory_space<vmem>>) target_semaphore(%arg19 : memref<!tpu.dma_semaphore, #tpu.memory_space<semaphore_mem>>)
    %dma_start3A_73 = arith.constant 0 : i32
    %dma_start3A_74 = tpu.memref_slice %arg4[%multiple_of3A_65, %dma_start3A_73] : memref<6400x128xi32, #tpu.memory_space<hbm>> -> memref<8x128xi32, #tpu.memory_space<hbm>>
    %dma_start3A_75 = arith.constant 0 : i32
    %dma_start3A_76 = tpu.memref_slice %arg4[%multiple_of3A_65, %dma_start3A_75] : memref<6400x128xi32, #tpu.memory_space<hbm>> -> memref<8x128xi32, #tpu.memory_space<hbm>>
    tpu.enqueue_dma source(%dma_start3A_76 : memref<8x128xi32, #tpu.memory_space<hbm>>) target(%arg14 : memref<8x128xi32, #tpu.memory_space<vmem>>) target_semaphore(%arg19 : memref<!tpu.dma_semaphore, #tpu.memory_space<semaphore_mem>>)
    %scan3A_77 = arith.constant 0 : i32
    %scan3A_78 = arith.constant 0 : i32
    %scan3A_79 = arith.constant 25 : i32
    %scan3A_80 = arith.addi %scan3A_78, %scan3A_79 : i32
    %scan3A_81 = arith.constant 1 : i32
    %scan3A_82 = scf.for %scan3A_164 = %scan3A_78 to %scan3A_80 step %scan3A_81 iter_args(%scan3A_165 = %scan3A_77) -> (i32)  : i32 {
      %rem3A_166 = arith.constant 2 : i32
      %rem3A_167 = arith.remsi %scan3A_164, %rem3A_166 : i32
      %eq3A = arith.constant 0 : i32
      %eq3A_168 = arith.cmpi eq, %rem3A_167, %eq3A : i32
      %convert_element_type3A = arith.extui %eq3A_168 : i1 to i32
      %cond3A = arith.constant 0 : i32
      %cond3A_169 = arith.cmpi ne, %convert_element_type3A, %cond3A : i32
      scf.if %cond3A_169 {
        %dma_wait3A_178 = arith.constant 0 : i32
        %dma_wait3A_179 = arith.constant 0 : i32
        %dma_wait3A_180 = tpu.memref_slice %arg2[%dma_wait3A_178, %dma_wait3A_179] : memref<19200x512xf32, #tpu.memory_space<hbm>> -> memref<24x512xf32, #tpu.memory_space<hbm>>
        %dma_wait3A_181 = arith.constant 0 : i32
        %dma_wait3A_182 = arith.constant 0 : i32
        %dma_wait3A_183 = tpu.memref_slice %arg2[%dma_wait3A_181, %dma_wait3A_182] : memref<19200x512xf32, #tpu.memory_space<hbm>> -> memref<24x512xf32, #tpu.memory_space<hbm>>
        tpu.wait_dma2 semaphore(%arg19 : memref<!tpu.dma_semaphore, #tpu.memory_space<semaphore_mem>>) src(%dma_wait3A_183 : memref<24x512xf32, #tpu.memory_space<hbm>>) dst(%arg10 : memref<24x512xf32, #tpu.memory_space<vmem>>)
        %dma_wait3A_184 = arith.constant 0 : i32
        %dma_wait3A_185 = arith.constant 0 : i32
        %dma_wait3A_186 = tpu.memref_slice %arg3[%dma_wait3A_184, %dma_wait3A_185] : memref<6400x128xi32, #tpu.memory_space<hbm>> -> memref<8x128xi32, #tpu.memory_space<hbm>>
        %dma_wait3A_187 = arith.constant 0 : i32
        %dma_wait3A_188 = arith.constant 0 : i32
        %dma_wait3A_189 = tpu.memref_slice %arg3[%dma_wait3A_187, %dma_wait3A_188] : memref<6400x128xi32, #tpu.memory_space<hbm>> -> memref<8x128xi32, #tpu.memory_space<hbm>>
        tpu.wait_dma2 semaphore(%arg19 : memref<!tpu.dma_semaphore, #tpu.memory_space<semaphore_mem>>) src(%dma_wait3A_189 : memref<8x128xi32, #tpu.memory_space<hbm>>) dst(%arg12 : memref<8x128xi32, #tpu.memory_space<vmem>>)
        %dma_wait3A_190 = arith.constant 0 : i32
        %dma_wait3A_191 = arith.constant 0 : i32
        %dma_wait3A_192 = tpu.memref_slice %arg4[%dma_wait3A_190, %dma_wait3A_191] : memref<6400x128xi32, #tpu.memory_space<hbm>> -> memref<8x128xi32, #tpu.memory_space<hbm>>
        %dma_wait3A_193 = arith.constant 0 : i32
        %dma_wait3A_194 = arith.constant 0 : i32
        %dma_wait3A_195 = tpu.memref_slice %arg4[%dma_wait3A_193, %dma_wait3A_194] : memref<6400x128xi32, #tpu.memory_space<hbm>> -> memref<8x128xi32, #tpu.memory_space<hbm>>
        tpu.wait_dma2 semaphore(%arg19 : memref<!tpu.dma_semaphore, #tpu.memory_space<semaphore_mem>>) src(%dma_wait3A_195 : memref<8x128xi32, #tpu.memory_space<hbm>>) dst(%arg14 : memref<8x128xi32, #tpu.memory_space<vmem>>)
        %ge3A = arith.constant 1 : i32
        %ge3A_196 = arith.cmpi sge, %scan3A_164, %ge3A : i32
        %convert_element_type3A_197 = arith.extui %ge3A_196 : i1 to i32
        %cond3A_198 = arith.constant 0 : i32
        %cond3A_199 = arith.cmpi ne, %convert_element_type3A_197, %cond3A_198 : i32
        scf.if %cond3A_199 {
          %dma_wait3A_293 = arith.constant 0 : i32
          %dma_wait3A_294 = arith.constant 0 : i32
          %dma_wait3A_295 = arith.constant 0 : i32
          %dma_wait3A_296 = tpu.memref_slice %arg17[%dma_wait3A_294, %dma_wait3A_295] : memref<1024x16xf32, #tpu.memory_space<vmem>> -> memref<128x16xf32, #tpu.memory_space<vmem>>
          %dma_wait3A_297 = arith.constant 0 : i32
          %dma_wait3A_298 = tpu.memref_slice %arg13[%dma_wait3A_293, %dma_wait3A_297] : memref<8x128xi32, #tpu.memory_space<vmem>> -> memref<1x128xi32, #tpu.memory_space<vmem>>
          %dma_wait3A_299 = tpu.memref_squeeze %dma_wait3A_298 : memref<1x128xi32, #tpu.memory_space<vmem>> -> memref<128xi32, #tpu.memory_space<vmem>>
          %dma_wait3A_300 = arith.constant 0 : i32
          %dma_wait3A_301 = arith.constant 0 : i32
          %dma_wait3A_302 = tpu.memref_slice %arg18[%dma_wait3A_300, %dma_wait3A_301] : memref<50176x16xf32, #tpu.memory_space<vmem_shared>> -> memref<50176x16xf32, #tpu.memory_space<vmem_shared>>
          tpu.wait_indirect_dma semaphore(%arg22 : memref<!tpu.dma_semaphore, #tpu.memory_space<semaphore_mem>>) src(%dma_wait3A_296 : memref<128x16xf32, #tpu.memory_space<vmem>>) dst(%dma_wait3A_302 : memref<50176x16xf32, #tpu.memory_space<vmem_shared>>)
          %dma_wait3A_303 = arith.constant 1 : i32
          %dma_wait3A_304 = arith.constant 128 : i32
          %dma_wait3A_305 = arith.constant 0 : i32
          %dma_wait3A_306 = tpu.memref_slice %arg17[%dma_wait3A_304, %dma_wait3A_305] : memref<1024x16xf32, #tpu.memory_space<vmem>> -> memref<128x16xf32, #tpu.memory_space<vmem>>
          %dma_wait3A_307 = arith.constant 0 : i32
          %dma_wait3A_308 = tpu.memref_slice %arg13[%dma_wait3A_303, %dma_wait3A_307] : memref<8x128xi32, #tpu.memory_space<vmem>> -> memref<1x128xi32, #tpu.memory_space<vmem>>
          %dma_wait3A_309 = tpu.memref_squeeze %dma_wait3A_308 : memref<1x128xi32, #tpu.memory_space<vmem>> -> memref<128xi32, #tpu.memory_space<vmem>>
          %dma_wait3A_310 = arith.constant 0 : i32
          %dma_wait3A_311 = arith.constant 0 : i32
          %dma_wait3A_312 = tpu.memref_slice %arg18[%dma_wait3A_310, %dma_wait3A_311] : memref<50176x16xf32, #tpu.memory_space<vmem_shared>> -> memref<50176x16xf32, #tpu.memory_space<vmem_shared>>
          tpu.wait_indirect_dma semaphore(%arg22 : memref<!tpu.dma_semaphore, #tpu.memory_space<semaphore_mem>>) src(%dma_wait3A_306 : memref<128x16xf32, #tpu.memory_space<vmem>>) dst(%dma_wait3A_312 : memref<50176x16xf32, #tpu.memory_space<vmem_shared>>)
          %dma_wait3A_313 = arith.constant 2 : i32
          %dma_wait3A_314 = arith.constant 256 : i32
          %dma_wait3A_315 = arith.constant 0 : i32
          %dma_wait3A_316 = tpu.memref_slice %arg17[%dma_wait3A_314, %dma_wait3A_315] : memref<1024x16xf32, #tpu.memory_space<vmem>> -> memref<128x16xf32, #tpu.memory_space<vmem>>
          %dma_wait3A_317 = arith.constant 0 : i32
          %dma_wait3A_318 = tpu.memref_slice %arg13[%dma_wait3A_313, %dma_wait3A_317] : memref<8x128xi32, #tpu.memory_space<vmem>> -> memref<1x128xi32, #tpu.memory_space<vmem>>
          %dma_wait3A_319 = tpu.memref_squeeze %dma_wait3A_318 : memref<1x128xi32, #tpu.memory_space<vmem>> -> memref<128xi32, #tpu.memory_space<vmem>>
          %dma_wait3A_320 = arith.constant 0 : i32
          %dma_wait3A_321 = arith.constant 0 : i32
          %dma_wait3A_322 = tpu.memref_slice %arg18[%dma_wait3A_320, %dma_wait3A_321] : memref<50176x16xf32, #tpu.memory_space<vmem_shared>> -> memref<50176x16xf32, #tpu.memory_space<vmem_shared>>
          tpu.wait_indirect_dma semaphore(%arg22 : memref<!tpu.dma_semaphore, #tpu.memory_space<semaphore_mem>>) src(%dma_wait3A_316 : memref<128x16xf32, #tpu.memory_space<vmem>>) dst(%dma_wait3A_322 : memref<50176x16xf32, #tpu.memory_space<vmem_shared>>)
          %dma_wait3A_323 = arith.constant 3 : i32
          %dma_wait3A_324 = arith.constant 384 : i32
          %dma_wait3A_325 = arith.constant 0 : i32
          %dma_wait3A_326 = tpu.memref_slice %arg17[%dma_wait3A_324, %dma_wait3A_325] : memref<1024x16xf32, #tpu.memory_space<vmem>> -> memref<128x16xf32, #tpu.memory_space<vmem>>
          %dma_wait3A_327 = arith.constant 0 : i32
          %dma_wait3A_328 = tpu.memref_slice %arg13[%dma_wait3A_323, %dma_wait3A_327] : memref<8x128xi32, #tpu.memory_space<vmem>> -> memref<1x128xi32, #tpu.memory_space<vmem>>
          %dma_wait3A_329 = tpu.memref_squeeze %dma_wait3A_328 : memref<1x128xi32, #tpu.memory_space<vmem>> -> memref<128xi32, #tpu.memory_space<vmem>>
          %dma_wait3A_330 = arith.constant 0 : i32
          %dma_wait3A_331 = arith.constant 0 : i32
          %dma_wait3A_332 = tpu.memref_slice %arg18[%dma_wait3A_330, %dma_wait3A_331] : memref<50176x16xf32, #tpu.memory_space<vmem_shared>> -> memref<50176x16xf32, #tpu.memory_space<vmem_shared>>
          tpu.wait_indirect_dma semaphore(%arg22 : memref<!tpu.dma_semaphore, #tpu.memory_space<semaphore_mem>>) src(%dma_wait3A_326 : memref<128x16xf32, #tpu.memory_space<vmem>>) dst(%dma_wait3A_332 : memref<50176x16xf32, #tpu.memory_space<vmem_shared>>)
          %dma_wait3A_333 = arith.constant 4 : i32
          %dma_wait3A_334 = arith.constant 512 : i32
          %dma_wait3A_335 = arith.constant 0 : i32
          %dma_wait3A_336 = tpu.memref_slice %arg17[%dma_wait3A_334, %dma_wait3A_335] : memref<1024x16xf32, #tpu.memory_space<vmem>> -> memref<128x16xf32, #tpu.memory_space<vmem>>
          %dma_wait3A_337 = arith.constant 0 : i32
          %dma_wait3A_338 = tpu.memref_slice %arg13[%dma_wait3A_333, %dma_wait3A_337] : memref<8x128xi32, #tpu.memory_space<vmem>> -> memref<1x128xi32, #tpu.memory_space<vmem>>
          %dma_wait3A_339 = tpu.memref_squeeze %dma_wait3A_338 : memref<1x128xi32, #tpu.memory_space<vmem>> -> memref<128xi32, #tpu.memory_space<vmem>>
          %dma_wait3A_340 = arith.constant 0 : i32
          %dma_wait3A_341 = arith.constant 0 : i32
          %dma_wait3A_342 = tpu.memref_slice %arg18[%dma_wait3A_340, %dma_wait3A_341] : memref<50176x16xf32, #tpu.memory_space<vmem_shared>> -> memref<50176x16xf32, #tpu.memory_space<vmem_shared>>
          tpu.wait_indirect_dma semaphore(%arg22 : memref<!tpu.dma_semaphore, #tpu.memory_space<semaphore_mem>>) src(%dma_wait3A_336 : memref<128x16xf32, #tpu.memory_space<vmem>>) dst(%dma_wait3A_342 : memref<50176x16xf32, #tpu.memory_space<vmem_shared>>)
          %dma_wait3A_343 = arith.constant 5 : i32
          %dma_wait3A_344 = arith.constant 640 : i32
          %dma_wait3A_345 = arith.constant 0 : i32
          %dma_wait3A_346 = tpu.memref_slice %arg17[%dma_wait3A_344, %dma_wait3A_345] : memref<1024x16xf32, #tpu.memory_space<vmem>> -> memref<128x16xf32, #tpu.memory_space<vmem>>
          %dma_wait3A_347 = arith.constant 0 : i32
          %dma_wait3A_348 = tpu.memref_slice %arg13[%dma_wait3A_343, %dma_wait3A_347] : memref<8x128xi32, #tpu.memory_space<vmem>> -> memref<1x128xi32, #tpu.memory_space<vmem>>
          %dma_wait3A_349 = tpu.memref_squeeze %dma_wait3A_348 : memref<1x128xi32, #tpu.memory_space<vmem>> -> memref<128xi32, #tpu.memory_space<vmem>>
          %dma_wait3A_350 = arith.constant 0 : i32
          %dma_wait3A_351 = arith.constant 0 : i32
          %dma_wait3A_352 = tpu.memref_slice %arg18[%dma_wait3A_350, %dma_wait3A_351] : memref<50176x16xf32, #tpu.memory_space<vmem_shared>> -> memref<50176x16xf32, #tpu.memory_space<vmem_shared>>
          tpu.wait_indirect_dma semaphore(%arg22 : memref<!tpu.dma_semaphore, #tpu.memory_space<semaphore_mem>>) src(%dma_wait3A_346 : memref<128x16xf32, #tpu.memory_space<vmem>>) dst(%dma_wait3A_352 : memref<50176x16xf32, #tpu.memory_space<vmem_shared>>)
          %dma_wait3A_353 = arith.constant 6 : i32
          %dma_wait3A_354 = arith.constant 768 : i32
          %dma_wait3A_355 = arith.constant 0 : i32
          %dma_wait3A_356 = tpu.memref_slice %arg17[%dma_wait3A_354, %dma_wait3A_355] : memref<1024x16xf32, #tpu.memory_space<vmem>> -> memref<128x16xf32, #tpu.memory_space<vmem>>
          %dma_wait3A_357 = arith.constant 0 : i32
          %dma_wait3A_358 = tpu.memref_slice %arg13[%dma_wait3A_353, %dma_wait3A_357] : memref<8x128xi32, #tpu.memory_space<vmem>> -> memref<1x128xi32, #tpu.memory_space<vmem>>
          %dma_wait3A_359 = tpu.memref_squeeze %dma_wait3A_358 : memref<1x128xi32, #tpu.memory_space<vmem>> -> memref<128xi32, #tpu.memory_space<vmem>>
          %dma_wait3A_360 = arith.constant 0 : i32
          %dma_wait3A_361 = arith.constant 0 : i32
          %dma_wait3A_362 = tpu.memref_slice %arg18[%dma_wait3A_360, %dma_wait3A_361] : memref<50176x16xf32, #tpu.memory_space<vmem_shared>> -> memref<50176x16xf32, #tpu.memory_space<vmem_shared>>
          tpu.wait_indirect_dma semaphore(%arg22 : memref<!tpu.dma_semaphore, #tpu.memory_space<semaphore_mem>>) src(%dma_wait3A_356 : memref<128x16xf32, #tpu.memory_space<vmem>>) dst(%dma_wait3A_362 : memref<50176x16xf32, #tpu.memory_space<vmem_shared>>)
          %dma_wait3A_363 = arith.constant 7 : i32
          %dma_wait3A_364 = arith.constant 896 : i32
          %dma_wait3A_365 = arith.constant 0 : i32
          %dma_wait3A_366 = tpu.memref_slice %arg17[%dma_wait3A_364, %dma_wait3A_365] : memref<1024x16xf32, #tpu.memory_space<vmem>> -> memref<128x16xf32, #tpu.memory_space<vmem>>
          %dma_wait3A_367 = arith.constant 0 : i32
          %dma_wait3A_368 = tpu.memref_slice %arg13[%dma_wait3A_363, %dma_wait3A_367] : memref<8x128xi32, #tpu.memory_space<vmem>> -> memref<1x128xi32, #tpu.memory_space<vmem>>
          %dma_wait3A_369 = tpu.memref_squeeze %dma_wait3A_368 : memref<1x128xi32, #tpu.memory_space<vmem>> -> memref<128xi32, #tpu.memory_space<vmem>>
          %dma_wait3A_370 = arith.constant 0 : i32
          %dma_wait3A_371 = arith.constant 0 : i32
          %dma_wait3A_372 = tpu.memref_slice %arg18[%dma_wait3A_370, %dma_wait3A_371] : memref<50176x16xf32, #tpu.memory_space<vmem_shared>> -> memref<50176x16xf32, #tpu.memory_space<vmem_shared>>
          tpu.wait_indirect_dma semaphore(%arg22 : memref<!tpu.dma_semaphore, #tpu.memory_space<semaphore_mem>>) src(%dma_wait3A_366 : memref<128x16xf32, #tpu.memory_space<vmem>>) dst(%dma_wait3A_372 : memref<50176x16xf32, #tpu.memory_space<vmem_shared>>)
        } else {
        }
        %add3A_200 = arith.constant 1 : i32
        %add3A_201 = arith.addi %scan3A_164, %add3A_200 : i32
        %lt3A = arith.constant 25 : i32
        %lt3A_202 = arith.cmpi slt, %add3A_201, %lt3A : i32
        %convert_element_type3A_203 = arith.extui %lt3A_202 : i1 to i32
        %cond3A_204 = arith.constant 0 : i32
        %cond3A_205 = arith.cmpi ne, %convert_element_type3A_203, %cond3A_204 : i32
        scf.if %cond3A_205 {
          %add3A_293 = arith.constant 1 : i32
          %add3A_294 = arith.addi %scan3A_164, %add3A_293 : i32
          %mul3A_295 = arith.constant 25600 : i32
          %mul3A_296 = arith.muli %add3A, %mul3A_295 : i32
          %mul3A_297 = arith.constant 1024 : i32
          %mul3A_298 = arith.muli %add3A_294, %mul3A_297 : i32
          %add3A_299 = arith.addi %mul3A_296, %mul3A_298 : i32
          %multiple_of3A_300 = tpu.assume_multiple %add3A_299, 1024 : i32
          %jit3A_301 = arith.constant 512 : i32
          %div3A_302 = arith.divsi %multiple_of3A_300, %jit3A_301 : i32
          %sign3A_303 = arith.constant 0 : i32
          %sign3A_304 = arith.cmpi sgt, %multiple_of3A_300, %sign3A_303 : i32
          %sign3A_305 = arith.extui %sign3A_304 : i1 to i32
          %sign3A_306 = arith.constant 0 : i32
          %sign3A_307 = arith.cmpi slt, %multiple_of3A_300, %sign3A_306 : i32
          %sign3A_308 = arith.extui %sign3A_307 : i1 to i32
          %sign3A_309 = arith.subi %sign3A_305, %sign3A_308 : i32
          %sign3A_310 = arith.constant 0 : i32
          %sign3A_311 = arith.cmpi sgt, %jit3A_301, %sign3A_310 : i32
          %sign3A_312 = arith.extui %sign3A_311 : i1 to i32
          %sign3A_313 = arith.constant 0 : i32
          %sign3A_314 = arith.cmpi slt, %jit3A_301, %sign3A_313 : i32
          %sign3A_315 = arith.extui %sign3A_314 : i1 to i32
          %sign3A_316 = arith.subi %sign3A_312, %sign3A_315 : i32
          %ne3A_317 = arith.cmpi ne, %sign3A_309, %sign3A_316 : i32
          %rem3A_318 = arith.remsi %multiple_of3A_300, %jit3A_301 : i32
          %ne3A_319 = arith.constant 0 : i32
          %ne3A_320 = arith.cmpi ne, %rem3A_318, %ne3A_319 : i32
          %and3A_321 = arith.andi %ne3A_317, %ne3A_320 : i1
          %sub3A_322 = arith.constant 1 : i32
          %sub3A_323 = arith.subi %div3A_302, %sub3A_322 : i32
          %select_n3A_324 = arith.select %and3A_321, %sub3A_323, %div3A_302 : i32
          %mul3A_325 = arith.constant 12 : i32
          %mul3A_326 = arith.muli %select_n3A_324, %mul3A_325 : i32
          %multiple_of3A_327 = tpu.assume_multiple %mul3A_326, 24 : i32
          %jit3A_328 = arith.constant 128 : i32
          %div3A_329 = arith.divsi %multiple_of3A_300, %jit3A_328 : i32
          %sign3A_330 = arith.constant 0 : i32
          %sign3A_331 = arith.cmpi sgt, %multiple_of3A_300, %sign3A_330 : i32
          %sign3A_332 = arith.extui %sign3A_331 : i1 to i32
          %sign3A_333 = arith.constant 0 : i32
          %sign3A_334 = arith.cmpi slt, %multiple_of3A_300, %sign3A_333 : i32
          %sign3A_335 = arith.extui %sign3A_334 : i1 to i32
          %sign3A_336 = arith.subi %sign3A_332, %sign3A_335 : i32
          %sign3A_337 = arith.constant 0 : i32
          %sign3A_338 = arith.cmpi sgt, %jit3A_328, %sign3A_337 : i32
          %sign3A_339 = arith.extui %sign3A_338 : i1 to i32
          %sign3A_340 = arith.constant 0 : i32
          %sign3A_341 = arith.cmpi slt, %jit3A_328, %sign3A_340 : i32
          %sign3A_342 = arith.extui %sign3A_341 : i1 to i32
          %sign3A_343 = arith.subi %sign3A_339, %sign3A_342 : i32
          %ne3A_344 = arith.cmpi ne, %sign3A_336, %sign3A_343 : i32
          %rem3A_345 = arith.remsi %multiple_of3A_300, %jit3A_328 : i32
          %ne3A_346 = arith.constant 0 : i32
          %ne3A_347 = arith.cmpi ne, %rem3A_345, %ne3A_346 : i32
          %and3A_348 = arith.andi %ne3A_344, %ne3A_347 : i1
          %sub3A_349 = arith.constant 1 : i32
          %sub3A_350 = arith.subi %div3A_329, %sub3A_349 : i32
          %select_n3A_351 = arith.select %and3A_348, %sub3A_350, %div3A_329 : i32
          %multiple_of3A_352 = tpu.assume_multiple %select_n3A_351, 8 : i32
          %dma_start3A_353 = arith.constant 0 : i32
          %dma_start3A_354 = tpu.memref_slice %arg2[%multiple_of3A_327, %dma_start3A_353] : memref<19200x512xf32, #tpu.memory_space<hbm>> -> memref<24x512xf32, #tpu.memory_space<hbm>>
          %dma_start3A_355 = arith.constant 0 : i32
          %dma_start3A_356 = tpu.memref_slice %arg2[%multiple_of3A_327, %dma_start3A_355] : memref<19200x512xf32, #tpu.memory_space<hbm>> -> memref<24x512xf32, #tpu.memory_space<hbm>>
          tpu.enqueue_dma source(%dma_start3A_356 : memref<24x512xf32, #tpu.memory_space<hbm>>) target(%arg11 : memref<24x512xf32, #tpu.memory_space<vmem>>) target_semaphore(%arg20 : memref<!tpu.dma_semaphore, #tpu.memory_space<semaphore_mem>>)
          %dma_start3A_357 = arith.constant 0 : i32
          %dma_start3A_358 = tpu.memref_slice %arg3[%multiple_of3A_352, %dma_start3A_357] : memref<6400x128xi32, #tpu.memory_space<hbm>> -> memref<8x128xi32, #tpu.memory_space<hbm>>
          %dma_start3A_359 = arith.constant 0 : i32
          %dma_start3A_360 = tpu.memref_slice %arg3[%multiple_of3A_352, %dma_start3A_359] : memref<6400x128xi32, #tpu.memory_space<hbm>> -> memref<8x128xi32, #tpu.memory_space<hbm>>
          tpu.enqueue_dma source(%dma_start3A_360 : memref<8x128xi32, #tpu.memory_space<hbm>>) target(%arg13 : memref<8x128xi32, #tpu.memory_space<vmem>>) target_semaphore(%arg20 : memref<!tpu.dma_semaphore, #tpu.memory_space<semaphore_mem>>)
          %dma_start3A_361 = arith.constant 0 : i32
          %dma_start3A_362 = tpu.memref_slice %arg4[%multiple_of3A_352, %dma_start3A_361] : memref<6400x128xi32, #tpu.memory_space<hbm>> -> memref<8x128xi32, #tpu.memory_space<hbm>>
          %dma_start3A_363 = arith.constant 0 : i32
          %dma_start3A_364 = tpu.memref_slice %arg4[%multiple_of3A_352, %dma_start3A_363] : memref<6400x128xi32, #tpu.memory_space<hbm>> -> memref<8x128xi32, #tpu.memory_space<hbm>>
          tpu.enqueue_dma source(%dma_start3A_364 : memref<8x128xi32, #tpu.memory_space<hbm>>) target(%arg15 : memref<8x128xi32, #tpu.memory_space<vmem>>) target_semaphore(%arg20 : memref<!tpu.dma_semaphore, #tpu.memory_space<semaphore_mem>>)
        } else {
        }
        %scan3A_206 = arith.constant 0 : i32
        %scan3A_207 = arith.constant 0 : i32
        %scan3A_208 = arith.constant 2 : i32
        %scan3A_209 = arith.addi %scan3A_207, %scan3A_208 : i32
        %scan3A_210 = arith.constant 1 : i32
        %scan3A_211 = scf.for %scan3A_293 = %scan3A_207 to %scan3A_209 step %scan3A_210 iter_args(%scan3A_294 = %scan3A_206) -> (i32)  : i32 {
          %scan3A_295 = arith.constant 0 : i32
          %scan3A_296 = arith.constant 0 : i32
          %scan3A_297 = arith.constant 4 : i32
          %scan3A_298 = arith.addi %scan3A_296, %scan3A_297 : i32
          %scan3A_299 = arith.constant 1 : i32
          %scan3A_300 = scf.for %scan3A_303 = %scan3A_296 to %scan3A_298 step %scan3A_299 iter_args(%scan3A_304 = %scan3A_295) -> (i32)  : i32 {
            %scan3A_305 = arith.constant 0 : i32
            %scan3A_306 = arith.constant 0 : i32
            %scan3A_307 = arith.constant 8 : i32
            %scan3A_308 = arith.addi %scan3A_306, %scan3A_307 : i32
            %scan3A_309 = arith.constant 1 : i32
            %scan3A_310 = scf.for %scan3A_313 = %scan3A_306 to %scan3A_308 step %scan3A_309 iter_args(%scan3A_314 = %scan3A_305) -> (i32)  : i32 {
              %mul3A_315 = arith.constant 128 : i32
              %mul3A_316 = arith.muli %scan3A_303, %mul3A_315 : i32
              %mul3A_317 = arith.constant 16 : i32
              %mul3A_318 = arith.muli %scan3A_313, %mul3A_317 : i32
              %add3A_319 = arith.addi %mul3A_316, %mul3A_318 : i32
              %mul3A_320 = arith.constant 4 : i32
              %mul3A_321 = arith.muli %scan3A_293, %mul3A_320 : i32
              %add3A_322 = arith.addi %mul3A_321, %scan3A_303 : i32
              %mul3A_323 = arith.constant 16 : i32
              %mul3A_324 = arith.muli %scan3A_313, %mul3A_323 : i32
              %mul3A_325 = arith.constant 512 : i32
              %mul3A_326 = arith.muli %scan3A_293, %mul3A_325 : i32
              %add3A_327 = arith.addi %mul3A_326, %add3A_319 : i32
              %get3A = arith.index_cast %add3A_322 : i32 to index
              %get3A_328 = arith.index_cast %mul3A_324 : i32 to index
              %get3A_329 = tpu.vector_load %arg14[%get3A, %get3A_328] {strides = array<i32>} : memref<8x128xi32, #tpu.memory_space<vmem>>, vector<16xi32>,
              %get3A_330 = arith.index_cast %add3A_322 : i32 to index
              %get3A_331 = arith.index_cast %mul3A_324 : i32 to index
              %get3A_332 = tpu.vector_load %arg12[%get3A_330, %get3A_331] {strides = array<i32>} : memref<8x128xi32, #tpu.memory_space<vmem>>, vector<16xi32>,
              %shift_right_logical3A = arith.constant 2 : i32
              %shift_right_logical3A_333 = vector.broadcast %shift_right_logical3A : i32 to vector<16xi32>
              %shift_right_logical3A_334 = arith.shrui %get3A_329, %shift_right_logical3A_333 : vector<16xi32>
              %gather3A = tpu.vector_load_idx %arg8[%shift_right_logical3A_334] : memref<12544xi32, #tpu.memory_space<vmem>>[vector<16xi32>], vector<16xi32>,
              %shift_right_logical3A_335 = arith.constant 2 : i32
              %shift_right_logical3A_336 = vector.broadcast %shift_right_logical3A_335 : i32 to vector<16xi32>
              %shift_right_logical3A_337 = arith.shrui %get3A_332, %shift_right_logical3A_336 : vector<16xi32>
              %gather3A_338 = tpu.vector_load_idx %arg8[%shift_right_logical3A_337] : memref<12544xi32, #tpu.memory_space<vmem>>[vector<16xi32>], vector<16xi32>,
              %and3A_339 = arith.constant 3 : i32
              %and3A_340 = vector.broadcast %and3A_339 : i32 to vector<16xi32>
              %and3A_341 = arith.andi %get3A_329, %and3A_340 : vector<16xi32>
              %shift_left3A = arith.constant 3 : i32
              %shift_left3A_342 = vector.broadcast %shift_left3A : i32 to vector<16xi32>
              %shift_left3A_343 = arith.shli %and3A_341, %shift_left3A_342 : vector<16xi32>
              %shift_right_logical3A_344 = arith.shrui %gather3A, %shift_left3A_343 : vector<16xi32>
              %and3A_345 = arith.constant 7 : i32
              %and3A_346 = vector.broadcast %and3A_345 : i32 to vector<16xi32>
              %and3A_347 = arith.andi %shift_right_logical3A_344, %and3A_346 : vector<16xi32>
              %and3A_348 = arith.constant 3 : i32
              %and3A_349 = vector.broadcast %and3A_348 : i32 to vector<16xi32>
              %and3A_350 = arith.andi %get3A_332, %and3A_349 : vector<16xi32>
              %shift_left3A_351 = arith.constant 3 : i32
              %shift_left3A_352 = vector.broadcast %shift_left3A_351 : i32 to vector<16xi32>
              %shift_left3A_353 = arith.shli %and3A_350, %shift_left3A_352 : vector<16xi32>
              %shift_right_logical3A_354 = arith.shrui %gather3A_338, %shift_left3A_353 : vector<16xi32>
              %and3A_355 = arith.constant 7 : i32
              %and3A_356 = vector.broadcast %and3A_355 : i32 to vector<16xi32>
              %and3A_357 = arith.andi %shift_right_logical3A_354, %and3A_356 : vector<16xi32>
              %mul3A_358 = arith.constant 5 : i32
              %mul3A_359 = vector.broadcast %mul3A_358 : i32 to vector<16xi32>
              %mul3A_360 = arith.muli %and3A_347, %mul3A_359 : vector<16xi32>
              %add3A_361 = arith.addi %mul3A_360, %and3A_357 : vector<16xi32>
              %mul3A_362 = arith.constant 24 : i32
              %mul3A_363 = vector.broadcast %mul3A_362 : i32 to vector<16xi32>
              %mul3A_364 = arith.muli %add3A_361, %mul3A_363 : vector<16xi32>
              %mul3A_365 = arith.constant 12 : i32
              %mul3A_366 = arith.muli %scan3A_293, %mul3A_365 : i32
              %add3A_367 = arith.constant 0 : i32
              %add3A_368 = arith.addi %mul3A_366, %add3A_367 : i32
              %get3A_369 = arith.index_cast %add3A_368 : i32 to index
              %get3A_370 = arith.index_cast %add3A_319 : i32 to index
              %get3A_371 = tpu.vector_load %arg10[%get3A_369, %get3A_370] {strides = array<i32>} : memref<24x512xf32, #tpu.memory_space<vmem>>, vector<16xf32>,
              %add3A_372 = arith.constant 1 : i32
              %add3A_373 = arith.addi %mul3A_366, %add3A_372 : i32
              %get3A_374 = arith.index_cast %add3A_373 : i32 to index
              %get3A_375 = arith.index_cast %add3A_319 : i32 to index
              %get3A_376 = tpu.vector_load %arg10[%get3A_374, %get3A_375] {strides = array<i32>} : memref<24x512xf32, #tpu.memory_space<vmem>>, vector<16xf32>,
              %add3A_377 = arith.constant 2 : i32
              %add3A_378 = arith.addi %mul3A_366, %add3A_377 : i32
              %get3A_379 = arith.index_cast %add3A_378 : i32 to index
              %get3A_380 = arith.index_cast %add3A_319 : i32 to index
              %get3A_381 = tpu.vector_load %arg10[%get3A_379, %get3A_380] {strides = array<i32>} : memref<24x512xf32, #tpu.memory_space<vmem>>, vector<16xf32>,
              %add3A_382 = arith.constant 3 : i32
              %add3A_383 = arith.addi %mul3A_366, %add3A_382 : i32
              %get3A_384 = arith.index_cast %add3A_383 : i32 to index
              %get3A_385 = arith.index_cast %add3A_319 : i32 to index
              %get3A_386 = tpu.vector_load %arg10[%get3A_384, %get3A_385] {strides = array<i32>} : memref<24x512xf32, #tpu.memory_space<vmem>>, vector<16xf32>,
              %add3A_387 = arith.constant 4 : i32
              %add3A_388 = arith.addi %mul3A_366, %add3A_387 : i32
              %get3A_389 = arith.index_cast %add3A_388 : i32 to index
              %get3A_390 = arith.index_cast %add3A_319 : i32 to index
              %get3A_391 = tpu.vector_load %arg10[%get3A_389, %get3A_390] {strides = array<i32>} : memref<24x512xf32, #tpu.memory_space<vmem>>, vector<16xf32>,
              %add3A_392 = arith.constant 5 : i32
              %add3A_393 = arith.addi %mul3A_366, %add3A_392 : i32
              %get3A_394 = arith.index_cast %add3A_393 : i32 to index
              %get3A_395 = arith.index_cast %add3A_319 : i32 to index
              %get3A_396 = tpu.vector_load %arg10[%get3A_394, %get3A_395] {strides = array<i32>} : memref<24x512xf32, #tpu.memory_space<vmem>>, vector<16xf32>,
              %add3A_397 = arith.constant 6 : i32
              %add3A_398 = arith.addi %mul3A_366, %add3A_397 : i32
              %get3A_399 = arith.index_cast %add3A_398 : i32 to index
              %get3A_400 = arith.index_cast %add3A_319 : i32 to index
              %get3A_401 = tpu.vector_load %arg10[%get3A_399, %get3A_400] {strides = array<i32>} : memref<24x512xf32, #tpu.memory_space<vmem>>, vector<16xf32>,
              %add3A_402 = arith.constant 7 : i32
              %add3A_403 = arith.addi %mul3A_366, %add3A_402 : i32
              %get3A_404 = arith.index_cast %add3A_403 : i32 to index
              %get3A_405 = arith.index_cast %add3A_319 : i32 to index
              %get3A_406 = tpu.vector_load %arg10[%get3A_404, %get3A_405] {strides = array<i32>} : memref<24x512xf32, #tpu.memory_space<vmem>>, vector<16xf32>,
              %add3A_407 = arith.constant 0 : i32
              %add3A_408 = vector.broadcast %add3A_407 : i32 to vector<16xi32>
              %add3A_409 = arith.addi %mul3A_364, %add3A_408 : vector<16xi32>
              %gather3A_410 = tpu.vector_load_idx %arg9[%add3A_409] : memref<640xf32, #tpu.memory_space<vmem>>[vector<16xi32>], vector<16xf32>,
              %mul3A_411 = arith.mulf %get3A_371, %gather3A_410 : vector<16xf32>
              %add3A_412 = arith.constant 1 : i32
              %add3A_413 = vector.broadcast %add3A_412 : i32 to vector<16xi32>
              %add3A_414 = arith.addi %mul3A_364, %add3A_413 : vector<16xi32>
              %gather3A_415 = tpu.vector_load_idx %arg9[%add3A_414] : memref<640xf32, #tpu.memory_space<vmem>>[vector<16xi32>], vector<16xf32>,
              %mul3A_416 = arith.mulf %get3A_376, %gather3A_415 : vector<16xf32>
              %add3A_417 = arith.addf %mul3A_411, %mul3A_416 : vector<16xf32>
              %add3A_418 = arith.constant 2 : i32
              %add3A_419 = vector.broadcast %add3A_418 : i32 to vector<16xi32>
              %add3A_420 = arith.addi %mul3A_364, %add3A_419 : vector<16xi32>
              %gather3A_421 = tpu.vector_load_idx %arg9[%add3A_420] : memref<640xf32, #tpu.memory_space<vmem>>[vector<16xi32>], vector<16xf32>,
              %mul3A_422 = arith.mulf %get3A_381, %gather3A_421 : vector<16xf32>
              %add3A_423 = arith.addf %add3A_417, %mul3A_422 : vector<16xf32>
              %add3A_424 = arith.constant 3 : i32
              %add3A_425 = vector.broadcast %add3A_424 : i32 to vector<16xi32>
              %add3A_426 = arith.addi %mul3A_364, %add3A_425 : vector<16xi32>
              %gather3A_427 = tpu.vector_load_idx %arg9[%add3A_426] : memref<640xf32, #tpu.memory_space<vmem>>[vector<16xi32>], vector<16xf32>,
              %mul3A_428 = arith.mulf %get3A_386, %gather3A_427 : vector<16xf32>
              %add3A_429 = arith.addf %add3A_423, %mul3A_428 : vector<16xf32>
              %add3A_430 = arith.constant 4 : i32
              %add3A_431 = vector.broadcast %add3A_430 : i32 to vector<16xi32>
              %add3A_432 = arith.addi %mul3A_364, %add3A_431 : vector<16xi32>
              %gather3A_433 = tpu.vector_load_idx %arg9[%add3A_432] : memref<640xf32, #tpu.memory_space<vmem>>[vector<16xi32>], vector<16xf32>,
              %mul3A_434 = arith.mulf %get3A_391, %gather3A_433 : vector<16xf32>
              %add3A_435 = arith.addf %add3A_429, %mul3A_434 : vector<16xf32>
              %add3A_436 = arith.constant 5 : i32
              %add3A_437 = vector.broadcast %add3A_436 : i32 to vector<16xi32>
              %add3A_438 = arith.addi %mul3A_364, %add3A_437 : vector<16xi32>
              %gather3A_439 = tpu.vector_load_idx %arg9[%add3A_438] : memref<640xf32, #tpu.memory_space<vmem>>[vector<16xi32>], vector<16xf32>,
              %mul3A_440 = arith.mulf %get3A_396, %gather3A_439 : vector<16xf32>
              %add3A_441 = arith.addf %add3A_435, %mul3A_440 : vector<16xf32>
              %add3A_442 = arith.constant 6 : i32
              %add3A_443 = vector.broadcast %add3A_442 : i32 to vector<16xi32>
              %add3A_444 = arith.addi %mul3A_364, %add3A_443 : vector<16xi32>
              %gather3A_445 = tpu.vector_load_idx %arg9[%add3A_444] : memref<640xf32, #tpu.memory_space<vmem>>[vector<16xi32>], vector<16xf32>,
              %mul3A_446 = arith.mulf %get3A_401, %gather3A_445 : vector<16xf32>
              %add3A_447 = arith.addf %add3A_441, %mul3A_446 : vector<16xf32>
              %add3A_448 = arith.constant 7 : i32
              %add3A_449 = vector.broadcast %add3A_448 : i32 to vector<16xi32>
              %add3A_450 = arith.addi %mul3A_364, %add3A_449 : vector<16xi32>
              %gather3A_451 = tpu.vector_load_idx %arg9[%add3A_450] : memref<640xf32, #tpu.memory_space<vmem>>[vector<16xi32>], vector<16xf32>,
              %mul3A_452 = arith.mulf %get3A_406, %gather3A_451 : vector<16xf32>
              %add3A_453 = arith.addf %add3A_447, %mul3A_452 : vector<16xf32>
              %add3A_454 = arith.constant 8 : i32
              %add3A_455 = vector.broadcast %add3A_454 : i32 to vector<16xi32>
              %add3A_456 = arith.addi %mul3A_364, %add3A_455 : vector<16xi32>
              %gather3A_457 = tpu.vector_load_idx %arg9[%add3A_456] : memref<640xf32, #tpu.memory_space<vmem>>[vector<16xi32>], vector<16xf32>,
              %mul3A_458 = arith.mulf %get3A_371, %gather3A_457 : vector<16xf32>
              %add3A_459 = arith.constant 9 : i32
              %add3A_460 = vector.broadcast %add3A_459 : i32 to vector<16xi32>
              %add3A_461 = arith.addi %mul3A_364, %add3A_460 : vector<16xi32>
              %gather3A_462 = tpu.vector_load_idx %arg9[%add3A_461] : memref<640xf32, #tpu.memory_space<vmem>>[vector<16xi32>], vector<16xf32>,
              %mul3A_463 = arith.mulf %get3A_376, %gather3A_462 : vector<16xf32>
              %add3A_464 = arith.addf %mul3A_458, %mul3A_463 : vector<16xf32>
              %add3A_465 = arith.constant 10 : i32
              %add3A_466 = vector.broadcast %add3A_465 : i32 to vector<16xi32>
              %add3A_467 = arith.addi %mul3A_364, %add3A_466 : vector<16xi32>
              %gather3A_468 = tpu.vector_load_idx %arg9[%add3A_467] : memref<640xf32, #tpu.memory_space<vmem>>[vector<16xi32>], vector<16xf32>,
              %mul3A_469 = arith.mulf %get3A_381, %gather3A_468 : vector<16xf32>
              %add3A_470 = arith.addf %add3A_464, %mul3A_469 : vector<16xf32>
              %add3A_471 = arith.constant 11 : i32
              %add3A_472 = vector.broadcast %add3A_471 : i32 to vector<16xi32>
              %add3A_473 = arith.addi %mul3A_364, %add3A_472 : vector<16xi32>
              %gather3A_474 = tpu.vector_load_idx %arg9[%add3A_473] : memref<640xf32, #tpu.memory_space<vmem>>[vector<16xi32>], vector<16xf32>,
              %mul3A_475 = arith.mulf %get3A_386, %gather3A_474 : vector<16xf32>
              %add3A_476 = arith.addf %add3A_470, %mul3A_475 : vector<16xf32>
              %add3A_477 = arith.constant 12 : i32
              %add3A_478 = vector.broadcast %add3A_477 : i32 to vector<16xi32>
              %add3A_479 = arith.addi %mul3A_364, %add3A_478 : vector<16xi32>
              %gather3A_480 = tpu.vector_load_idx %arg9[%add3A_479] : memref<640xf32, #tpu.memory_space<vmem>>[vector<16xi32>], vector<16xf32>,
              %mul3A_481 = arith.mulf %get3A_391, %gather3A_480 : vector<16xf32>
              %add3A_482 = arith.addf %add3A_476, %mul3A_481 : vector<16xf32>
              %add3A_483 = arith.constant 13 : i32
              %add3A_484 = vector.broadcast %add3A_483 : i32 to vector<16xi32>
              %add3A_485 = arith.addi %mul3A_364, %add3A_484 : vector<16xi32>
              %gather3A_486 = tpu.vector_load_idx %arg9[%add3A_485] : memref<640xf32, #tpu.memory_space<vmem>>[vector<16xi32>], vector<16xf32>,
              %mul3A_487 = arith.mulf %get3A_396, %gather3A_486 : vector<16xf32>
              %add3A_488 = arith.addf %add3A_482, %mul3A_487 : vector<16xf32>
              %add3A_489 = arith.constant 14 : i32
              %add3A_490 = vector.broadcast %add3A_489 : i32 to vector<16xi32>
              %add3A_491 = arith.addi %mul3A_364, %add3A_490 : vector<16xi32>
              %gather3A_492 = tpu.vector_load_idx %arg9[%add3A_491] : memref<640xf32, #tpu.memory_space<vmem>>[vector<16xi32>], vector<16xf32>,
              %mul3A_493 = arith.mulf %get3A_401, %gather3A_492 : vector<16xf32>
              %add3A_494 = arith.addf %add3A_488, %mul3A_493 : vector<16xf32>
              %add3A_495 = arith.constant 15 : i32
              %add3A_496 = vector.broadcast %add3A_495 : i32 to vector<16xi32>
              %add3A_497 = arith.addi %mul3A_364, %add3A_496 : vector<16xi32>
              %gather3A_498 = tpu.vector_load_idx %arg9[%add3A_497] : memref<640xf32, #tpu.memory_space<vmem>>[vector<16xi32>], vector<16xf32>,
              %mul3A_499 = arith.mulf %get3A_406, %gather3A_498 : vector<16xf32>
              %add3A_500 = arith.addf %add3A_494, %mul3A_499 : vector<16xf32>
              %add3A_501 = arith.constant 16 : i32
              %add3A_502 = vector.broadcast %add3A_501 : i32 to vector<16xi32>
              %add3A_503 = arith.addi %mul3A_364, %add3A_502 : vector<16xi32>
              %gather3A_504 = tpu.vector_load_idx %arg9[%add3A_503] : memref<640xf32, #tpu.memory_space<vmem>>[vector<16xi32>], vector<16xf32>,
              %mul3A_505 = arith.mulf %get3A_371, %gather3A_504 : vector<16xf32>
              %add3A_506 = arith.constant 17 : i32
              %add3A_507 = vector.broadcast %add3A_506 : i32 to vector<16xi32>
              %add3A_508 = arith.addi %mul3A_364, %add3A_507 : vector<16xi32>
              %gather3A_509 = tpu.vector_load_idx %arg9[%add3A_508] : memref<640xf32, #tpu.memory_space<vmem>>[vector<16xi32>], vector<16xf32>,
              %mul3A_510 = arith.mulf %get3A_376, %gather3A_509 : vector<16xf32>
              %add3A_511 = arith.addf %mul3A_505, %mul3A_510 : vector<16xf32>
              %add3A_512 = arith.constant 18 : i32
              %add3A_513 = vector.broadcast %add3A_512 : i32 to vector<16xi32>
              %add3A_514 = arith.addi %mul3A_364, %add3A_513 : vector<16xi32>
              %gather3A_515 = tpu.vector_load_idx %arg9[%add3A_514] : memref<640xf32, #tpu.memory_space<vmem>>[vector<16xi32>], vector<16xf32>,
              %mul3A_516 = arith.mulf %get3A_381, %gather3A_515 : vector<16xf32>
              %add3A_517 = arith.addf %add3A_511, %mul3A_516 : vector<16xf32>
              %add3A_518 = arith.constant 19 : i32
              %add3A_519 = vector.broadcast %add3A_518 : i32 to vector<16xi32>
              %add3A_520 = arith.addi %mul3A_364, %add3A_519 : vector<16xi32>
              %gather3A_521 = tpu.vector_load_idx %arg9[%add3A_520] : memref<640xf32, #tpu.memory_space<vmem>>[vector<16xi32>], vector<16xf32>,
              %mul3A_522 = arith.mulf %get3A_386, %gather3A_521 : vector<16xf32>
              %add3A_523 = arith.addf %add3A_517, %mul3A_522 : vector<16xf32>
              %add3A_524 = arith.constant 20 : i32
              %add3A_525 = vector.broadcast %add3A_524 : i32 to vector<16xi32>
              %add3A_526 = arith.addi %mul3A_364, %add3A_525 : vector<16xi32>
              %gather3A_527 = tpu.vector_load_idx %arg9[%add3A_526] : memref<640xf32, #tpu.memory_space<vmem>>[vector<16xi32>], vector<16xf32>,
              %mul3A_528 = arith.mulf %get3A_391, %gather3A_527 : vector<16xf32>
              %add3A_529 = arith.addf %add3A_523, %mul3A_528 : vector<16xf32>
              %add3A_530 = arith.constant 21 : i32
              %add3A_531 = vector.broadcast %add3A_530 : i32 to vector<16xi32>
              %add3A_532 = arith.addi %mul3A_364, %add3A_531 : vector<16xi32>
              %gather3A_533 = tpu.vector_load_idx %arg9[%add3A_532] : memref<640xf32, #tpu.memory_space<vmem>>[vector<16xi32>], vector<16xf32>,
              %mul3A_534 = arith.mulf %get3A_396, %gather3A_533 : vector<16xf32>
              %add3A_535 = arith.addf %add3A_529, %mul3A_534 : vector<16xf32>
              %add3A_536 = arith.constant 22 : i32
              %add3A_537 = vector.broadcast %add3A_536 : i32 to vector<16xi32>
              %add3A_538 = arith.addi %mul3A_364, %add3A_537 : vector<16xi32>
              %gather3A_539 = tpu.vector_load_idx %arg9[%add3A_538] : memref<640xf32, #tpu.memory_space<vmem>>[vector<16xi32>], vector<16xf32>,
              %mul3A_540 = arith.mulf %get3A_401, %gather3A_539 : vector<16xf32>
              %add3A_541 = arith.addf %add3A_535, %mul3A_540 : vector<16xf32>
              %add3A_542 = arith.constant 23 : i32
              %add3A_543 = vector.broadcast %add3A_542 : i32 to vector<16xi32>
              %add3A_544 = arith.addi %mul3A_364, %add3A_543 : vector<16xi32>
              %gather3A_545 = tpu.vector_load_idx %arg9[%add3A_544] : memref<640xf32, #tpu.memory_space<vmem>>[vector<16xi32>], vector<16xf32>,
              %mul3A_546 = arith.mulf %get3A_406, %gather3A_545 : vector<16xf32>
              %add3A_547 = arith.addf %add3A_541, %mul3A_546 : vector<16xf32>
              %add3A_548 = vector.broadcast %add3A_327 : i32 to vector<16xi32>
              %add3A_549 = arith.addi %add3A_548, %iota3A : vector<16xi32>
              %add3A_550 = arith.constant 8 : i32
              %add3A_551 = arith.addi %mul3A_366, %add3A_550 : i32
              %add3A_552 = arith.constant 0 : i32
              %add3A_553 = arith.addi %add3A_551, %add3A_552 : i32
              %get3A_554 = arith.index_cast %add3A_553 : i32 to index
              %get3A_555 = arith.index_cast %add3A_319 : i32 to index
              %get3A_556 = tpu.vector_load %arg10[%get3A_554, %get3A_555] {strides = array<i32>} : memref<24x512xf32, #tpu.memory_space<vmem>>, vector<16xf32>,
              %broadcast_in_dim3A_557 = arith.constant 0 : i32
              %broadcast_in_dim3A_558 = vector.broadcast %broadcast_in_dim3A_557 : i32 to vector<16xi32>
              %mul3A_559 = arith.mulf %get3A_556, %add3A_453 : vector<16xf32>
              tpu.vector_store_idx %arg16[%add3A_549, %broadcast_in_dim3A_558], %mul3A_559 : memref<1024x16xf32, #tpu.memory_space<vmem>>[vector<16xi32>, vector<16xi32>], vector<16xf32>,
              %broadcast_in_dim3A_560 = arith.constant 1 : i32
              %broadcast_in_dim3A_561 = vector.broadcast %broadcast_in_dim3A_560 : i32 to vector<16xi32>
              %mul3A_562 = arith.mulf %get3A_556, %add3A_500 : vector<16xf32>
              tpu.vector_store_idx %arg16[%add3A_549, %broadcast_in_dim3A_561], %mul3A_562 : memref<1024x16xf32, #tpu.memory_space<vmem>>[vector<16xi32>, vector<16xi32>], vector<16xf32>,
              %broadcast_in_dim3A_563 = arith.constant 2 : i32
              %broadcast_in_dim3A_564 = vector.broadcast %broadcast_in_dim3A_563 : i32 to vector<16xi32>
              %mul3A_565 = arith.mulf %get3A_556, %add3A_547 : vector<16xf32>
              tpu.vector_store_idx %arg16[%add3A_549, %broadcast_in_dim3A_564], %mul3A_565 : memref<1024x16xf32, #tpu.memory_space<vmem>>[vector<16xi32>, vector<16xi32>], vector<16xf32>,
              %add3A_566 = arith.constant 8 : i32
              %add3A_567 = arith.addi %mul3A_366, %add3A_566 : i32
              %add3A_568 = arith.constant 1 : i32
              %add3A_569 = arith.addi %add3A_567, %add3A_568 : i32
              %get3A_570 = arith.index_cast %add3A_569 : i32 to index
              %get3A_571 = arith.index_cast %add3A_319 : i32 to index
              %get3A_572 = tpu.vector_load %arg10[%get3A_570, %get3A_571] {strides = array<i32>} : memref<24x512xf32, #tpu.memory_space<vmem>>, vector<16xf32>,
              %broadcast_in_dim3A_573 = arith.constant 3 : i32
              %broadcast_in_dim3A_574 = vector.broadcast %broadcast_in_dim3A_573 : i32 to vector<16xi32>
              %mul3A_575 = arith.mulf %get3A_572, %add3A_453 : vector<16xf32>
              tpu.vector_store_idx %arg16[%add3A_549, %broadcast_in_dim3A_574], %mul3A_575 : memref<1024x16xf32, #tpu.memory_space<vmem>>[vector<16xi32>, vector<16xi32>], vector<16xf32>,
              %broadcast_in_dim3A_576 = arith.constant 4 : i32
              %broadcast_in_dim3A_577 = vector.broadcast %broadcast_in_dim3A_576 : i32 to vector<16xi32>
              %mul3A_578 = arith.mulf %get3A_572, %add3A_500 : vector<16xf32>
              tpu.vector_store_idx %arg16[%add3A_549, %broadcast_in_dim3A_577], %mul3A_578 : memref<1024x16xf32, #tpu.memory_space<vmem>>[vector<16xi32>, vector<16xi32>], vector<16xf32>,
              %broadcast_in_dim3A_579 = arith.constant 5 : i32
              %broadcast_in_dim3A_580 = vector.broadcast %broadcast_in_dim3A_579 : i32 to vector<16xi32>
              %mul3A_581 = arith.mulf %get3A_572, %add3A_547 : vector<16xf32>
              tpu.vector_store_idx %arg16[%add3A_549, %broadcast_in_dim3A_580], %mul3A_581 : memref<1024x16xf32, #tpu.memory_space<vmem>>[vector<16xi32>, vector<16xi32>], vector<16xf32>,
              %add3A_582 = arith.constant 8 : i32
              %add3A_583 = arith.addi %mul3A_366, %add3A_582 : i32
              %add3A_584 = arith.constant 2 : i32
              %add3A_585 = arith.addi %add3A_583, %add3A_584 : i32
              %get3A_586 = arith.index_cast %add3A_585 : i32 to index
              %get3A_587 = arith.index_cast %add3A_319 : i32 to index
              %get3A_588 = tpu.vector_load %arg10[%get3A_586, %get3A_587] {strides = array<i32>} : memref<24x512xf32, #tpu.memory_space<vmem>>, vector<16xf32>,
              %broadcast_in_dim3A_589 = arith.constant 6 : i32
              %broadcast_in_dim3A_590 = vector.broadcast %broadcast_in_dim3A_589 : i32 to vector<16xi32>
              %mul3A_591 = arith.mulf %get3A_588, %add3A_453 : vector<16xf32>
              tpu.vector_store_idx %arg16[%add3A_549, %broadcast_in_dim3A_590], %mul3A_591 : memref<1024x16xf32, #tpu.memory_space<vmem>>[vector<16xi32>, vector<16xi32>], vector<16xf32>,
              %broadcast_in_dim3A_592 = arith.constant 7 : i32
              %broadcast_in_dim3A_593 = vector.broadcast %broadcast_in_dim3A_592 : i32 to vector<16xi32>
              %mul3A_594 = arith.mulf %get3A_588, %add3A_500 : vector<16xf32>
              tpu.vector_store_idx %arg16[%add3A_549, %broadcast_in_dim3A_593], %mul3A_594 : memref<1024x16xf32, #tpu.memory_space<vmem>>[vector<16xi32>, vector<16xi32>], vector<16xf32>,
              %broadcast_in_dim3A_595 = arith.constant 8 : i32
              %broadcast_in_dim3A_596 = vector.broadcast %broadcast_in_dim3A_595 : i32 to vector<16xi32>
              %mul3A_597 = arith.mulf %get3A_588, %add3A_547 : vector<16xf32>
              tpu.vector_store_idx %arg16[%add3A_549, %broadcast_in_dim3A_596], %mul3A_597 : memref<1024x16xf32, #tpu.memory_space<vmem>>[vector<16xi32>, vector<16xi32>], vector<16xf32>,
              %scan3A_598 = arith.constant 0 : i32
              scf.yield %scan3A_598 : i32
            }
            %scan3A_311 = arith.constant 8 : i32
            %scan3A_312 = arith.constant 0 : i32
            scf.yield %scan3A_312 : i32
          }
          %scan3A_301 = arith.constant 4 : i32
          %scan3A_302 = arith.constant 0 : i32
          scf.yield %scan3A_302 : i32
        }
        %scan3A_212 = arith.constant 2 : i32
        %dma_start3A_213 = arith.constant 0 : i32
        %dma_start3A_214 = arith.constant 0 : i32
        %dma_start3A_215 = arith.constant 0 : i32
        %dma_start3A_216 = tpu.memref_slice %arg16[%dma_start3A_214, %dma_start3A_215] : memref<1024x16xf32, #tpu.memory_space<vmem>> -> memref<128x16xf32, #tpu.memory_space<vmem>>
        %dma_start3A_217 = arith.constant 0 : i32
        %dma_start3A_218 = tpu.memref_slice %arg12[%dma_start3A_213, %dma_start3A_217] : memref<8x128xi32, #tpu.memory_space<vmem>> -> memref<1x128xi32, #tpu.memory_space<vmem>>
        %dma_start3A_219 = tpu.memref_squeeze %dma_start3A_218 : memref<1x128xi32, #tpu.memory_space<vmem>> -> memref<128xi32, #tpu.memory_space<vmem>>
        %dma_start3A_220 = arith.constant 0 : i32
        %dma_start3A_221 = arith.constant 0 : i32
        %dma_start3A_222 = tpu.memref_slice %arg18[%dma_start3A_220, %dma_start3A_221] : memref<50176x16xf32, #tpu.memory_space<vmem_shared>> -> memref<50176x16xf32, #tpu.memory_space<vmem_shared>>
        tpu.enqueue_indirect_dma source(%dma_start3A_216 : memref<128x16xf32, #tpu.memory_space<vmem>>) target(%dma_start3A_222 : memref<50176x16xf32, #tpu.memory_space<vmem_shared>>) offsets(%dma_start3A_219 : memref<128xi32, #tpu.memory_space<vmem>>) semaphore(%arg21 : memref<!tpu.dma_semaphore, #tpu.memory_space<semaphore_mem>>) {add = true}
        %dma_start3A_223 = arith.constant 1 : i32
        %dma_start3A_224 = arith.constant 128 : i32
        %dma_start3A_225 = arith.constant 0 : i32
        %dma_start3A_226 = tpu.memref_slice %arg16[%dma_start3A_224, %dma_start3A_225] : memref<1024x16xf32, #tpu.memory_space<vmem>> -> memref<128x16xf32, #tpu.memory_space<vmem>>
        %dma_start3A_227 = arith.constant 0 : i32
        %dma_start3A_228 = tpu.memref_slice %arg12[%dma_start3A_223, %dma_start3A_227] : memref<8x128xi32, #tpu.memory_space<vmem>> -> memref<1x128xi32, #tpu.memory_space<vmem>>
        %dma_start3A_229 = tpu.memref_squeeze %dma_start3A_228 : memref<1x128xi32, #tpu.memory_space<vmem>> -> memref<128xi32, #tpu.memory_space<vmem>>
        %dma_start3A_230 = arith.constant 0 : i32
        %dma_start3A_231 = arith.constant 0 : i32
        %dma_start3A_232 = tpu.memref_slice %arg18[%dma_start3A_230, %dma_start3A_231] : memref<50176x16xf32, #tpu.memory_space<vmem_shared>> -> memref<50176x16xf32, #tpu.memory_space<vmem_shared>>
        tpu.enqueue_indirect_dma source(%dma_start3A_226 : memref<128x16xf32, #tpu.memory_space<vmem>>) target(%dma_start3A_232 : memref<50176x16xf32, #tpu.memory_space<vmem_shared>>) offsets(%dma_start3A_229 : memref<128xi32, #tpu.memory_space<vmem>>) semaphore(%arg21 : memref<!tpu.dma_semaphore, #tpu.memory_space<semaphore_mem>>) {add = true}
        %dma_start3A_233 = arith.constant 2 : i32
        %dma_start3A_234 = arith.constant 256 : i32
        %dma_start3A_235 = arith.constant 0 : i32
        %dma_start3A_236 = tpu.memref_slice %arg16[%dma_start3A_234, %dma_start3A_235] : memref<1024x16xf32, #tpu.memory_space<vmem>> -> memref<128x16xf32, #tpu.memory_space<vmem>>
        %dma_start3A_237 = arith.constant 0 : i32
        %dma_start3A_238 = tpu.memref_slice %arg12[%dma_start3A_233, %dma_start3A_237] : memref<8x128xi32, #tpu.memory_space<vmem>> -> memref<1x128xi32, #tpu.memory_space<vmem>>
        %dma_start3A_239 = tpu.memref_squeeze %dma_start3A_238 : memref<1x128xi32, #tpu.memory_space<vmem>> -> memref<128xi32, #tpu.memory_space<vmem>>
        %dma_start3A_240 = arith.constant 0 : i32
        %dma_start3A_241 = arith.constant 0 : i32
        %dma_start3A_242 = tpu.memref_slice %arg18[%dma_start3A_240, %dma_start3A_241] : memref<50176x16xf32, #tpu.memory_space<vmem_shared>> -> memref<50176x16xf32, #tpu.memory_space<vmem_shared>>
        tpu.enqueue_indirect_dma source(%dma_start3A_236 : memref<128x16xf32, #tpu.memory_space<vmem>>) target(%dma_start3A_242 : memref<50176x16xf32, #tpu.memory_space<vmem_shared>>) offsets(%dma_start3A_239 : memref<128xi32, #tpu.memory_space<vmem>>) semaphore(%arg21 : memref<!tpu.dma_semaphore, #tpu.memory_space<semaphore_mem>>) {add = true}
        %dma_start3A_243 = arith.constant 3 : i32
        %dma_start3A_244 = arith.constant 384 : i32
        %dma_start3A_245 = arith.constant 0 : i32
        %dma_start3A_246 = tpu.memref_slice %arg16[%dma_start3A_244, %dma_start3A_245] : memref<1024x16xf32, #tpu.memory_space<vmem>> -> memref<128x16xf32, #tpu.memory_space<vmem>>
        %dma_start3A_247 = arith.constant 0 : i32
        %dma_start3A_248 = tpu.memref_slice %arg12[%dma_start3A_243, %dma_start3A_247] : memref<8x128xi32, #tpu.memory_space<vmem>> -> memref<1x128xi32, #tpu.memory_space<vmem>>
        %dma_start3A_249 = tpu.memref_squeeze %dma_start3A_248 : memref<1x128xi32, #tpu.memory_space<vmem>> -> memref<128xi32, #tpu.memory_space<vmem>>
        %dma_start3A_250 = arith.constant 0 : i32
        %dma_start3A_251 = arith.constant 0 : i32
        %dma_start3A_252 = tpu.memref_slice %arg18[%dma_start3A_250, %dma_start3A_251] : memref<50176x16xf32, #tpu.memory_space<vmem_shared>> -> memref<50176x16xf32, #tpu.memory_space<vmem_shared>>
        tpu.enqueue_indirect_dma source(%dma_start3A_246 : memref<128x16xf32, #tpu.memory_space<vmem>>) target(%dma_start3A_252 : memref<50176x16xf32, #tpu.memory_space<vmem_shared>>) offsets(%dma_start3A_249 : memref<128xi32, #tpu.memory_space<vmem>>) semaphore(%arg21 : memref<!tpu.dma_semaphore, #tpu.memory_space<semaphore_mem>>) {add = true}
        %dma_start3A_253 = arith.constant 4 : i32
        %dma_start3A_254 = arith.constant 512 : i32
        %dma_start3A_255 = arith.constant 0 : i32
        %dma_start3A_256 = tpu.memref_slice %arg16[%dma_start3A_254, %dma_start3A_255] : memref<1024x16xf32, #tpu.memory_space<vmem>> -> memref<128x16xf32, #tpu.memory_space<vmem>>
        %dma_start3A_257 = arith.constant 0 : i32
        %dma_start3A_258 = tpu.memref_slice %arg12[%dma_start3A_253, %dma_start3A_257] : memref<8x128xi32, #tpu.memory_space<vmem>> -> memref<1x128xi32, #tpu.memory_space<vmem>>
        %dma_start3A_259 = tpu.memref_squeeze %dma_start3A_258 : memref<1x128xi32, #tpu.memory_space<vmem>> -> memref<128xi32, #tpu.memory_space<vmem>>
        %dma_start3A_260 = arith.constant 0 : i32
        %dma_start3A_261 = arith.constant 0 : i32
        %dma_start3A_262 = tpu.memref_slice %arg18[%dma_start3A_260, %dma_start3A_261] : memref<50176x16xf32, #tpu.memory_space<vmem_shared>> -> memref<50176x16xf32, #tpu.memory_space<vmem_shared>>
        tpu.enqueue_indirect_dma source(%dma_start3A_256 : memref<128x16xf32, #tpu.memory_space<vmem>>) target(%dma_start3A_262 : memref<50176x16xf32, #tpu.memory_space<vmem_shared>>) offsets(%dma_start3A_259 : memref<128xi32, #tpu.memory_space<vmem>>) semaphore(%arg21 : memref<!tpu.dma_semaphore, #tpu.memory_space<semaphore_mem>>) {add = true}
        %dma_start3A_263 = arith.constant 5 : i32
        %dma_start3A_264 = arith.constant 640 : i32
        %dma_start3A_265 = arith.constant 0 : i32
        %dma_start3A_266 = tpu.memref_slice %arg16[%dma_start3A_264, %dma_start3A_265] : memref<1024x16xf32, #tpu.memory_space<vmem>> -> memref<128x16xf32, #tpu.memory_space<vmem>>
        %dma_start3A_267 = arith.constant 0 : i32
        %dma_start3A_268 = tpu.memref_slice %arg12[%dma_start3A_263, %dma_start3A_267] : memref<8x128xi32, #tpu.memory_space<vmem>> -> memref<1x128xi32, #tpu.memory_space<vmem>>
        %dma_start3A_269 = tpu.memref_squeeze %dma_start3A_268 : memref<1x128xi32, #tpu.memory_space<vmem>> -> memref<128xi32, #tpu.memory_space<vmem>>
        %dma_start3A_270 = arith.constant 0 : i32
        %dma_start3A_271 = arith.constant 0 : i32
        %dma_start3A_272 = tpu.memref_slice %arg18[%dma_start3A_270, %dma_start3A_271] : memref<50176x16xf32, #tpu.memory_space<vmem_shared>> -> memref<50176x16xf32, #tpu.memory_space<vmem_shared>>
        tpu.enqueue_indirect_dma source(%dma_start3A_266 : memref<128x16xf32, #tpu.memory_space<vmem>>) target(%dma_start3A_272 : memref<50176x16xf32, #tpu.memory_space<vmem_shared>>) offsets(%dma_start3A_269 : memref<128xi32, #tpu.memory_space<vmem>>) semaphore(%arg21 : memref<!tpu.dma_semaphore, #tpu.memory_space<semaphore_mem>>) {add = true}
        %dma_start3A_273 = arith.constant 6 : i32
        %dma_start3A_274 = arith.constant 768 : i32
        %dma_start3A_275 = arith.constant 0 : i32
        %dma_start3A_276 = tpu.memref_slice %arg16[%dma_start3A_274, %dma_start3A_275] : memref<1024x16xf32, #tpu.memory_space<vmem>> -> memref<128x16xf32, #tpu.memory_space<vmem>>
        %dma_start3A_277 = arith.constant 0 : i32
        %dma_start3A_278 = tpu.memref_slice %arg12[%dma_start3A_273, %dma_start3A_277] : memref<8x128xi32, #tpu.memory_space<vmem>> -> memref<1x128xi32, #tpu.memory_space<vmem>>
        %dma_start3A_279 = tpu.memref_squeeze %dma_start3A_278 : memref<1x128xi32, #tpu.memory_space<vmem>> -> memref<128xi32, #tpu.memory_space<vmem>>
        %dma_start3A_280 = arith.constant 0 : i32
        %dma_start3A_281 = arith.constant 0 : i32
        %dma_start3A_282 = tpu.memref_slice %arg18[%dma_start3A_280, %dma_start3A_281] : memref<50176x16xf32, #tpu.memory_space<vmem_shared>> -> memref<50176x16xf32, #tpu.memory_space<vmem_shared>>
        tpu.enqueue_indirect_dma source(%dma_start3A_276 : memref<128x16xf32, #tpu.memory_space<vmem>>) target(%dma_start3A_282 : memref<50176x16xf32, #tpu.memory_space<vmem_shared>>) offsets(%dma_start3A_279 : memref<128xi32, #tpu.memory_space<vmem>>) semaphore(%arg21 : memref<!tpu.dma_semaphore, #tpu.memory_space<semaphore_mem>>) {add = true}
        %dma_start3A_283 = arith.constant 7 : i32
        %dma_start3A_284 = arith.constant 896 : i32
        %dma_start3A_285 = arith.constant 0 : i32
        %dma_start3A_286 = tpu.memref_slice %arg16[%dma_start3A_284, %dma_start3A_285] : memref<1024x16xf32, #tpu.memory_space<vmem>> -> memref<128x16xf32, #tpu.memory_space<vmem>>
        %dma_start3A_287 = arith.constant 0 : i32
        %dma_start3A_288 = tpu.memref_slice %arg12[%dma_start3A_283, %dma_start3A_287] : memref<8x128xi32, #tpu.memory_space<vmem>> -> memref<1x128xi32, #tpu.memory_space<vmem>>
        %dma_start3A_289 = tpu.memref_squeeze %dma_start3A_288 : memref<1x128xi32, #tpu.memory_space<vmem>> -> memref<128xi32, #tpu.memory_space<vmem>>
        %dma_start3A_290 = arith.constant 0 : i32
        %dma_start3A_291 = arith.constant 0 : i32
        %dma_start3A_292 = tpu.memref_slice %arg18[%dma_start3A_290, %dma_start3A_291] : memref<50176x16xf32, #tpu.memory_space<vmem_shared>> -> memref<50176x16xf32, #tpu.memory_space<vmem_shared>>
        tpu.enqueue_indirect_dma source(%dma_start3A_286 : memref<128x16xf32, #tpu.memory_space<vmem>>) target(%dma_start3A_292 : memref<50176x16xf32, #tpu.memory_space<vmem_shared>>) offsets(%dma_start3A_289 : memref<128xi32, #tpu.memory_space<vmem>>) semaphore(%arg21 : memref<!tpu.dma_semaphore, #tpu.memory_space<semaphore_mem>>) {add = true}
      } else {
      }
      %rem3A_170 = arith.constant 2 : i32
      %rem3A_171 = arith.remsi %scan3A_164, %rem3A_170 : i32
      %eq3A_172 = arith.constant 1 : i32
      %eq3A_173 = arith.cmpi eq, %rem3A_171, %eq3A_172 : i32
      %convert_element_type3A_174 = arith.extui %eq3A_173 : i1 to i32
      %cond3A_175 = arith.constant 0 : i32
      %cond3A_176 = arith.cmpi ne, %convert_element_type3A_174, %cond3A_175 : i32
      scf.if %cond3A_176 {
        %dma_wait3A_178 = arith.constant 0 : i32
        %dma_wait3A_179 = arith.constant 0 : i32
        %dma_wait3A_180 = tpu.memref_slice %arg2[%dma_wait3A_178, %dma_wait3A_179] : memref<19200x512xf32, #tpu.memory_space<hbm>> -> memref<24x512xf32, #tpu.memory_space<hbm>>
        %dma_wait3A_181 = arith.constant 0 : i32
        %dma_wait3A_182 = arith.constant 0 : i32
        %dma_wait3A_183 = tpu.memref_slice %arg2[%dma_wait3A_181, %dma_wait3A_182] : memref<19200x512xf32, #tpu.memory_space<hbm>> -> memref<24x512xf32, #tpu.memory_space<hbm>>
        tpu.wait_dma2 semaphore(%arg20 : memref<!tpu.dma_semaphore, #tpu.memory_space<semaphore_mem>>) src(%dma_wait3A_183 : memref<24x512xf32, #tpu.memory_space<hbm>>) dst(%arg11 : memref<24x512xf32, #tpu.memory_space<vmem>>)
        %dma_wait3A_184 = arith.constant 0 : i32
        %dma_wait3A_185 = arith.constant 0 : i32
        %dma_wait3A_186 = tpu.memref_slice %arg3[%dma_wait3A_184, %dma_wait3A_185] : memref<6400x128xi32, #tpu.memory_space<hbm>> -> memref<8x128xi32, #tpu.memory_space<hbm>>
        %dma_wait3A_187 = arith.constant 0 : i32
        %dma_wait3A_188 = arith.constant 0 : i32
        %dma_wait3A_189 = tpu.memref_slice %arg3[%dma_wait3A_187, %dma_wait3A_188] : memref<6400x128xi32, #tpu.memory_space<hbm>> -> memref<8x128xi32, #tpu.memory_space<hbm>>
        tpu.wait_dma2 semaphore(%arg20 : memref<!tpu.dma_semaphore, #tpu.memory_space<semaphore_mem>>) src(%dma_wait3A_189 : memref<8x128xi32, #tpu.memory_space<hbm>>) dst(%arg13 : memref<8x128xi32, #tpu.memory_space<vmem>>)
        %dma_wait3A_190 = arith.constant 0 : i32
        %dma_wait3A_191 = arith.constant 0 : i32
        %dma_wait3A_192 = tpu.memref_slice %arg4[%dma_wait3A_190, %dma_wait3A_191] : memref<6400x128xi32, #tpu.memory_space<hbm>> -> memref<8x128xi32, #tpu.memory_space<hbm>>
        %dma_wait3A_193 = arith.constant 0 : i32
        %dma_wait3A_194 = arith.constant 0 : i32
        %dma_wait3A_195 = tpu.memref_slice %arg4[%dma_wait3A_193, %dma_wait3A_194] : memref<6400x128xi32, #tpu.memory_space<hbm>> -> memref<8x128xi32, #tpu.memory_space<hbm>>
        tpu.wait_dma2 semaphore(%arg20 : memref<!tpu.dma_semaphore, #tpu.memory_space<semaphore_mem>>) src(%dma_wait3A_195 : memref<8x128xi32, #tpu.memory_space<hbm>>) dst(%arg15 : memref<8x128xi32, #tpu.memory_space<vmem>>)
        %ge3A = arith.constant 1 : i32
        %ge3A_196 = arith.cmpi sge, %scan3A_164, %ge3A : i32
        %convert_element_type3A_197 = arith.extui %ge3A_196 : i1 to i32
        %cond3A_198 = arith.constant 0 : i32
        %cond3A_199 = arith.cmpi ne, %convert_element_type3A_197, %cond3A_198 : i32
        scf.if %cond3A_199 {
          %dma_wait3A_293 = arith.constant 0 : i32
          %dma_wait3A_294 = arith.constant 0 : i32
          %dma_wait3A_295 = arith.constant 0 : i32
          %dma_wait3A_296 = tpu.memref_slice %arg16[%dma_wait3A_294, %dma_wait3A_295] : memref<1024x16xf32, #tpu.memory_space<vmem>> -> memref<128x16xf32, #tpu.memory_space<vmem>>
          %dma_wait3A_297 = arith.constant 0 : i32
          %dma_wait3A_298 = tpu.memref_slice %arg12[%dma_wait3A_293, %dma_wait3A_297] : memref<8x128xi32, #tpu.memory_space<vmem>> -> memref<1x128xi32, #tpu.memory_space<vmem>>
          %dma_wait3A_299 = tpu.memref_squeeze %dma_wait3A_298 : memref<1x128xi32, #tpu.memory_space<vmem>> -> memref<128xi32, #tpu.memory_space<vmem>>
          %dma_wait3A_300 = arith.constant 0 : i32
          %dma_wait3A_301 = arith.constant 0 : i32
          %dma_wait3A_302 = tpu.memref_slice %arg18[%dma_wait3A_300, %dma_wait3A_301] : memref<50176x16xf32, #tpu.memory_space<vmem_shared>> -> memref<50176x16xf32, #tpu.memory_space<vmem_shared>>
          tpu.wait_indirect_dma semaphore(%arg21 : memref<!tpu.dma_semaphore, #tpu.memory_space<semaphore_mem>>) src(%dma_wait3A_296 : memref<128x16xf32, #tpu.memory_space<vmem>>) dst(%dma_wait3A_302 : memref<50176x16xf32, #tpu.memory_space<vmem_shared>>)
          %dma_wait3A_303 = arith.constant 1 : i32
          %dma_wait3A_304 = arith.constant 128 : i32
          %dma_wait3A_305 = arith.constant 0 : i32
          %dma_wait3A_306 = tpu.memref_slice %arg16[%dma_wait3A_304, %dma_wait3A_305] : memref<1024x16xf32, #tpu.memory_space<vmem>> -> memref<128x16xf32, #tpu.memory_space<vmem>>
          %dma_wait3A_307 = arith.constant 0 : i32
          %dma_wait3A_308 = tpu.memref_slice %arg12[%dma_wait3A_303, %dma_wait3A_307] : memref<8x128xi32, #tpu.memory_space<vmem>> -> memref<1x128xi32, #tpu.memory_space<vmem>>
          %dma_wait3A_309 = tpu.memref_squeeze %dma_wait3A_308 : memref<1x128xi32, #tpu.memory_space<vmem>> -> memref<128xi32, #tpu.memory_space<vmem>>
          %dma_wait3A_310 = arith.constant 0 : i32
          %dma_wait3A_311 = arith.constant 0 : i32
          %dma_wait3A_312 = tpu.memref_slice %arg18[%dma_wait3A_310, %dma_wait3A_311] : memref<50176x16xf32, #tpu.memory_space<vmem_shared>> -> memref<50176x16xf32, #tpu.memory_space<vmem_shared>>
          tpu.wait_indirect_dma semaphore(%arg21 : memref<!tpu.dma_semaphore, #tpu.memory_space<semaphore_mem>>) src(%dma_wait3A_306 : memref<128x16xf32, #tpu.memory_space<vmem>>) dst(%dma_wait3A_312 : memref<50176x16xf32, #tpu.memory_space<vmem_shared>>)
          %dma_wait3A_313 = arith.constant 2 : i32
          %dma_wait3A_314 = arith.constant 256 : i32
          %dma_wait3A_315 = arith.constant 0 : i32
          %dma_wait3A_316 = tpu.memref_slice %arg16[%dma_wait3A_314, %dma_wait3A_315] : memref<1024x16xf32, #tpu.memory_space<vmem>> -> memref<128x16xf32, #tpu.memory_space<vmem>>
          %dma_wait3A_317 = arith.constant 0 : i32
          %dma_wait3A_318 = tpu.memref_slice %arg12[%dma_wait3A_313, %dma_wait3A_317] : memref<8x128xi32, #tpu.memory_space<vmem>> -> memref<1x128xi32, #tpu.memory_space<vmem>>
          %dma_wait3A_319 = tpu.memref_squeeze %dma_wait3A_318 : memref<1x128xi32, #tpu.memory_space<vmem>> -> memref<128xi32, #tpu.memory_space<vmem>>
          %dma_wait3A_320 = arith.constant 0 : i32
          %dma_wait3A_321 = arith.constant 0 : i32
          %dma_wait3A_322 = tpu.memref_slice %arg18[%dma_wait3A_320, %dma_wait3A_321] : memref<50176x16xf32, #tpu.memory_space<vmem_shared>> -> memref<50176x16xf32, #tpu.memory_space<vmem_shared>>
          tpu.wait_indirect_dma semaphore(%arg21 : memref<!tpu.dma_semaphore, #tpu.memory_space<semaphore_mem>>) src(%dma_wait3A_316 : memref<128x16xf32, #tpu.memory_space<vmem>>) dst(%dma_wait3A_322 : memref<50176x16xf32, #tpu.memory_space<vmem_shared>>)
          %dma_wait3A_323 = arith.constant 3 : i32
          %dma_wait3A_324 = arith.constant 384 : i32
          %dma_wait3A_325 = arith.constant 0 : i32
          %dma_wait3A_326 = tpu.memref_slice %arg16[%dma_wait3A_324, %dma_wait3A_325] : memref<1024x16xf32, #tpu.memory_space<vmem>> -> memref<128x16xf32, #tpu.memory_space<vmem>>
          %dma_wait3A_327 = arith.constant 0 : i32
          %dma_wait3A_328 = tpu.memref_slice %arg12[%dma_wait3A_323, %dma_wait3A_327] : memref<8x128xi32, #tpu.memory_space<vmem>> -> memref<1x128xi32, #tpu.memory_space<vmem>>
          %dma_wait3A_329 = tpu.memref_squeeze %dma_wait3A_328 : memref<1x128xi32, #tpu.memory_space<vmem>> -> memref<128xi32, #tpu.memory_space<vmem>>
          %dma_wait3A_330 = arith.constant 0 : i32
          %dma_wait3A_331 = arith.constant 0 : i32
          %dma_wait3A_332 = tpu.memref_slice %arg18[%dma_wait3A_330, %dma_wait3A_331] : memref<50176x16xf32, #tpu.memory_space<vmem_shared>> -> memref<50176x16xf32, #tpu.memory_space<vmem_shared>>
          tpu.wait_indirect_dma semaphore(%arg21 : memref<!tpu.dma_semaphore, #tpu.memory_space<semaphore_mem>>) src(%dma_wait3A_326 : memref<128x16xf32, #tpu.memory_space<vmem>>) dst(%dma_wait3A_332 : memref<50176x16xf32, #tpu.memory_space<vmem_shared>>)
          %dma_wait3A_333 = arith.constant 4 : i32
          %dma_wait3A_334 = arith.constant 512 : i32
          %dma_wait3A_335 = arith.constant 0 : i32
          %dma_wait3A_336 = tpu.memref_slice %arg16[%dma_wait3A_334, %dma_wait3A_335] : memref<1024x16xf32, #tpu.memory_space<vmem>> -> memref<128x16xf32, #tpu.memory_space<vmem>>
          %dma_wait3A_337 = arith.constant 0 : i32
          %dma_wait3A_338 = tpu.memref_slice %arg12[%dma_wait3A_333, %dma_wait3A_337] : memref<8x128xi32, #tpu.memory_space<vmem>> -> memref<1x128xi32, #tpu.memory_space<vmem>>
          %dma_wait3A_339 = tpu.memref_squeeze %dma_wait3A_338 : memref<1x128xi32, #tpu.memory_space<vmem>> -> memref<128xi32, #tpu.memory_space<vmem>>
          %dma_wait3A_340 = arith.constant 0 : i32
          %dma_wait3A_341 = arith.constant 0 : i32
          %dma_wait3A_342 = tpu.memref_slice %arg18[%dma_wait3A_340, %dma_wait3A_341] : memref<50176x16xf32, #tpu.memory_space<vmem_shared>> -> memref<50176x16xf32, #tpu.memory_space<vmem_shared>>
          tpu.wait_indirect_dma semaphore(%arg21 : memref<!tpu.dma_semaphore, #tpu.memory_space<semaphore_mem>>) src(%dma_wait3A_336 : memref<128x16xf32, #tpu.memory_space<vmem>>) dst(%dma_wait3A_342 : memref<50176x16xf32, #tpu.memory_space<vmem_shared>>)
          %dma_wait3A_343 = arith.constant 5 : i32
          %dma_wait3A_344 = arith.constant 640 : i32
          %dma_wait3A_345 = arith.constant 0 : i32
          %dma_wait3A_346 = tpu.memref_slice %arg16[%dma_wait3A_344, %dma_wait3A_345] : memref<1024x16xf32, #tpu.memory_space<vmem>> -> memref<128x16xf32, #tpu.memory_space<vmem>>
          %dma_wait3A_347 = arith.constant 0 : i32
          %dma_wait3A_348 = tpu.memref_slice %arg12[%dma_wait3A_343, %dma_wait3A_347] : memref<8x128xi32, #tpu.memory_space<vmem>> -> memref<1x128xi32, #tpu.memory_space<vmem>>
          %dma_wait3A_349 = tpu.memref_squeeze %dma_wait3A_348 : memref<1x128xi32, #tpu.memory_space<vmem>> -> memref<128xi32, #tpu.memory_space<vmem>>
          %dma_wait3A_350 = arith.constant 0 : i32
          %dma_wait3A_351 = arith.constant 0 : i32
          %dma_wait3A_352 = tpu.memref_slice %arg18[%dma_wait3A_350, %dma_wait3A_351] : memref<50176x16xf32, #tpu.memory_space<vmem_shared>> -> memref<50176x16xf32, #tpu.memory_space<vmem_shared>>
          tpu.wait_indirect_dma semaphore(%arg21 : memref<!tpu.dma_semaphore, #tpu.memory_space<semaphore_mem>>) src(%dma_wait3A_346 : memref<128x16xf32, #tpu.memory_space<vmem>>) dst(%dma_wait3A_352 : memref<50176x16xf32, #tpu.memory_space<vmem_shared>>)
          %dma_wait3A_353 = arith.constant 6 : i32
          %dma_wait3A_354 = arith.constant 768 : i32
          %dma_wait3A_355 = arith.constant 0 : i32
          %dma_wait3A_356 = tpu.memref_slice %arg16[%dma_wait3A_354, %dma_wait3A_355] : memref<1024x16xf32, #tpu.memory_space<vmem>> -> memref<128x16xf32, #tpu.memory_space<vmem>>
          %dma_wait3A_357 = arith.constant 0 : i32
          %dma_wait3A_358 = tpu.memref_slice %arg12[%dma_wait3A_353, %dma_wait3A_357] : memref<8x128xi32, #tpu.memory_space<vmem>> -> memref<1x128xi32, #tpu.memory_space<vmem>>
          %dma_wait3A_359 = tpu.memref_squeeze %dma_wait3A_358 : memref<1x128xi32, #tpu.memory_space<vmem>> -> memref<128xi32, #tpu.memory_space<vmem>>
          %dma_wait3A_360 = arith.constant 0 : i32
          %dma_wait3A_361 = arith.constant 0 : i32
          %dma_wait3A_362 = tpu.memref_slice %arg18[%dma_wait3A_360, %dma_wait3A_361] : memref<50176x16xf32, #tpu.memory_space<vmem_shared>> -> memref<50176x16xf32, #tpu.memory_space<vmem_shared>>
          tpu.wait_indirect_dma semaphore(%arg21 : memref<!tpu.dma_semaphore, #tpu.memory_space<semaphore_mem>>) src(%dma_wait3A_356 : memref<128x16xf32, #tpu.memory_space<vmem>>) dst(%dma_wait3A_362 : memref<50176x16xf32, #tpu.memory_space<vmem_shared>>)
          %dma_wait3A_363 = arith.constant 7 : i32
          %dma_wait3A_364 = arith.constant 896 : i32
          %dma_wait3A_365 = arith.constant 0 : i32
          %dma_wait3A_366 = tpu.memref_slice %arg16[%dma_wait3A_364, %dma_wait3A_365] : memref<1024x16xf32, #tpu.memory_space<vmem>> -> memref<128x16xf32, #tpu.memory_space<vmem>>
          %dma_wait3A_367 = arith.constant 0 : i32
          %dma_wait3A_368 = tpu.memref_slice %arg12[%dma_wait3A_363, %dma_wait3A_367] : memref<8x128xi32, #tpu.memory_space<vmem>> -> memref<1x128xi32, #tpu.memory_space<vmem>>
          %dma_wait3A_369 = tpu.memref_squeeze %dma_wait3A_368 : memref<1x128xi32, #tpu.memory_space<vmem>> -> memref<128xi32, #tpu.memory_space<vmem>>
          %dma_wait3A_370 = arith.constant 0 : i32
          %dma_wait3A_371 = arith.constant 0 : i32
          %dma_wait3A_372 = tpu.memref_slice %arg18[%dma_wait3A_370, %dma_wait3A_371] : memref<50176x16xf32, #tpu.memory_space<vmem_shared>> -> memref<50176x16xf32, #tpu.memory_space<vmem_shared>>
          tpu.wait_indirect_dma semaphore(%arg21 : memref<!tpu.dma_semaphore, #tpu.memory_space<semaphore_mem>>) src(%dma_wait3A_366 : memref<128x16xf32, #tpu.memory_space<vmem>>) dst(%dma_wait3A_372 : memref<50176x16xf32, #tpu.memory_space<vmem_shared>>)
        } else {
        }
        %add3A_200 = arith.constant 1 : i32
        %add3A_201 = arith.addi %scan3A_164, %add3A_200 : i32
        %lt3A = arith.constant 25 : i32
        %lt3A_202 = arith.cmpi slt, %add3A_201, %lt3A : i32
        %convert_element_type3A_203 = arith.extui %lt3A_202 : i1 to i32
        %cond3A_204 = arith.constant 0 : i32
        %cond3A_205 = arith.cmpi ne, %convert_element_type3A_203, %cond3A_204 : i32
        scf.if %cond3A_205 {
          %add3A_293 = arith.constant 1 : i32
          %add3A_294 = arith.addi %scan3A_164, %add3A_293 : i32
          %mul3A_295 = arith.constant 25600 : i32
          %mul3A_296 = arith.muli %add3A, %mul3A_295 : i32
          %mul3A_297 = arith.constant 1024 : i32
          %mul3A_298 = arith.muli %add3A_294, %mul3A_297 : i32
          %add3A_299 = arith.addi %mul3A_296, %mul3A_298 : i32
          %multiple_of3A_300 = tpu.assume_multiple %add3A_299, 1024 : i32
          %jit3A_301 = arith.constant 512 : i32
          %div3A_302 = arith.divsi %multiple_of3A_300, %jit3A_301 : i32
          %sign3A_303 = arith.constant 0 : i32
          %sign3A_304 = arith.cmpi sgt, %multiple_of3A_300, %sign3A_303 : i32
          %sign3A_305 = arith.extui %sign3A_304 : i1 to i32
          %sign3A_306 = arith.constant 0 : i32
          %sign3A_307 = arith.cmpi slt, %multiple_of3A_300, %sign3A_306 : i32
          %sign3A_308 = arith.extui %sign3A_307 : i1 to i32
          %sign3A_309 = arith.subi %sign3A_305, %sign3A_308 : i32
          %sign3A_310 = arith.constant 0 : i32
          %sign3A_311 = arith.cmpi sgt, %jit3A_301, %sign3A_310 : i32
          %sign3A_312 = arith.extui %sign3A_311 : i1 to i32
          %sign3A_313 = arith.constant 0 : i32
          %sign3A_314 = arith.cmpi slt, %jit3A_301, %sign3A_313 : i32
          %sign3A_315 = arith.extui %sign3A_314 : i1 to i32
          %sign3A_316 = arith.subi %sign3A_312, %sign3A_315 : i32
          %ne3A_317 = arith.cmpi ne, %sign3A_309, %sign3A_316 : i32
          %rem3A_318 = arith.remsi %multiple_of3A_300, %jit3A_301 : i32
          %ne3A_319 = arith.constant 0 : i32
          %ne3A_320 = arith.cmpi ne, %rem3A_318, %ne3A_319 : i32
          %and3A_321 = arith.andi %ne3A_317, %ne3A_320 : i1
          %sub3A_322 = arith.constant 1 : i32
          %sub3A_323 = arith.subi %div3A_302, %sub3A_322 : i32
          %select_n3A_324 = arith.select %and3A_321, %sub3A_323, %div3A_302 : i32
          %mul3A_325 = arith.constant 12 : i32
          %mul3A_326 = arith.muli %select_n3A_324, %mul3A_325 : i32
          %multiple_of3A_327 = tpu.assume_multiple %mul3A_326, 24 : i32
          %jit3A_328 = arith.constant 128 : i32
          %div3A_329 = arith.divsi %multiple_of3A_300, %jit3A_328 : i32
          %sign3A_330 = arith.constant 0 : i32
          %sign3A_331 = arith.cmpi sgt, %multiple_of3A_300, %sign3A_330 : i32
          %sign3A_332 = arith.extui %sign3A_331 : i1 to i32
          %sign3A_333 = arith.constant 0 : i32
          %sign3A_334 = arith.cmpi slt, %multiple_of3A_300, %sign3A_333 : i32
          %sign3A_335 = arith.extui %sign3A_334 : i1 to i32
          %sign3A_336 = arith.subi %sign3A_332, %sign3A_335 : i32
          %sign3A_337 = arith.constant 0 : i32
          %sign3A_338 = arith.cmpi sgt, %jit3A_328, %sign3A_337 : i32
          %sign3A_339 = arith.extui %sign3A_338 : i1 to i32
          %sign3A_340 = arith.constant 0 : i32
          %sign3A_341 = arith.cmpi slt, %jit3A_328, %sign3A_340 : i32
          %sign3A_342 = arith.extui %sign3A_341 : i1 to i32
          %sign3A_343 = arith.subi %sign3A_339, %sign3A_342 : i32
          %ne3A_344 = arith.cmpi ne, %sign3A_336, %sign3A_343 : i32
          %rem3A_345 = arith.remsi %multiple_of3A_300, %jit3A_328 : i32
          %ne3A_346 = arith.constant 0 : i32
          %ne3A_347 = arith.cmpi ne, %rem3A_345, %ne3A_346 : i32
          %and3A_348 = arith.andi %ne3A_344, %ne3A_347 : i1
          %sub3A_349 = arith.constant 1 : i32
          %sub3A_350 = arith.subi %div3A_329, %sub3A_349 : i32
          %select_n3A_351 = arith.select %and3A_348, %sub3A_350, %div3A_329 : i32
          %multiple_of3A_352 = tpu.assume_multiple %select_n3A_351, 8 : i32
          %dma_start3A_353 = arith.constant 0 : i32
          %dma_start3A_354 = tpu.memref_slice %arg2[%multiple_of3A_327, %dma_start3A_353] : memref<19200x512xf32, #tpu.memory_space<hbm>> -> memref<24x512xf32, #tpu.memory_space<hbm>>
          %dma_start3A_355 = arith.constant 0 : i32
          %dma_start3A_356 = tpu.memref_slice %arg2[%multiple_of3A_327, %dma_start3A_355] : memref<19200x512xf32, #tpu.memory_space<hbm>> -> memref<24x512xf32, #tpu.memory_space<hbm>>
          tpu.enqueue_dma source(%dma_start3A_356 : memref<24x512xf32, #tpu.memory_space<hbm>>) target(%arg10 : memref<24x512xf32, #tpu.memory_space<vmem>>) target_semaphore(%arg19 : memref<!tpu.dma_semaphore, #tpu.memory_space<semaphore_mem>>)
          %dma_start3A_357 = arith.constant 0 : i32
          %dma_start3A_358 = tpu.memref_slice %arg3[%multiple_of3A_352, %dma_start3A_357] : memref<6400x128xi32, #tpu.memory_space<hbm>> -> memref<8x128xi32, #tpu.memory_space<hbm>>
          %dma_start3A_359 = arith.constant 0 : i32
          %dma_start3A_360 = tpu.memref_slice %arg3[%multiple_of3A_352, %dma_start3A_359] : memref<6400x128xi32, #tpu.memory_space<hbm>> -> memref<8x128xi32, #tpu.memory_space<hbm>>
          tpu.enqueue_dma source(%dma_start3A_360 : memref<8x128xi32, #tpu.memory_space<hbm>>) target(%arg12 : memref<8x128xi32, #tpu.memory_space<vmem>>) target_semaphore(%arg19 : memref<!tpu.dma_semaphore, #tpu.memory_space<semaphore_mem>>)
          %dma_start3A_361 = arith.constant 0 : i32
          %dma_start3A_362 = tpu.memref_slice %arg4[%multiple_of3A_352, %dma_start3A_361] : memref<6400x128xi32, #tpu.memory_space<hbm>> -> memref<8x128xi32, #tpu.memory_space<hbm>>
          %dma_start3A_363 = arith.constant 0 : i32
          %dma_start3A_364 = tpu.memref_slice %arg4[%multiple_of3A_352, %dma_start3A_363] : memref<6400x128xi32, #tpu.memory_space<hbm>> -> memref<8x128xi32, #tpu.memory_space<hbm>>
          tpu.enqueue_dma source(%dma_start3A_364 : memref<8x128xi32, #tpu.memory_space<hbm>>) target(%arg14 : memref<8x128xi32, #tpu.memory_space<vmem>>) target_semaphore(%arg19 : memref<!tpu.dma_semaphore, #tpu.memory_space<semaphore_mem>>)
        } else {
        }
        %scan3A_206 = arith.constant 0 : i32
        %scan3A_207 = arith.constant 0 : i32
        %scan3A_208 = arith.constant 2 : i32
        %scan3A_209 = arith.addi %scan3A_207, %scan3A_208 : i32
        %scan3A_210 = arith.constant 1 : i32
        %scan3A_211 = scf.for %scan3A_293 = %scan3A_207 to %scan3A_209 step %scan3A_210 iter_args(%scan3A_294 = %scan3A_206) -> (i32)  : i32 {
          %scan3A_295 = arith.constant 0 : i32
          %scan3A_296 = arith.constant 0 : i32
          %scan3A_297 = arith.constant 4 : i32
          %scan3A_298 = arith.addi %scan3A_296, %scan3A_297 : i32
          %scan3A_299 = arith.constant 1 : i32
          %scan3A_300 = scf.for %scan3A_303 = %scan3A_296 to %scan3A_298 step %scan3A_299 iter_args(%scan3A_304 = %scan3A_295) -> (i32)  : i32 {
            %scan3A_305 = arith.constant 0 : i32
            %scan3A_306 = arith.constant 0 : i32
            %scan3A_307 = arith.constant 8 : i32
            %scan3A_308 = arith.addi %scan3A_306, %scan3A_307 : i32
            %scan3A_309 = arith.constant 1 : i32
            %scan3A_310 = scf.for %scan3A_313 = %scan3A_306 to %scan3A_308 step %scan3A_309 iter_args(%scan3A_314 = %scan3A_305) -> (i32)  : i32 {
              %mul3A_315 = arith.constant 128 : i32
              %mul3A_316 = arith.muli %scan3A_303, %mul3A_315 : i32
              %mul3A_317 = arith.constant 16 : i32
              %mul3A_318 = arith.muli %scan3A_313, %mul3A_317 : i32
              %add3A_319 = arith.addi %mul3A_316, %mul3A_318 : i32
              %mul3A_320 = arith.constant 4 : i32
              %mul3A_321 = arith.muli %scan3A_293, %mul3A_320 : i32
              %add3A_322 = arith.addi %mul3A_321, %scan3A_303 : i32
              %mul3A_323 = arith.constant 16 : i32
              %mul3A_324 = arith.muli %scan3A_313, %mul3A_323 : i32
              %mul3A_325 = arith.constant 512 : i32
              %mul3A_326 = arith.muli %scan3A_293, %mul3A_325 : i32
              %add3A_327 = arith.addi %mul3A_326, %add3A_319 : i32
              %get3A = arith.index_cast %add3A_322 : i32 to index
              %get3A_328 = arith.index_cast %mul3A_324 : i32 to index
              %get3A_329 = tpu.vector_load %arg15[%get3A, %get3A_328] {strides = array<i32>} : memref<8x128xi32, #tpu.memory_space<vmem>>, vector<16xi32>,
              %get3A_330 = arith.index_cast %add3A_322 : i32 to index
              %get3A_331 = arith.index_cast %mul3A_324 : i32 to index
              %get3A_332 = tpu.vector_load %arg13[%get3A_330, %get3A_331] {strides = array<i32>} : memref<8x128xi32, #tpu.memory_space<vmem>>, vector<16xi32>,
              %shift_right_logical3A = arith.constant 2 : i32
              %shift_right_logical3A_333 = vector.broadcast %shift_right_logical3A : i32 to vector<16xi32>
              %shift_right_logical3A_334 = arith.shrui %get3A_329, %shift_right_logical3A_333 : vector<16xi32>
              %gather3A = tpu.vector_load_idx %arg8[%shift_right_logical3A_334] : memref<12544xi32, #tpu.memory_space<vmem>>[vector<16xi32>], vector<16xi32>,
              %shift_right_logical3A_335 = arith.constant 2 : i32
              %shift_right_logical3A_336 = vector.broadcast %shift_right_logical3A_335 : i32 to vector<16xi32>
              %shift_right_logical3A_337 = arith.shrui %get3A_332, %shift_right_logical3A_336 : vector<16xi32>
              %gather3A_338 = tpu.vector_load_idx %arg8[%shift_right_logical3A_337] : memref<12544xi32, #tpu.memory_space<vmem>>[vector<16xi32>], vector<16xi32>,
              %and3A_339 = arith.constant 3 : i32
              %and3A_340 = vector.broadcast %and3A_339 : i32 to vector<16xi32>
              %and3A_341 = arith.andi %get3A_329, %and3A_340 : vector<16xi32>
              %shift_left3A = arith.constant 3 : i32
              %shift_left3A_342 = vector.broadcast %shift_left3A : i32 to vector<16xi32>
              %shift_left3A_343 = arith.shli %and3A_341, %shift_left3A_342 : vector<16xi32>
              %shift_right_logical3A_344 = arith.shrui %gather3A, %shift_left3A_343 : vector<16xi32>
              %and3A_345 = arith.constant 7 : i32
              %and3A_346 = vector.broadcast %and3A_345 : i32 to vector<16xi32>
              %and3A_347 = arith.andi %shift_right_logical3A_344, %and3A_346 : vector<16xi32>
              %and3A_348 = arith.constant 3 : i32
              %and3A_349 = vector.broadcast %and3A_348 : i32 to vector<16xi32>
              %and3A_350 = arith.andi %get3A_332, %and3A_349 : vector<16xi32>
              %shift_left3A_351 = arith.constant 3 : i32
              %shift_left3A_352 = vector.broadcast %shift_left3A_351 : i32 to vector<16xi32>
              %shift_left3A_353 = arith.shli %and3A_350, %shift_left3A_352 : vector<16xi32>
              %shift_right_logical3A_354 = arith.shrui %gather3A_338, %shift_left3A_353 : vector<16xi32>
              %and3A_355 = arith.constant 7 : i32
              %and3A_356 = vector.broadcast %and3A_355 : i32 to vector<16xi32>
              %and3A_357 = arith.andi %shift_right_logical3A_354, %and3A_356 : vector<16xi32>
              %mul3A_358 = arith.constant 5 : i32
              %mul3A_359 = vector.broadcast %mul3A_358 : i32 to vector<16xi32>
              %mul3A_360 = arith.muli %and3A_347, %mul3A_359 : vector<16xi32>
              %add3A_361 = arith.addi %mul3A_360, %and3A_357 : vector<16xi32>
              %mul3A_362 = arith.constant 24 : i32
              %mul3A_363 = vector.broadcast %mul3A_362 : i32 to vector<16xi32>
              %mul3A_364 = arith.muli %add3A_361, %mul3A_363 : vector<16xi32>
              %mul3A_365 = arith.constant 12 : i32
              %mul3A_366 = arith.muli %scan3A_293, %mul3A_365 : i32
              %add3A_367 = arith.constant 0 : i32
              %add3A_368 = arith.addi %mul3A_366, %add3A_367 : i32
              %get3A_369 = arith.index_cast %add3A_368 : i32 to index
              %get3A_370 = arith.index_cast %add3A_319 : i32 to index
              %get3A_371 = tpu.vector_load %arg11[%get3A_369, %get3A_370] {strides = array<i32>} : memref<24x512xf32, #tpu.memory_space<vmem>>, vector<16xf32>,
              %add3A_372 = arith.constant 1 : i32
              %add3A_373 = arith.addi %mul3A_366, %add3A_372 : i32
              %get3A_374 = arith.index_cast %add3A_373 : i32 to index
              %get3A_375 = arith.index_cast %add3A_319 : i32 to index
              %get3A_376 = tpu.vector_load %arg11[%get3A_374, %get3A_375] {strides = array<i32>} : memref<24x512xf32, #tpu.memory_space<vmem>>, vector<16xf32>,
              %add3A_377 = arith.constant 2 : i32
              %add3A_378 = arith.addi %mul3A_366, %add3A_377 : i32
              %get3A_379 = arith.index_cast %add3A_378 : i32 to index
              %get3A_380 = arith.index_cast %add3A_319 : i32 to index
              %get3A_381 = tpu.vector_load %arg11[%get3A_379, %get3A_380] {strides = array<i32>} : memref<24x512xf32, #tpu.memory_space<vmem>>, vector<16xf32>,
              %add3A_382 = arith.constant 3 : i32
              %add3A_383 = arith.addi %mul3A_366, %add3A_382 : i32
              %get3A_384 = arith.index_cast %add3A_383 : i32 to index
              %get3A_385 = arith.index_cast %add3A_319 : i32 to index
              %get3A_386 = tpu.vector_load %arg11[%get3A_384, %get3A_385] {strides = array<i32>} : memref<24x512xf32, #tpu.memory_space<vmem>>, vector<16xf32>,
              %add3A_387 = arith.constant 4 : i32
              %add3A_388 = arith.addi %mul3A_366, %add3A_387 : i32
              %get3A_389 = arith.index_cast %add3A_388 : i32 to index
              %get3A_390 = arith.index_cast %add3A_319 : i32 to index
              %get3A_391 = tpu.vector_load %arg11[%get3A_389, %get3A_390] {strides = array<i32>} : memref<24x512xf32, #tpu.memory_space<vmem>>, vector<16xf32>,
              %add3A_392 = arith.constant 5 : i32
              %add3A_393 = arith.addi %mul3A_366, %add3A_392 : i32
              %get3A_394 = arith.index_cast %add3A_393 : i32 to index
              %get3A_395 = arith.index_cast %add3A_319 : i32 to index
              %get3A_396 = tpu.vector_load %arg11[%get3A_394, %get3A_395] {strides = array<i32>} : memref<24x512xf32, #tpu.memory_space<vmem>>, vector<16xf32>,
              %add3A_397 = arith.constant 6 : i32
              %add3A_398 = arith.addi %mul3A_366, %add3A_397 : i32
              %get3A_399 = arith.index_cast %add3A_398 : i32 to index
              %get3A_400 = arith.index_cast %add3A_319 : i32 to index
              %get3A_401 = tpu.vector_load %arg11[%get3A_399, %get3A_400] {strides = array<i32>} : memref<24x512xf32, #tpu.memory_space<vmem>>, vector<16xf32>,
              %add3A_402 = arith.constant 7 : i32
              %add3A_403 = arith.addi %mul3A_366, %add3A_402 : i32
              %get3A_404 = arith.index_cast %add3A_403 : i32 to index
              %get3A_405 = arith.index_cast %add3A_319 : i32 to index
              %get3A_406 = tpu.vector_load %arg11[%get3A_404, %get3A_405] {strides = array<i32>} : memref<24x512xf32, #tpu.memory_space<vmem>>, vector<16xf32>,
              %add3A_407 = arith.constant 0 : i32
              %add3A_408 = vector.broadcast %add3A_407 : i32 to vector<16xi32>
              %add3A_409 = arith.addi %mul3A_364, %add3A_408 : vector<16xi32>
              %gather3A_410 = tpu.vector_load_idx %arg9[%add3A_409] : memref<640xf32, #tpu.memory_space<vmem>>[vector<16xi32>], vector<16xf32>,
              %mul3A_411 = arith.mulf %get3A_371, %gather3A_410 : vector<16xf32>
              %add3A_412 = arith.constant 1 : i32
              %add3A_413 = vector.broadcast %add3A_412 : i32 to vector<16xi32>
              %add3A_414 = arith.addi %mul3A_364, %add3A_413 : vector<16xi32>
              %gather3A_415 = tpu.vector_load_idx %arg9[%add3A_414] : memref<640xf32, #tpu.memory_space<vmem>>[vector<16xi32>], vector<16xf32>,
              %mul3A_416 = arith.mulf %get3A_376, %gather3A_415 : vector<16xf32>
              %add3A_417 = arith.addf %mul3A_411, %mul3A_416 : vector<16xf32>
              %add3A_418 = arith.constant 2 : i32
              %add3A_419 = vector.broadcast %add3A_418 : i32 to vector<16xi32>
              %add3A_420 = arith.addi %mul3A_364, %add3A_419 : vector<16xi32>
              %gather3A_421 = tpu.vector_load_idx %arg9[%add3A_420] : memref<640xf32, #tpu.memory_space<vmem>>[vector<16xi32>], vector<16xf32>,
              %mul3A_422 = arith.mulf %get3A_381, %gather3A_421 : vector<16xf32>
              %add3A_423 = arith.addf %add3A_417, %mul3A_422 : vector<16xf32>
              %add3A_424 = arith.constant 3 : i32
              %add3A_425 = vector.broadcast %add3A_424 : i32 to vector<16xi32>
              %add3A_426 = arith.addi %mul3A_364, %add3A_425 : vector<16xi32>
              %gather3A_427 = tpu.vector_load_idx %arg9[%add3A_426] : memref<640xf32, #tpu.memory_space<vmem>>[vector<16xi32>], vector<16xf32>,
              %mul3A_428 = arith.mulf %get3A_386, %gather3A_427 : vector<16xf32>
              %add3A_429 = arith.addf %add3A_423, %mul3A_428 : vector<16xf32>
              %add3A_430 = arith.constant 4 : i32
              %add3A_431 = vector.broadcast %add3A_430 : i32 to vector<16xi32>
              %add3A_432 = arith.addi %mul3A_364, %add3A_431 : vector<16xi32>
              %gather3A_433 = tpu.vector_load_idx %arg9[%add3A_432] : memref<640xf32, #tpu.memory_space<vmem>>[vector<16xi32>], vector<16xf32>,
              %mul3A_434 = arith.mulf %get3A_391, %gather3A_433 : vector<16xf32>
              %add3A_435 = arith.addf %add3A_429, %mul3A_434 : vector<16xf32>
              %add3A_436 = arith.constant 5 : i32
              %add3A_437 = vector.broadcast %add3A_436 : i32 to vector<16xi32>
              %add3A_438 = arith.addi %mul3A_364, %add3A_437 : vector<16xi32>
              %gather3A_439 = tpu.vector_load_idx %arg9[%add3A_438] : memref<640xf32, #tpu.memory_space<vmem>>[vector<16xi32>], vector<16xf32>,
              %mul3A_440 = arith.mulf %get3A_396, %gather3A_439 : vector<16xf32>
              %add3A_441 = arith.addf %add3A_435, %mul3A_440 : vector<16xf32>
              %add3A_442 = arith.constant 6 : i32
              %add3A_443 = vector.broadcast %add3A_442 : i32 to vector<16xi32>
              %add3A_444 = arith.addi %mul3A_364, %add3A_443 : vector<16xi32>
              %gather3A_445 = tpu.vector_load_idx %arg9[%add3A_444] : memref<640xf32, #tpu.memory_space<vmem>>[vector<16xi32>], vector<16xf32>,
              %mul3A_446 = arith.mulf %get3A_401, %gather3A_445 : vector<16xf32>
              %add3A_447 = arith.addf %add3A_441, %mul3A_446 : vector<16xf32>
              %add3A_448 = arith.constant 7 : i32
              %add3A_449 = vector.broadcast %add3A_448 : i32 to vector<16xi32>
              %add3A_450 = arith.addi %mul3A_364, %add3A_449 : vector<16xi32>
              %gather3A_451 = tpu.vector_load_idx %arg9[%add3A_450] : memref<640xf32, #tpu.memory_space<vmem>>[vector<16xi32>], vector<16xf32>,
              %mul3A_452 = arith.mulf %get3A_406, %gather3A_451 : vector<16xf32>
              %add3A_453 = arith.addf %add3A_447, %mul3A_452 : vector<16xf32>
              %add3A_454 = arith.constant 8 : i32
              %add3A_455 = vector.broadcast %add3A_454 : i32 to vector<16xi32>
              %add3A_456 = arith.addi %mul3A_364, %add3A_455 : vector<16xi32>
              %gather3A_457 = tpu.vector_load_idx %arg9[%add3A_456] : memref<640xf32, #tpu.memory_space<vmem>>[vector<16xi32>], vector<16xf32>,
              %mul3A_458 = arith.mulf %get3A_371, %gather3A_457 : vector<16xf32>
              %add3A_459 = arith.constant 9 : i32
              %add3A_460 = vector.broadcast %add3A_459 : i32 to vector<16xi32>
              %add3A_461 = arith.addi %mul3A_364, %add3A_460 : vector<16xi32>
              %gather3A_462 = tpu.vector_load_idx %arg9[%add3A_461] : memref<640xf32, #tpu.memory_space<vmem>>[vector<16xi32>], vector<16xf32>,
              %mul3A_463 = arith.mulf %get3A_376, %gather3A_462 : vector<16xf32>
              %add3A_464 = arith.addf %mul3A_458, %mul3A_463 : vector<16xf32>
              %add3A_465 = arith.constant 10 : i32
              %add3A_466 = vector.broadcast %add3A_465 : i32 to vector<16xi32>
              %add3A_467 = arith.addi %mul3A_364, %add3A_466 : vector<16xi32>
              %gather3A_468 = tpu.vector_load_idx %arg9[%add3A_467] : memref<640xf32, #tpu.memory_space<vmem>>[vector<16xi32>], vector<16xf32>,
              %mul3A_469 = arith.mulf %get3A_381, %gather3A_468 : vector<16xf32>
              %add3A_470 = arith.addf %add3A_464, %mul3A_469 : vector<16xf32>
              %add3A_471 = arith.constant 11 : i32
              %add3A_472 = vector.broadcast %add3A_471 : i32 to vector<16xi32>
              %add3A_473 = arith.addi %mul3A_364, %add3A_472 : vector<16xi32>
              %gather3A_474 = tpu.vector_load_idx %arg9[%add3A_473] : memref<640xf32, #tpu.memory_space<vmem>>[vector<16xi32>], vector<16xf32>,
              %mul3A_475 = arith.mulf %get3A_386, %gather3A_474 : vector<16xf32>
              %add3A_476 = arith.addf %add3A_470, %mul3A_475 : vector<16xf32>
              %add3A_477 = arith.constant 12 : i32
              %add3A_478 = vector.broadcast %add3A_477 : i32 to vector<16xi32>
              %add3A_479 = arith.addi %mul3A_364, %add3A_478 : vector<16xi32>
              %gather3A_480 = tpu.vector_load_idx %arg9[%add3A_479] : memref<640xf32, #tpu.memory_space<vmem>>[vector<16xi32>], vector<16xf32>,
              %mul3A_481 = arith.mulf %get3A_391, %gather3A_480 : vector<16xf32>
              %add3A_482 = arith.addf %add3A_476, %mul3A_481 : vector<16xf32>
              %add3A_483 = arith.constant 13 : i32
              %add3A_484 = vector.broadcast %add3A_483 : i32 to vector<16xi32>
              %add3A_485 = arith.addi %mul3A_364, %add3A_484 : vector<16xi32>
              %gather3A_486 = tpu.vector_load_idx %arg9[%add3A_485] : memref<640xf32, #tpu.memory_space<vmem>>[vector<16xi32>], vector<16xf32>,
              %mul3A_487 = arith.mulf %get3A_396, %gather3A_486 : vector<16xf32>
              %add3A_488 = arith.addf %add3A_482, %mul3A_487 : vector<16xf32>
              %add3A_489 = arith.constant 14 : i32
              %add3A_490 = vector.broadcast %add3A_489 : i32 to vector<16xi32>
              %add3A_491 = arith.addi %mul3A_364, %add3A_490 : vector<16xi32>
              %gather3A_492 = tpu.vector_load_idx %arg9[%add3A_491] : memref<640xf32, #tpu.memory_space<vmem>>[vector<16xi32>], vector<16xf32>,
              %mul3A_493 = arith.mulf %get3A_401, %gather3A_492 : vector<16xf32>
              %add3A_494 = arith.addf %add3A_488, %mul3A_493 : vector<16xf32>
              %add3A_495 = arith.constant 15 : i32
              %add3A_496 = vector.broadcast %add3A_495 : i32 to vector<16xi32>
              %add3A_497 = arith.addi %mul3A_364, %add3A_496 : vector<16xi32>
              %gather3A_498 = tpu.vector_load_idx %arg9[%add3A_497] : memref<640xf32, #tpu.memory_space<vmem>>[vector<16xi32>], vector<16xf32>,
              %mul3A_499 = arith.mulf %get3A_406, %gather3A_498 : vector<16xf32>
              %add3A_500 = arith.addf %add3A_494, %mul3A_499 : vector<16xf32>
              %add3A_501 = arith.constant 16 : i32
              %add3A_502 = vector.broadcast %add3A_501 : i32 to vector<16xi32>
              %add3A_503 = arith.addi %mul3A_364, %add3A_502 : vector<16xi32>
              %gather3A_504 = tpu.vector_load_idx %arg9[%add3A_503] : memref<640xf32, #tpu.memory_space<vmem>>[vector<16xi32>], vector<16xf32>,
              %mul3A_505 = arith.mulf %get3A_371, %gather3A_504 : vector<16xf32>
              %add3A_506 = arith.constant 17 : i32
              %add3A_507 = vector.broadcast %add3A_506 : i32 to vector<16xi32>
              %add3A_508 = arith.addi %mul3A_364, %add3A_507 : vector<16xi32>
              %gather3A_509 = tpu.vector_load_idx %arg9[%add3A_508] : memref<640xf32, #tpu.memory_space<vmem>>[vector<16xi32>], vector<16xf32>,
              %mul3A_510 = arith.mulf %get3A_376, %gather3A_509 : vector<16xf32>
              %add3A_511 = arith.addf %mul3A_505, %mul3A_510 : vector<16xf32>
              %add3A_512 = arith.constant 18 : i32
              %add3A_513 = vector.broadcast %add3A_512 : i32 to vector<16xi32>
              %add3A_514 = arith.addi %mul3A_364, %add3A_513 : vector<16xi32>
              %gather3A_515 = tpu.vector_load_idx %arg9[%add3A_514] : memref<640xf32, #tpu.memory_space<vmem>>[vector<16xi32>], vector<16xf32>,
              %mul3A_516 = arith.mulf %get3A_381, %gather3A_515 : vector<16xf32>
              %add3A_517 = arith.addf %add3A_511, %mul3A_516 : vector<16xf32>
              %add3A_518 = arith.constant 19 : i32
              %add3A_519 = vector.broadcast %add3A_518 : i32 to vector<16xi32>
              %add3A_520 = arith.addi %mul3A_364, %add3A_519 : vector<16xi32>
              %gather3A_521 = tpu.vector_load_idx %arg9[%add3A_520] : memref<640xf32, #tpu.memory_space<vmem>>[vector<16xi32>], vector<16xf32>,
              %mul3A_522 = arith.mulf %get3A_386, %gather3A_521 : vector<16xf32>
              %add3A_523 = arith.addf %add3A_517, %mul3A_522 : vector<16xf32>
              %add3A_524 = arith.constant 20 : i32
              %add3A_525 = vector.broadcast %add3A_524 : i32 to vector<16xi32>
              %add3A_526 = arith.addi %mul3A_364, %add3A_525 : vector<16xi32>
              %gather3A_527 = tpu.vector_load_idx %arg9[%add3A_526] : memref<640xf32, #tpu.memory_space<vmem>>[vector<16xi32>], vector<16xf32>,
              %mul3A_528 = arith.mulf %get3A_391, %gather3A_527 : vector<16xf32>
              %add3A_529 = arith.addf %add3A_523, %mul3A_528 : vector<16xf32>
              %add3A_530 = arith.constant 21 : i32
              %add3A_531 = vector.broadcast %add3A_530 : i32 to vector<16xi32>
              %add3A_532 = arith.addi %mul3A_364, %add3A_531 : vector<16xi32>
              %gather3A_533 = tpu.vector_load_idx %arg9[%add3A_532] : memref<640xf32, #tpu.memory_space<vmem>>[vector<16xi32>], vector<16xf32>,
              %mul3A_534 = arith.mulf %get3A_396, %gather3A_533 : vector<16xf32>
              %add3A_535 = arith.addf %add3A_529, %mul3A_534 : vector<16xf32>
              %add3A_536 = arith.constant 22 : i32
              %add3A_537 = vector.broadcast %add3A_536 : i32 to vector<16xi32>
              %add3A_538 = arith.addi %mul3A_364, %add3A_537 : vector<16xi32>
              %gather3A_539 = tpu.vector_load_idx %arg9[%add3A_538] : memref<640xf32, #tpu.memory_space<vmem>>[vector<16xi32>], vector<16xf32>,
              %mul3A_540 = arith.mulf %get3A_401, %gather3A_539 : vector<16xf32>
              %add3A_541 = arith.addf %add3A_535, %mul3A_540 : vector<16xf32>
              %add3A_542 = arith.constant 23 : i32
              %add3A_543 = vector.broadcast %add3A_542 : i32 to vector<16xi32>
              %add3A_544 = arith.addi %mul3A_364, %add3A_543 : vector<16xi32>
              %gather3A_545 = tpu.vector_load_idx %arg9[%add3A_544] : memref<640xf32, #tpu.memory_space<vmem>>[vector<16xi32>], vector<16xf32>,
              %mul3A_546 = arith.mulf %get3A_406, %gather3A_545 : vector<16xf32>
              %add3A_547 = arith.addf %add3A_541, %mul3A_546 : vector<16xf32>
              %add3A_548 = vector.broadcast %add3A_327 : i32 to vector<16xi32>
              %add3A_549 = arith.addi %add3A_548, %iota3A : vector<16xi32>
              %add3A_550 = arith.constant 8 : i32
              %add3A_551 = arith.addi %mul3A_366, %add3A_550 : i32
              %add3A_552 = arith.constant 0 : i32
              %add3A_553 = arith.addi %add3A_551, %add3A_552 : i32
              %get3A_554 = arith.index_cast %add3A_553 : i32 to index
              %get3A_555 = arith.index_cast %add3A_319 : i32 to index
              %get3A_556 = tpu.vector_load %arg11[%get3A_554, %get3A_555] {strides = array<i32>} : memref<24x512xf32, #tpu.memory_space<vmem>>, vector<16xf32>,
              %broadcast_in_dim3A_557 = arith.constant 0 : i32
              %broadcast_in_dim3A_558 = vector.broadcast %broadcast_in_dim3A_557 : i32 to vector<16xi32>
              %mul3A_559 = arith.mulf %get3A_556, %add3A_453 : vector<16xf32>
              tpu.vector_store_idx %arg17[%add3A_549, %broadcast_in_dim3A_558], %mul3A_559 : memref<1024x16xf32, #tpu.memory_space<vmem>>[vector<16xi32>, vector<16xi32>], vector<16xf32>,
              %broadcast_in_dim3A_560 = arith.constant 1 : i32
              %broadcast_in_dim3A_561 = vector.broadcast %broadcast_in_dim3A_560 : i32 to vector<16xi32>
              %mul3A_562 = arith.mulf %get3A_556, %add3A_500 : vector<16xf32>
              tpu.vector_store_idx %arg17[%add3A_549, %broadcast_in_dim3A_561], %mul3A_562 : memref<1024x16xf32, #tpu.memory_space<vmem>>[vector<16xi32>, vector<16xi32>], vector<16xf32>,
              %broadcast_in_dim3A_563 = arith.constant 2 : i32
              %broadcast_in_dim3A_564 = vector.broadcast %broadcast_in_dim3A_563 : i32 to vector<16xi32>
              %mul3A_565 = arith.mulf %get3A_556, %add3A_547 : vector<16xf32>
              tpu.vector_store_idx %arg17[%add3A_549, %broadcast_in_dim3A_564], %mul3A_565 : memref<1024x16xf32, #tpu.memory_space<vmem>>[vector<16xi32>, vector<16xi32>], vector<16xf32>,
              %add3A_566 = arith.constant 8 : i32
              %add3A_567 = arith.addi %mul3A_366, %add3A_566 : i32
              %add3A_568 = arith.constant 1 : i32
              %add3A_569 = arith.addi %add3A_567, %add3A_568 : i32
              %get3A_570 = arith.index_cast %add3A_569 : i32 to index
              %get3A_571 = arith.index_cast %add3A_319 : i32 to index
              %get3A_572 = tpu.vector_load %arg11[%get3A_570, %get3A_571] {strides = array<i32>} : memref<24x512xf32, #tpu.memory_space<vmem>>, vector<16xf32>,
              %broadcast_in_dim3A_573 = arith.constant 3 : i32
              %broadcast_in_dim3A_574 = vector.broadcast %broadcast_in_dim3A_573 : i32 to vector<16xi32>
              %mul3A_575 = arith.mulf %get3A_572, %add3A_453 : vector<16xf32>
              tpu.vector_store_idx %arg17[%add3A_549, %broadcast_in_dim3A_574], %mul3A_575 : memref<1024x16xf32, #tpu.memory_space<vmem>>[vector<16xi32>, vector<16xi32>], vector<16xf32>,
              %broadcast_in_dim3A_576 = arith.constant 4 : i32
              %broadcast_in_dim3A_577 = vector.broadcast %broadcast_in_dim3A_576 : i32 to vector<16xi32>
              %mul3A_578 = arith.mulf %get3A_572, %add3A_500 : vector<16xf32>
              tpu.vector_store_idx %arg17[%add3A_549, %broadcast_in_dim3A_577], %mul3A_578 : memref<1024x16xf32, #tpu.memory_space<vmem>>[vector<16xi32>, vector<16xi32>], vector<16xf32>,
              %broadcast_in_dim3A_579 = arith.constant 5 : i32
              %broadcast_in_dim3A_580 = vector.broadcast %broadcast_in_dim3A_579 : i32 to vector<16xi32>
              %mul3A_581 = arith.mulf %get3A_572, %add3A_547 : vector<16xf32>
              tpu.vector_store_idx %arg17[%add3A_549, %broadcast_in_dim3A_580], %mul3A_581 : memref<1024x16xf32, #tpu.memory_space<vmem>>[vector<16xi32>, vector<16xi32>], vector<16xf32>,
              %add3A_582 = arith.constant 8 : i32
              %add3A_583 = arith.addi %mul3A_366, %add3A_582 : i32
              %add3A_584 = arith.constant 2 : i32
              %add3A_585 = arith.addi %add3A_583, %add3A_584 : i32
              %get3A_586 = arith.index_cast %add3A_585 : i32 to index
              %get3A_587 = arith.index_cast %add3A_319 : i32 to index
              %get3A_588 = tpu.vector_load %arg11[%get3A_586, %get3A_587] {strides = array<i32>} : memref<24x512xf32, #tpu.memory_space<vmem>>, vector<16xf32>,
              %broadcast_in_dim3A_589 = arith.constant 6 : i32
              %broadcast_in_dim3A_590 = vector.broadcast %broadcast_in_dim3A_589 : i32 to vector<16xi32>
              %mul3A_591 = arith.mulf %get3A_588, %add3A_453 : vector<16xf32>
              tpu.vector_store_idx %arg17[%add3A_549, %broadcast_in_dim3A_590], %mul3A_591 : memref<1024x16xf32, #tpu.memory_space<vmem>>[vector<16xi32>, vector<16xi32>], vector<16xf32>,
              %broadcast_in_dim3A_592 = arith.constant 7 : i32
              %broadcast_in_dim3A_593 = vector.broadcast %broadcast_in_dim3A_592 : i32 to vector<16xi32>
              %mul3A_594 = arith.mulf %get3A_588, %add3A_500 : vector<16xf32>
              tpu.vector_store_idx %arg17[%add3A_549, %broadcast_in_dim3A_593], %mul3A_594 : memref<1024x16xf32, #tpu.memory_space<vmem>>[vector<16xi32>, vector<16xi32>], vector<16xf32>,
              %broadcast_in_dim3A_595 = arith.constant 8 : i32
              %broadcast_in_dim3A_596 = vector.broadcast %broadcast_in_dim3A_595 : i32 to vector<16xi32>
              %mul3A_597 = arith.mulf %get3A_588, %add3A_547 : vector<16xf32>
              tpu.vector_store_idx %arg17[%add3A_549, %broadcast_in_dim3A_596], %mul3A_597 : memref<1024x16xf32, #tpu.memory_space<vmem>>[vector<16xi32>, vector<16xi32>], vector<16xf32>,
              %scan3A_598 = arith.constant 0 : i32
              scf.yield %scan3A_598 : i32
            }
            %scan3A_311 = arith.constant 8 : i32
            %scan3A_312 = arith.constant 0 : i32
            scf.yield %scan3A_312 : i32
          }
          %scan3A_301 = arith.constant 4 : i32
          %scan3A_302 = arith.constant 0 : i32
          scf.yield %scan3A_302 : i32
        }
        %scan3A_212 = arith.constant 2 : i32
        %dma_start3A_213 = arith.constant 0 : i32
        %dma_start3A_214 = arith.constant 0 : i32
        %dma_start3A_215 = arith.constant 0 : i32
        %dma_start3A_216 = tpu.memref_slice %arg17[%dma_start3A_214, %dma_start3A_215] : memref<1024x16xf32, #tpu.memory_space<vmem>> -> memref<128x16xf32, #tpu.memory_space<vmem>>
        %dma_start3A_217 = arith.constant 0 : i32
        %dma_start3A_218 = tpu.memref_slice %arg13[%dma_start3A_213, %dma_start3A_217] : memref<8x128xi32, #tpu.memory_space<vmem>> -> memref<1x128xi32, #tpu.memory_space<vmem>>
        %dma_start3A_219 = tpu.memref_squeeze %dma_start3A_218 : memref<1x128xi32, #tpu.memory_space<vmem>> -> memref<128xi32, #tpu.memory_space<vmem>>
        %dma_start3A_220 = arith.constant 0 : i32
        %dma_start3A_221 = arith.constant 0 : i32
        %dma_start3A_222 = tpu.memref_slice %arg18[%dma_start3A_220, %dma_start3A_221] : memref<50176x16xf32, #tpu.memory_space<vmem_shared>> -> memref<50176x16xf32, #tpu.memory_space<vmem_shared>>
        tpu.enqueue_indirect_dma source(%dma_start3A_216 : memref<128x16xf32, #tpu.memory_space<vmem>>) target(%dma_start3A_222 : memref<50176x16xf32, #tpu.memory_space<vmem_shared>>) offsets(%dma_start3A_219 : memref<128xi32, #tpu.memory_space<vmem>>) semaphore(%arg22 : memref<!tpu.dma_semaphore, #tpu.memory_space<semaphore_mem>>) {add = true}
        %dma_start3A_223 = arith.constant 1 : i32
        %dma_start3A_224 = arith.constant 128 : i32
        %dma_start3A_225 = arith.constant 0 : i32
        %dma_start3A_226 = tpu.memref_slice %arg17[%dma_start3A_224, %dma_start3A_225] : memref<1024x16xf32, #tpu.memory_space<vmem>> -> memref<128x16xf32, #tpu.memory_space<vmem>>
        %dma_start3A_227 = arith.constant 0 : i32
        %dma_start3A_228 = tpu.memref_slice %arg13[%dma_start3A_223, %dma_start3A_227] : memref<8x128xi32, #tpu.memory_space<vmem>> -> memref<1x128xi32, #tpu.memory_space<vmem>>
        %dma_start3A_229 = tpu.memref_squeeze %dma_start3A_228 : memref<1x128xi32, #tpu.memory_space<vmem>> -> memref<128xi32, #tpu.memory_space<vmem>>
        %dma_start3A_230 = arith.constant 0 : i32
        %dma_start3A_231 = arith.constant 0 : i32
        %dma_start3A_232 = tpu.memref_slice %arg18[%dma_start3A_230, %dma_start3A_231] : memref<50176x16xf32, #tpu.memory_space<vmem_shared>> -> memref<50176x16xf32, #tpu.memory_space<vmem_shared>>
        tpu.enqueue_indirect_dma source(%dma_start3A_226 : memref<128x16xf32, #tpu.memory_space<vmem>>) target(%dma_start3A_232 : memref<50176x16xf32, #tpu.memory_space<vmem_shared>>) offsets(%dma_start3A_229 : memref<128xi32, #tpu.memory_space<vmem>>) semaphore(%arg22 : memref<!tpu.dma_semaphore, #tpu.memory_space<semaphore_mem>>) {add = true}
        %dma_start3A_233 = arith.constant 2 : i32
        %dma_start3A_234 = arith.constant 256 : i32
        %dma_start3A_235 = arith.constant 0 : i32
        %dma_start3A_236 = tpu.memref_slice %arg17[%dma_start3A_234, %dma_start3A_235] : memref<1024x16xf32, #tpu.memory_space<vmem>> -> memref<128x16xf32, #tpu.memory_space<vmem>>
        %dma_start3A_237 = arith.constant 0 : i32
        %dma_start3A_238 = tpu.memref_slice %arg13[%dma_start3A_233, %dma_start3A_237] : memref<8x128xi32, #tpu.memory_space<vmem>> -> memref<1x128xi32, #tpu.memory_space<vmem>>
        %dma_start3A_239 = tpu.memref_squeeze %dma_start3A_238 : memref<1x128xi32, #tpu.memory_space<vmem>> -> memref<128xi32, #tpu.memory_space<vmem>>
        %dma_start3A_240 = arith.constant 0 : i32
        %dma_start3A_241 = arith.constant 0 : i32
        %dma_start3A_242 = tpu.memref_slice %arg18[%dma_start3A_240, %dma_start3A_241] : memref<50176x16xf32, #tpu.memory_space<vmem_shared>> -> memref<50176x16xf32, #tpu.memory_space<vmem_shared>>
        tpu.enqueue_indirect_dma source(%dma_start3A_236 : memref<128x16xf32, #tpu.memory_space<vmem>>) target(%dma_start3A_242 : memref<50176x16xf32, #tpu.memory_space<vmem_shared>>) offsets(%dma_start3A_239 : memref<128xi32, #tpu.memory_space<vmem>>) semaphore(%arg22 : memref<!tpu.dma_semaphore, #tpu.memory_space<semaphore_mem>>) {add = true}
        %dma_start3A_243 = arith.constant 3 : i32
        %dma_start3A_244 = arith.constant 384 : i32
        %dma_start3A_245 = arith.constant 0 : i32
        %dma_start3A_246 = tpu.memref_slice %arg17[%dma_start3A_244, %dma_start3A_245] : memref<1024x16xf32, #tpu.memory_space<vmem>> -> memref<128x16xf32, #tpu.memory_space<vmem>>
        %dma_start3A_247 = arith.constant 0 : i32
        %dma_start3A_248 = tpu.memref_slice %arg13[%dma_start3A_243, %dma_start3A_247] : memref<8x128xi32, #tpu.memory_space<vmem>> -> memref<1x128xi32, #tpu.memory_space<vmem>>
        %dma_start3A_249 = tpu.memref_squeeze %dma_start3A_248 : memref<1x128xi32, #tpu.memory_space<vmem>> -> memref<128xi32, #tpu.memory_space<vmem>>
        %dma_start3A_250 = arith.constant 0 : i32
        %dma_start3A_251 = arith.constant 0 : i32
        %dma_start3A_252 = tpu.memref_slice %arg18[%dma_start3A_250, %dma_start3A_251] : memref<50176x16xf32, #tpu.memory_space<vmem_shared>> -> memref<50176x16xf32, #tpu.memory_space<vmem_shared>>
        tpu.enqueue_indirect_dma source(%dma_start3A_246 : memref<128x16xf32, #tpu.memory_space<vmem>>) target(%dma_start3A_252 : memref<50176x16xf32, #tpu.memory_space<vmem_shared>>) offsets(%dma_start3A_249 : memref<128xi32, #tpu.memory_space<vmem>>) semaphore(%arg22 : memref<!tpu.dma_semaphore, #tpu.memory_space<semaphore_mem>>) {add = true}
        %dma_start3A_253 = arith.constant 4 : i32
        %dma_start3A_254 = arith.constant 512 : i32
        %dma_start3A_255 = arith.constant 0 : i32
        %dma_start3A_256 = tpu.memref_slice %arg17[%dma_start3A_254, %dma_start3A_255] : memref<1024x16xf32, #tpu.memory_space<vmem>> -> memref<128x16xf32, #tpu.memory_space<vmem>>
        %dma_start3A_257 = arith.constant 0 : i32
        %dma_start3A_258 = tpu.memref_slice %arg13[%dma_start3A_253, %dma_start3A_257] : memref<8x128xi32, #tpu.memory_space<vmem>> -> memref<1x128xi32, #tpu.memory_space<vmem>>
        %dma_start3A_259 = tpu.memref_squeeze %dma_start3A_258 : memref<1x128xi32, #tpu.memory_space<vmem>> -> memref<128xi32, #tpu.memory_space<vmem>>
        %dma_start3A_260 = arith.constant 0 : i32
        %dma_start3A_261 = arith.constant 0 : i32
        %dma_start3A_262 = tpu.memref_slice %arg18[%dma_start3A_260, %dma_start3A_261] : memref<50176x16xf32, #tpu.memory_space<vmem_shared>> -> memref<50176x16xf32, #tpu.memory_space<vmem_shared>>
        tpu.enqueue_indirect_dma source(%dma_start3A_256 : memref<128x16xf32, #tpu.memory_space<vmem>>) target(%dma_start3A_262 : memref<50176x16xf32, #tpu.memory_space<vmem_shared>>) offsets(%dma_start3A_259 : memref<128xi32, #tpu.memory_space<vmem>>) semaphore(%arg22 : memref<!tpu.dma_semaphore, #tpu.memory_space<semaphore_mem>>) {add = true}
        %dma_start3A_263 = arith.constant 5 : i32
        %dma_start3A_264 = arith.constant 640 : i32
        %dma_start3A_265 = arith.constant 0 : i32
        %dma_start3A_266 = tpu.memref_slice %arg17[%dma_start3A_264, %dma_start3A_265] : memref<1024x16xf32, #tpu.memory_space<vmem>> -> memref<128x16xf32, #tpu.memory_space<vmem>>
        %dma_start3A_267 = arith.constant 0 : i32
        %dma_start3A_268 = tpu.memref_slice %arg13[%dma_start3A_263, %dma_start3A_267] : memref<8x128xi32, #tpu.memory_space<vmem>> -> memref<1x128xi32, #tpu.memory_space<vmem>>
        %dma_start3A_269 = tpu.memref_squeeze %dma_start3A_268 : memref<1x128xi32, #tpu.memory_space<vmem>> -> memref<128xi32, #tpu.memory_space<vmem>>
        %dma_start3A_270 = arith.constant 0 : i32
        %dma_start3A_271 = arith.constant 0 : i32
        %dma_start3A_272 = tpu.memref_slice %arg18[%dma_start3A_270, %dma_start3A_271] : memref<50176x16xf32, #tpu.memory_space<vmem_shared>> -> memref<50176x16xf32, #tpu.memory_space<vmem_shared>>
        tpu.enqueue_indirect_dma source(%dma_start3A_266 : memref<128x16xf32, #tpu.memory_space<vmem>>) target(%dma_start3A_272 : memref<50176x16xf32, #tpu.memory_space<vmem_shared>>) offsets(%dma_start3A_269 : memref<128xi32, #tpu.memory_space<vmem>>) semaphore(%arg22 : memref<!tpu.dma_semaphore, #tpu.memory_space<semaphore_mem>>) {add = true}
        %dma_start3A_273 = arith.constant 6 : i32
        %dma_start3A_274 = arith.constant 768 : i32
        %dma_start3A_275 = arith.constant 0 : i32
        %dma_start3A_276 = tpu.memref_slice %arg17[%dma_start3A_274, %dma_start3A_275] : memref<1024x16xf32, #tpu.memory_space<vmem>> -> memref<128x16xf32, #tpu.memory_space<vmem>>
        %dma_start3A_277 = arith.constant 0 : i32
        %dma_start3A_278 = tpu.memref_slice %arg13[%dma_start3A_273, %dma_start3A_277] : memref<8x128xi32, #tpu.memory_space<vmem>> -> memref<1x128xi32, #tpu.memory_space<vmem>>
        %dma_start3A_279 = tpu.memref_squeeze %dma_start3A_278 : memref<1x128xi32, #tpu.memory_space<vmem>> -> memref<128xi32, #tpu.memory_space<vmem>>
        %dma_start3A_280 = arith.constant 0 : i32
        %dma_start3A_281 = arith.constant 0 : i32
        %dma_start3A_282 = tpu.memref_slice %arg18[%dma_start3A_280, %dma_start3A_281] : memref<50176x16xf32, #tpu.memory_space<vmem_shared>> -> memref<50176x16xf32, #tpu.memory_space<vmem_shared>>
        tpu.enqueue_indirect_dma source(%dma_start3A_276 : memref<128x16xf32, #tpu.memory_space<vmem>>) target(%dma_start3A_282 : memref<50176x16xf32, #tpu.memory_space<vmem_shared>>) offsets(%dma_start3A_279 : memref<128xi32, #tpu.memory_space<vmem>>) semaphore(%arg22 : memref<!tpu.dma_semaphore, #tpu.memory_space<semaphore_mem>>) {add = true}
        %dma_start3A_283 = arith.constant 7 : i32
        %dma_start3A_284 = arith.constant 896 : i32
        %dma_start3A_285 = arith.constant 0 : i32
        %dma_start3A_286 = tpu.memref_slice %arg17[%dma_start3A_284, %dma_start3A_285] : memref<1024x16xf32, #tpu.memory_space<vmem>> -> memref<128x16xf32, #tpu.memory_space<vmem>>
        %dma_start3A_287 = arith.constant 0 : i32
        %dma_start3A_288 = tpu.memref_slice %arg13[%dma_start3A_283, %dma_start3A_287] : memref<8x128xi32, #tpu.memory_space<vmem>> -> memref<1x128xi32, #tpu.memory_space<vmem>>
        %dma_start3A_289 = tpu.memref_squeeze %dma_start3A_288 : memref<1x128xi32, #tpu.memory_space<vmem>> -> memref<128xi32, #tpu.memory_space<vmem>>
        %dma_start3A_290 = arith.constant 0 : i32
        %dma_start3A_291 = arith.constant 0 : i32
        %dma_start3A_292 = tpu.memref_slice %arg18[%dma_start3A_290, %dma_start3A_291] : memref<50176x16xf32, #tpu.memory_space<vmem_shared>> -> memref<50176x16xf32, #tpu.memory_space<vmem_shared>>
        tpu.enqueue_indirect_dma source(%dma_start3A_286 : memref<128x16xf32, #tpu.memory_space<vmem>>) target(%dma_start3A_292 : memref<50176x16xf32, #tpu.memory_space<vmem_shared>>) offsets(%dma_start3A_289 : memref<128xi32, #tpu.memory_space<vmem>>) semaphore(%arg22 : memref<!tpu.dma_semaphore, #tpu.memory_space<semaphore_mem>>) {add = true}
      } else {
      }
      %scan3A_177 = arith.constant 0 : i32
      scf.yield %scan3A_177 : i32
    }
    %scan3A_83 = arith.constant 25 : i32
    %dma_wait3A = arith.constant 0 : i32
    %dma_wait3A_84 = arith.constant 0 : i32
    %dma_wait3A_85 = arith.constant 0 : i32
    %dma_wait3A_86 = tpu.memref_slice %arg16[%dma_wait3A_84, %dma_wait3A_85] : memref<1024x16xf32, #tpu.memory_space<vmem>> -> memref<128x16xf32, #tpu.memory_space<vmem>>
    %dma_wait3A_87 = arith.constant 0 : i32
    %dma_wait3A_88 = tpu.memref_slice %arg12[%dma_wait3A, %dma_wait3A_87] : memref<8x128xi32, #tpu.memory_space<vmem>> -> memref<1x128xi32, #tpu.memory_space<vmem>>
    %dma_wait3A_89 = tpu.memref_squeeze %dma_wait3A_88 : memref<1x128xi32, #tpu.memory_space<vmem>> -> memref<128xi32, #tpu.memory_space<vmem>>
    %dma_wait3A_90 = arith.constant 0 : i32
    %dma_wait3A_91 = arith.constant 0 : i32
    %dma_wait3A_92 = tpu.memref_slice %arg18[%dma_wait3A_90, %dma_wait3A_91] : memref<50176x16xf32, #tpu.memory_space<vmem_shared>> -> memref<50176x16xf32, #tpu.memory_space<vmem_shared>>
    tpu.wait_indirect_dma semaphore(%arg21 : memref<!tpu.dma_semaphore, #tpu.memory_space<semaphore_mem>>) src(%dma_wait3A_86 : memref<128x16xf32, #tpu.memory_space<vmem>>) dst(%dma_wait3A_92 : memref<50176x16xf32, #tpu.memory_space<vmem_shared>>)
    %dma_wait3A_93 = arith.constant 1 : i32
    %dma_wait3A_94 = arith.constant 128 : i32
    %dma_wait3A_95 = arith.constant 0 : i32
    %dma_wait3A_96 = tpu.memref_slice %arg16[%dma_wait3A_94, %dma_wait3A_95] : memref<1024x16xf32, #tpu.memory_space<vmem>> -> memref<128x16xf32, #tpu.memory_space<vmem>>
    %dma_wait3A_97 = arith.constant 0 : i32
    %dma_wait3A_98 = tpu.memref_slice %arg12[%dma_wait3A_93, %dma_wait3A_97] : memref<8x128xi32, #tpu.memory_space<vmem>> -> memref<1x128xi32, #tpu.memory_space<vmem>>
    %dma_wait3A_99 = tpu.memref_squeeze %dma_wait3A_98 : memref<1x128xi32, #tpu.memory_space<vmem>> -> memref<128xi32, #tpu.memory_space<vmem>>
    %dma_wait3A_100 = arith.constant 0 : i32
    %dma_wait3A_101 = arith.constant 0 : i32
    %dma_wait3A_102 = tpu.memref_slice %arg18[%dma_wait3A_100, %dma_wait3A_101] : memref<50176x16xf32, #tpu.memory_space<vmem_shared>> -> memref<50176x16xf32, #tpu.memory_space<vmem_shared>>
    tpu.wait_indirect_dma semaphore(%arg21 : memref<!tpu.dma_semaphore, #tpu.memory_space<semaphore_mem>>) src(%dma_wait3A_96 : memref<128x16xf32, #tpu.memory_space<vmem>>) dst(%dma_wait3A_102 : memref<50176x16xf32, #tpu.memory_space<vmem_shared>>)
    %dma_wait3A_103 = arith.constant 2 : i32
    %dma_wait3A_104 = arith.constant 256 : i32
    %dma_wait3A_105 = arith.constant 0 : i32
    %dma_wait3A_106 = tpu.memref_slice %arg16[%dma_wait3A_104, %dma_wait3A_105] : memref<1024x16xf32, #tpu.memory_space<vmem>> -> memref<128x16xf32, #tpu.memory_space<vmem>>
    %dma_wait3A_107 = arith.constant 0 : i32
    %dma_wait3A_108 = tpu.memref_slice %arg12[%dma_wait3A_103, %dma_wait3A_107] : memref<8x128xi32, #tpu.memory_space<vmem>> -> memref<1x128xi32, #tpu.memory_space<vmem>>
    %dma_wait3A_109 = tpu.memref_squeeze %dma_wait3A_108 : memref<1x128xi32, #tpu.memory_space<vmem>> -> memref<128xi32, #tpu.memory_space<vmem>>
    %dma_wait3A_110 = arith.constant 0 : i32
    %dma_wait3A_111 = arith.constant 0 : i32
    %dma_wait3A_112 = tpu.memref_slice %arg18[%dma_wait3A_110, %dma_wait3A_111] : memref<50176x16xf32, #tpu.memory_space<vmem_shared>> -> memref<50176x16xf32, #tpu.memory_space<vmem_shared>>
    tpu.wait_indirect_dma semaphore(%arg21 : memref<!tpu.dma_semaphore, #tpu.memory_space<semaphore_mem>>) src(%dma_wait3A_106 : memref<128x16xf32, #tpu.memory_space<vmem>>) dst(%dma_wait3A_112 : memref<50176x16xf32, #tpu.memory_space<vmem_shared>>)
    %dma_wait3A_113 = arith.constant 3 : i32
    %dma_wait3A_114 = arith.constant 384 : i32
    %dma_wait3A_115 = arith.constant 0 : i32
    %dma_wait3A_116 = tpu.memref_slice %arg16[%dma_wait3A_114, %dma_wait3A_115] : memref<1024x16xf32, #tpu.memory_space<vmem>> -> memref<128x16xf32, #tpu.memory_space<vmem>>
    %dma_wait3A_117 = arith.constant 0 : i32
    %dma_wait3A_118 = tpu.memref_slice %arg12[%dma_wait3A_113, %dma_wait3A_117] : memref<8x128xi32, #tpu.memory_space<vmem>> -> memref<1x128xi32, #tpu.memory_space<vmem>>
    %dma_wait3A_119 = tpu.memref_squeeze %dma_wait3A_118 : memref<1x128xi32, #tpu.memory_space<vmem>> -> memref<128xi32, #tpu.memory_space<vmem>>
    %dma_wait3A_120 = arith.constant 0 : i32
    %dma_wait3A_121 = arith.constant 0 : i32
    %dma_wait3A_122 = tpu.memref_slice %arg18[%dma_wait3A_120, %dma_wait3A_121] : memref<50176x16xf32, #tpu.memory_space<vmem_shared>> -> memref<50176x16xf32, #tpu.memory_space<vmem_shared>>
    tpu.wait_indirect_dma semaphore(%arg21 : memref<!tpu.dma_semaphore, #tpu.memory_space<semaphore_mem>>) src(%dma_wait3A_116 : memref<128x16xf32, #tpu.memory_space<vmem>>) dst(%dma_wait3A_122 : memref<50176x16xf32, #tpu.memory_space<vmem_shared>>)
    %dma_wait3A_123 = arith.constant 4 : i32
    %dma_wait3A_124 = arith.constant 512 : i32
    %dma_wait3A_125 = arith.constant 0 : i32
    %dma_wait3A_126 = tpu.memref_slice %arg16[%dma_wait3A_124, %dma_wait3A_125] : memref<1024x16xf32, #tpu.memory_space<vmem>> -> memref<128x16xf32, #tpu.memory_space<vmem>>
    %dma_wait3A_127 = arith.constant 0 : i32
    %dma_wait3A_128 = tpu.memref_slice %arg12[%dma_wait3A_123, %dma_wait3A_127] : memref<8x128xi32, #tpu.memory_space<vmem>> -> memref<1x128xi32, #tpu.memory_space<vmem>>
    %dma_wait3A_129 = tpu.memref_squeeze %dma_wait3A_128 : memref<1x128xi32, #tpu.memory_space<vmem>> -> memref<128xi32, #tpu.memory_space<vmem>>
    %dma_wait3A_130 = arith.constant 0 : i32
    %dma_wait3A_131 = arith.constant 0 : i32
    %dma_wait3A_132 = tpu.memref_slice %arg18[%dma_wait3A_130, %dma_wait3A_131] : memref<50176x16xf32, #tpu.memory_space<vmem_shared>> -> memref<50176x16xf32, #tpu.memory_space<vmem_shared>>
    tpu.wait_indirect_dma semaphore(%arg21 : memref<!tpu.dma_semaphore, #tpu.memory_space<semaphore_mem>>) src(%dma_wait3A_126 : memref<128x16xf32, #tpu.memory_space<vmem>>) dst(%dma_wait3A_132 : memref<50176x16xf32, #tpu.memory_space<vmem_shared>>)
    %dma_wait3A_133 = arith.constant 5 : i32
    %dma_wait3A_134 = arith.constant 640 : i32
    %dma_wait3A_135 = arith.constant 0 : i32
    %dma_wait3A_136 = tpu.memref_slice %arg16[%dma_wait3A_134, %dma_wait3A_135] : memref<1024x16xf32, #tpu.memory_space<vmem>> -> memref<128x16xf32, #tpu.memory_space<vmem>>
    %dma_wait3A_137 = arith.constant 0 : i32
    %dma_wait3A_138 = tpu.memref_slice %arg12[%dma_wait3A_133, %dma_wait3A_137] : memref<8x128xi32, #tpu.memory_space<vmem>> -> memref<1x128xi32, #tpu.memory_space<vmem>>
    %dma_wait3A_139 = tpu.memref_squeeze %dma_wait3A_138 : memref<1x128xi32, #tpu.memory_space<vmem>> -> memref<128xi32, #tpu.memory_space<vmem>>
    %dma_wait3A_140 = arith.constant 0 : i32
    %dma_wait3A_141 = arith.constant 0 : i32
    %dma_wait3A_142 = tpu.memref_slice %arg18[%dma_wait3A_140, %dma_wait3A_141] : memref<50176x16xf32, #tpu.memory_space<vmem_shared>> -> memref<50176x16xf32, #tpu.memory_space<vmem_shared>>
    tpu.wait_indirect_dma semaphore(%arg21 : memref<!tpu.dma_semaphore, #tpu.memory_space<semaphore_mem>>) src(%dma_wait3A_136 : memref<128x16xf32, #tpu.memory_space<vmem>>) dst(%dma_wait3A_142 : memref<50176x16xf32, #tpu.memory_space<vmem_shared>>)
    %dma_wait3A_143 = arith.constant 6 : i32
    %dma_wait3A_144 = arith.constant 768 : i32
    %dma_wait3A_145 = arith.constant 0 : i32
    %dma_wait3A_146 = tpu.memref_slice %arg16[%dma_wait3A_144, %dma_wait3A_145] : memref<1024x16xf32, #tpu.memory_space<vmem>> -> memref<128x16xf32, #tpu.memory_space<vmem>>
    %dma_wait3A_147 = arith.constant 0 : i32
    %dma_wait3A_148 = tpu.memref_slice %arg12[%dma_wait3A_143, %dma_wait3A_147] : memref<8x128xi32, #tpu.memory_space<vmem>> -> memref<1x128xi32, #tpu.memory_space<vmem>>
    %dma_wait3A_149 = tpu.memref_squeeze %dma_wait3A_148 : memref<1x128xi32, #tpu.memory_space<vmem>> -> memref<128xi32, #tpu.memory_space<vmem>>
    %dma_wait3A_150 = arith.constant 0 : i32
    %dma_wait3A_151 = arith.constant 0 : i32
    %dma_wait3A_152 = tpu.memref_slice %arg18[%dma_wait3A_150, %dma_wait3A_151] : memref<50176x16xf32, #tpu.memory_space<vmem_shared>> -> memref<50176x16xf32, #tpu.memory_space<vmem_shared>>
    tpu.wait_indirect_dma semaphore(%arg21 : memref<!tpu.dma_semaphore, #tpu.memory_space<semaphore_mem>>) src(%dma_wait3A_146 : memref<128x16xf32, #tpu.memory_space<vmem>>) dst(%dma_wait3A_152 : memref<50176x16xf32, #tpu.memory_space<vmem_shared>>)
    %dma_wait3A_153 = arith.constant 7 : i32
    %dma_wait3A_154 = arith.constant 896 : i32
    %dma_wait3A_155 = arith.constant 0 : i32
    %dma_wait3A_156 = tpu.memref_slice %arg16[%dma_wait3A_154, %dma_wait3A_155] : memref<1024x16xf32, #tpu.memory_space<vmem>> -> memref<128x16xf32, #tpu.memory_space<vmem>>
    %dma_wait3A_157 = arith.constant 0 : i32
    %dma_wait3A_158 = tpu.memref_slice %arg12[%dma_wait3A_153, %dma_wait3A_157] : memref<8x128xi32, #tpu.memory_space<vmem>> -> memref<1x128xi32, #tpu.memory_space<vmem>>
    %dma_wait3A_159 = tpu.memref_squeeze %dma_wait3A_158 : memref<1x128xi32, #tpu.memory_space<vmem>> -> memref<128xi32, #tpu.memory_space<vmem>>
    %dma_wait3A_160 = arith.constant 0 : i32
    %dma_wait3A_161 = arith.constant 0 : i32
    %dma_wait3A_162 = tpu.memref_slice %arg18[%dma_wait3A_160, %dma_wait3A_161] : memref<50176x16xf32, #tpu.memory_space<vmem_shared>> -> memref<50176x16xf32, #tpu.memory_space<vmem_shared>>
    tpu.wait_indirect_dma semaphore(%arg21 : memref<!tpu.dma_semaphore, #tpu.memory_space<semaphore_mem>>) src(%dma_wait3A_156 : memref<128x16xf32, #tpu.memory_space<vmem>>) dst(%dma_wait3A_162 : memref<50176x16xf32, #tpu.memory_space<vmem_shared>>)
    %barrier3A_163 = arith.constant 0 : index
    tpu.barrier barrier_id(%barrier3A_163)
    "tpu.region"() ({
      %run_scoped3A = tpu.sem_alloc : memref<!tpu.dma_semaphore, #tpu.memory_space<semaphore_mem>>
      %dma_start3A_164 = arith.constant 0 : i32
      %dma_start3A_165 = tpu.memref_slice %arg7[%arg0, %mul3A_9, %dma_start3A_164] : memref<2x50176x16xf32, #tpu.memory_space<hbm>> -> memref<1x3136x16xf32, #tpu.memory_space<hbm>>
      %dma_start3A_166 = tpu.memref_squeeze %dma_start3A_165 : memref<1x3136x16xf32, #tpu.memory_space<hbm>> -> memref<3136x16xf32, #tpu.memory_space<hbm>>
      %dma_start3A_167 = arith.constant 0 : i32
      %dma_start3A_168 = tpu.memref_slice %arg18[%mul3A_9, %dma_start3A_167] : memref<50176x16xf32, #tpu.memory_space<vmem_shared>> -> memref<3136x16xf32, #tpu.memory_space<vmem_shared>>
      tpu.enqueue_dma source(%dma_start3A_168 : memref<3136x16xf32, #tpu.memory_space<vmem_shared>>) target(%dma_start3A_166 : memref<3136x16xf32, #tpu.memory_space<hbm>>) target_semaphore(%run_scoped3A : memref<!tpu.dma_semaphore, #tpu.memory_space<semaphore_mem>>)
      %dma_wait3A_169 = arith.constant 0 : i32
      %dma_wait3A_170 = tpu.memref_slice %arg7[%arg0, %mul3A_9, %dma_wait3A_169] : memref<2x50176x16xf32, #tpu.memory_space<hbm>> -> memref<1x3136x16xf32, #tpu.memory_space<hbm>>
      %dma_wait3A_171 = tpu.memref_squeeze %dma_wait3A_170 : memref<1x3136x16xf32, #tpu.memory_space<hbm>> -> memref<3136x16xf32, #tpu.memory_space<hbm>>
      %dma_wait3A_172 = arith.constant 0 : i32
      %dma_wait3A_173 = tpu.memref_slice %arg18[%mul3A_9, %dma_wait3A_172] : memref<50176x16xf32, #tpu.memory_space<vmem_shared>> -> memref<3136x16xf32, #tpu.memory_space<vmem_shared>>
      tpu.wait_dma2 semaphore(%run_scoped3A : memref<!tpu.dma_semaphore, #tpu.memory_space<semaphore_mem>>) src(%dma_wait3A_173 : memref<3136x16xf32, #tpu.memory_space<vmem_shared>>) dst(%dma_wait3A_171 : memref<3136x16xf32, #tpu.memory_space<hbm>>)
      tpu.yield
    }) : () -> ()
    return
  }
}

module attributes {stable_mosaic.version = 14 : i64} {
  func.func @_edge_feat_body(%arg0: i32, %arg1: memref<3x160x512xf32, #tpu.memory_space<vmem>>, %arg2: memref<1920x512xf32, #tpu.memory_space<vmem>>) attributes {dimension_semantics = [#tpu.dimension_semantics<arbitrary>], iteration_bounds = array<i64: 10>, scalar_prefetch = 0 : i64, scratch_operands = 0 : i64, tpu.core_type = #tpu.core_type<tc>, window_params = [{transform_indices = @transform_0, window_bounds = array<i64: 3, 160, 512>}, {transform_indices = @transform_1, window_bounds = array<i64: 1920, 512>}]} {
    %get3A = arith.constant 0 : index
    %get3A_0 = arith.constant 0 : index
    %get3A_1 = arith.constant 0 : index
    %get3A_2 = vector.load %arg1[%get3A, %get3A_0, %get3A_1] : memref<3x160x512xf32, #tpu.memory_space<vmem>>, vector<1x160x512xf32>
    %get3A_3 = vector.shape_cast %get3A_2 : vector<1x160x512xf32> to vector<160x512xf32>
    %get3A_4 = arith.constant 1 : index
    %get3A_5 = arith.constant 0 : index
    %get3A_6 = arith.constant 0 : index
    %get3A_7 = vector.load %arg1[%get3A_4, %get3A_5, %get3A_6] : memref<3x160x512xf32, #tpu.memory_space<vmem>>, vector<1x160x512xf32>
    %get3A_8 = vector.shape_cast %get3A_7 : vector<1x160x512xf32> to vector<160x512xf32>
    %get3A_9 = arith.constant 2 : index
    %get3A_10 = arith.constant 0 : index
    %get3A_11 = arith.constant 0 : index
    %get3A_12 = vector.load %arg1[%get3A_9, %get3A_10, %get3A_11] : memref<3x160x512xf32, #tpu.memory_space<vmem>>, vector<1x160x512xf32>
    %get3A_13 = vector.shape_cast %get3A_12 : vector<1x160x512xf32> to vector<160x512xf32>
    %mul3A = arith.mulf %get3A_3, %get3A_3 : vector<160x512xf32>
    %mul3A_14 = arith.mulf %get3A_8, %get3A_8 : vector<160x512xf32>
    %add3A = arith.addf %mul3A, %mul3A_14 : vector<160x512xf32>
    %mul3A_15 = arith.mulf %get3A_13, %get3A_13 : vector<160x512xf32>
    %add3A_16 = arith.addf %add3A, %mul3A_15 : vector<160x512xf32>
    %add3A_17 = arith.constant 9.99999996E-13 : f32
    %add3A_18 = vector.broadcast %add3A_17 : f32 to vector<160x512xf32>
    %add3A_19 = arith.addf %add3A_16, %add3A_18 : vector<160x512xf32>
    %div3A = arith.constant 1.000000e+00 : f32
    %div3A_20 = vector.broadcast %div3A : f32 to vector<160x512xf32>
    %div3A_21 = arith.divf %div3A_20, %add3A_19 : vector<160x512xf32>
    %sqrt3A = math.sqrt %add3A_19 : vector<160x512xf32>
    %min3A = arith.constant 5.000000e+00 : f32
    %min3A_22 = vector.broadcast %min3A : f32 to vector<160x512xf32>
    %min3A_23 = arith.minimumf %sqrt3A, %min3A_22 : vector<160x512xf32>
    %mul3A_24 = arith.constant 0.628318548 : f32
    %mul3A_25 = vector.broadcast %mul3A_24 : f32 to vector<160x512xf32>
    %mul3A_26 = arith.mulf %mul3A_25, %min3A_23 : vector<160x512xf32>
    %sub3A = arith.constant 1.57079637 : f32
    %sub3A_27 = vector.broadcast %sub3A : f32 to vector<160x512xf32>
    %sub3A_28 = arith.subf %mul3A_26, %sub3A_27 : vector<160x512xf32>
    %mul3A_29 = arith.mulf %sub3A_28, %sub3A_28 : vector<160x512xf32>
    %mul3A_30 = arith.constant 2.75255616E-6 : f32
    %mul3A_31 = vector.broadcast %mul3A_30 : f32 to vector<160x512xf32>
    %mul3A_32 = arith.mulf %mul3A_29, %mul3A_31 : vector<160x512xf32>
    %add3A_33 = arith.constant -1.98408743E-4 : f32
    %add3A_34 = vector.broadcast %add3A_33 : f32 to vector<160x512xf32>
    %add3A_35 = arith.addf %add3A_34, %mul3A_32 : vector<160x512xf32>
    %mul3A_36 = arith.mulf %mul3A_29, %add3A_35 : vector<160x512xf32>
    %add3A_37 = arith.constant 0.00833333284 : f32
    %add3A_38 = vector.broadcast %add3A_37 : f32 to vector<160x512xf32>
    %add3A_39 = arith.addf %add3A_38, %mul3A_36 : vector<160x512xf32>
    %mul3A_40 = arith.mulf %mul3A_29, %add3A_39 : vector<160x512xf32>
    %add3A_41 = arith.constant -0.166666672 : f32
    %add3A_42 = vector.broadcast %add3A_41 : f32 to vector<160x512xf32>
    %add3A_43 = arith.addf %add3A_42, %mul3A_40 : vector<160x512xf32>
    %mul3A_44 = arith.mulf %mul3A_29, %add3A_43 : vector<160x512xf32>
    %add3A_45 = arith.constant 1.000000e+00 : f32
    %add3A_46 = vector.broadcast %add3A_45 : f32 to vector<160x512xf32>
    %add3A_47 = arith.addf %add3A_46, %mul3A_44 : vector<160x512xf32>
    %mul3A_48 = arith.mulf %sub3A_28, %add3A_47 : vector<160x512xf32>
    %mul3A_49 = arith.constant -2.755732E-7 : f32
    %mul3A_50 = vector.broadcast %mul3A_49 : f32 to vector<160x512xf32>
    %mul3A_51 = arith.mulf %mul3A_29, %mul3A_50 : vector<160x512xf32>
    %add3A_52 = arith.constant 2.48015876E-5 : f32
    %add3A_53 = vector.broadcast %add3A_52 : f32 to vector<160x512xf32>
    %add3A_54 = arith.addf %add3A_53, %mul3A_51 : vector<160x512xf32>
    %mul3A_55 = arith.mulf %mul3A_29, %add3A_54 : vector<160x512xf32>
    %add3A_56 = arith.constant -0.00138888892 : f32
    %add3A_57 = vector.broadcast %add3A_56 : f32 to vector<160x512xf32>
    %add3A_58 = arith.addf %add3A_57, %mul3A_55 : vector<160x512xf32>
    %mul3A_59 = arith.mulf %mul3A_29, %add3A_58 : vector<160x512xf32>
    %add3A_60 = arith.constant 0.0416666679 : f32
    %add3A_61 = vector.broadcast %add3A_60 : f32 to vector<160x512xf32>
    %add3A_62 = arith.addf %add3A_61, %mul3A_59 : vector<160x512xf32>
    %mul3A_63 = arith.mulf %mul3A_29, %add3A_62 : vector<160x512xf32>
    %add3A_64 = arith.constant -5.000000e-01 : f32
    %add3A_65 = vector.broadcast %add3A_64 : f32 to vector<160x512xf32>
    %add3A_66 = arith.addf %add3A_65, %mul3A_63 : vector<160x512xf32>
    %mul3A_67 = arith.mulf %mul3A_29, %add3A_66 : vector<160x512xf32>
    %add3A_68 = arith.constant 1.000000e+00 : f32
    %add3A_69 = vector.broadcast %add3A_68 : f32 to vector<160x512xf32>
    %add3A_70 = arith.addf %add3A_69, %mul3A_67 : vector<160x512xf32>
    %neg3A = arith.constant 0.000000e+00 : f32
    %neg3A_71 = vector.broadcast %neg3A : f32 to vector<160x512xf32>
    %neg3A_72 = arith.subf %neg3A_71, %mul3A_48 : vector<160x512xf32>
    %mul3A_73 = arith.constant 2.000000e+00 : f32
    %mul3A_74 = vector.broadcast %mul3A_73 : f32 to vector<160x512xf32>
    %mul3A_75 = arith.mulf %mul3A_74, %neg3A_72 : vector<160x512xf32>
    %mul3A_76 = arith.mulf %mul3A_75, %add3A_70 : vector<160x512xf32>
    %mul3A_77 = arith.mulf %mul3A_75, %mul3A_76 : vector<160x512xf32>
    %sub3A_78 = arith.subf %mul3A_77, %add3A_70 : vector<160x512xf32>
    %mul3A_79 = arith.mulf %mul3A_75, %sub3A_78 : vector<160x512xf32>
    %sub3A_80 = arith.subf %mul3A_79, %mul3A_76 : vector<160x512xf32>
    %mul3A_81 = arith.mulf %mul3A_75, %sub3A_80 : vector<160x512xf32>
    %sub3A_82 = arith.subf %mul3A_81, %sub3A_78 : vector<160x512xf32>
    %mul3A_83 = arith.mulf %mul3A_75, %sub3A_82 : vector<160x512xf32>
    %sub3A_84 = arith.subf %mul3A_83, %sub3A_80 : vector<160x512xf32>
    %mul3A_85 = arith.mulf %mul3A_75, %sub3A_84 : vector<160x512xf32>
    %sub3A_86 = arith.subf %mul3A_85, %sub3A_82 : vector<160x512xf32>
    %mul3A_87 = arith.mulf %mul3A_75, %sub3A_86 : vector<160x512xf32>
    %sub3A_88 = arith.subf %mul3A_87, %sub3A_84 : vector<160x512xf32>
    %lt3A = arith.constant 4.500000e+00 : f32
    %lt3A_89 = vector.broadcast %lt3A : f32 to vector<160x512xf32>
    %lt3A_90 = arith.cmpf olt, %sqrt3A, %lt3A_89 : vector<160x512xf32>
    %mul3A_91 = arith.mulf %sub3A_82, %sub3A_82 : vector<160x512xf32>
    %jit3A = arith.constant 1.000000e+00 : f32
    %broadcast_in_dim3A = vector.broadcast %jit3A : f32 to vector<160x512xf32>
    %select_n3A = arith.select %lt3A_90, %broadcast_in_dim3A, %mul3A_91 : vector<160x512xi1>, vector<160x512xf32>
    %lt3A_92 = arith.constant 5.000000e+00 : f32
    %lt3A_93 = vector.broadcast %lt3A_92 : f32 to vector<160x512xf32>
    %lt3A_94 = arith.cmpf olt, %sqrt3A, %lt3A_93 : vector<160x512xf32>
    %jit3A_95 = arith.constant 0.000000e+00 : f32
    %broadcast_in_dim3A_96 = vector.broadcast %jit3A_95 : f32 to vector<160x512xf32>
    %select_n3A_97 = arith.select %lt3A_94, %select_n3A, %broadcast_in_dim3A_96 : vector<160x512xi1>, vector<160x512xf32>
    %mul3A_98 = arith.mulf %div3A_21, %select_n3A_97 : vector<160x512xf32>
    %mul3A_99 = arith.mulf %add3A_70, %mul3A_98 : vector<160x512xf32>
    %mul3A_100 = arith.mulf %mul3A_76, %mul3A_98 : vector<160x512xf32>
    %mul3A_101 = arith.mulf %sub3A_78, %mul3A_98 : vector<160x512xf32>
    %mul3A_102 = arith.mulf %sub3A_80, %mul3A_98 : vector<160x512xf32>
    %mul3A_103 = arith.mulf %sub3A_82, %mul3A_98 : vector<160x512xf32>
    %mul3A_104 = arith.mulf %sub3A_84, %mul3A_98 : vector<160x512xf32>
    %mul3A_105 = arith.mulf %sub3A_86, %mul3A_98 : vector<160x512xf32>
    %mul3A_106 = arith.mulf %sub3A_88, %mul3A_98 : vector<160x512xf32>
    %broadcast_in_dim3A_107 = arith.constant 0.000000e+00 : f32
    %broadcast_in_dim3A_108 = vector.broadcast %broadcast_in_dim3A_107 : f32 to vector<160x512xf32>
    %stack3A = vector.shape_cast %mul3A_99 : vector<160x512xf32> to vector<160x1x512xf32>
    %stack3A_109 = vector.shape_cast %mul3A_100 : vector<160x512xf32> to vector<160x1x512xf32>
    %stack3A_110 = vector.shape_cast %mul3A_101 : vector<160x512xf32> to vector<160x1x512xf32>
    %stack3A_111 = vector.shape_cast %mul3A_102 : vector<160x512xf32> to vector<160x1x512xf32>
    %stack3A_112 = vector.shape_cast %mul3A_103 : vector<160x512xf32> to vector<160x1x512xf32>
    %stack3A_113 = vector.shape_cast %mul3A_104 : vector<160x512xf32> to vector<160x1x512xf32>
    %stack3A_114 = vector.shape_cast %mul3A_105 : vector<160x512xf32> to vector<160x1x512xf32>
    %stack3A_115 = vector.shape_cast %mul3A_106 : vector<160x512xf32> to vector<160x1x512xf32>
    %stack3A_116 = vector.shape_cast %get3A_3 : vector<160x512xf32> to vector<160x1x512xf32>
    %stack3A_117 = vector.shape_cast %get3A_8 : vector<160x512xf32> to vector<160x1x512xf32>
    %stack3A_118 = vector.shape_cast %get3A_13 : vector<160x512xf32> to vector<160x1x512xf32>
    %stack3A_119 = vector.shape_cast %broadcast_in_dim3A_108 : vector<160x512xf32> to vector<160x1x512xf32>
    %stack3A_120 = tpu.concatenate %stack3A, %stack3A_109, %stack3A_110, %stack3A_111, %stack3A_112, %stack3A_113, %stack3A_114, %stack3A_115, %stack3A_116, %stack3A_117, %stack3A_118, %stack3A_119 in 1 : vector<160x1x512xf32>, vector<160x1x512xf32>, vector<160x1x512xf32>, vector<160x1x512xf32>, vector<160x1x512xf32>, vector<160x1x512xf32>, vector<160x1x512xf32>, vector<160x1x512xf32>, vector<160x1x512xf32>, vector<160x1x512xf32>, vector<160x1x512xf32>, vector<160x1x512xf32> -> vector<160x12x512xf32>
    %reshape3A = vector.shape_cast %stack3A_120 : vector<160x12x512xf32> to vector<1920x512xf32>
    %swap3A = arith.constant 0 : index
    %swap3A_121 = arith.constant 0 : index
    %swap3A_122 = vector.load %arg2[%swap3A, %swap3A_121] : memref<1920x512xf32, #tpu.memory_space<vmem>>, vector<1920x512xf32>
    tpu.vector_store %arg2[%swap3A, %swap3A_121], %reshape3A {strides = array<i32>} : memref<1920x512xf32, #tpu.memory_space<vmem>>, vector<1920x512xf32>,
    return
  }
  func.func @transform_0(%arg0: i32) -> (i32, i32, i32) {
    %c0_i32 = arith.constant 0 : i32
    %c0_i32_0 = arith.constant 0 : i32
    %c0_i32_1 = arith.constant 0 : i32
    return %c0_i32, %arg0, %c0_i32_0 : i32, i32, i32
  }
  func.func @transform_1(%arg0: i32) -> (i32, i32) {
    %c0_i32 = arith.constant 0 : i32
    %c0_i32_0 = arith.constant 0 : i32
    return %arg0, %c0_i32 : i32, i32
  }
}

module attributes {stable_mosaic.version = 14 : i64} {
  func.func @_combine_body(%arg0: i32, %arg1: memref<2x392x128xf32, #tpu.memory_space<vmem>>, %arg2: memref<392x128xf32, #tpu.memory_space<vmem>>) attributes {dimension_semantics = [#tpu.dimension_semantics<arbitrary>], iteration_bounds = array<i64: 16>, scalar_prefetch = 0 : i64, scratch_operands = 0 : i64, tpu.core_type = #tpu.core_type<tc>, window_params = [{transform_indices = @transform_0, window_bounds = array<i64: 2, 392, 128>}, {transform_indices = @transform_1, window_bounds = array<i64: 392, 128>}]} {
    %get3A = arith.constant 0 : index
    %get3A_0 = arith.constant 0 : index
    %get3A_1 = arith.constant 0 : index
    %get3A_2 = vector.load %arg1[%get3A, %get3A_0, %get3A_1] : memref<2x392x128xf32, #tpu.memory_space<vmem>>, vector<1x392x128xf32>
    %get3A_3 = vector.shape_cast %get3A_2 : vector<1x392x128xf32> to vector<392x128xf32>
    %get3A_4 = arith.constant 1 : index
    %get3A_5 = arith.constant 0 : index
    %get3A_6 = arith.constant 0 : index
    %get3A_7 = vector.load %arg1[%get3A_4, %get3A_5, %get3A_6] : memref<2x392x128xf32, #tpu.memory_space<vmem>>, vector<1x392x128xf32>
    %get3A_8 = vector.shape_cast %get3A_7 : vector<1x392x128xf32> to vector<392x128xf32>
    %add3A = arith.addf %get3A_3, %get3A_8 : vector<392x128xf32>
    %swap3A = arith.constant 0 : index
    %swap3A_9 = arith.constant 0 : index
    %swap3A_10 = vector.load %arg2[%swap3A, %swap3A_9] : memref<392x128xf32, #tpu.memory_space<vmem>>, vector<392x128xf32>
    tpu.vector_store %arg2[%swap3A, %swap3A_9], %add3A {strides = array<i32>} : memref<392x128xf32, #tpu.memory_space<vmem>>, vector<392x128xf32>,
    return
  }
  func.func @transform_0(%arg0: i32) -> (i32, i32, i32) {
    %c0_i32 = arith.constant 0 : i32
    %c0_i32_0 = arith.constant 0 : i32
    %c0_i32_1 = arith.constant 0 : i32
    return %c0_i32, %arg0, %c0_i32_0 : i32, i32, i32
  }
  func.func @transform_1(%arg0: i32) -> (i32, i32) {
    %c0_i32 = arith.constant 0 : i32
    %c0_i32_0 = arith.constant 0 : i32
    return %arg0, %c0_i32 : i32, i32
  }
}

</mosaic_0001>

<sc_bundles>
// kernel: kernel.5.cloned.1.call-start
scs
__scs_entry_jumppad:
0x0: {  	(pc) =	sbr.rel $0x88, $3  }
0x1: {  	(tag) =	ssettag $0x0;
	lr =	simm.s32 $0x1  }
0x2: {  	[smem:$0x3F9A] =	sst lr;
	_ =	strace $0xD0000000  }
0x3: {  	_ = 	snop  }
0x4: {  	_ = 	snop  }
0x5: {  	_ = 	snop  }
0x6: {  	_ = 	snop  }
0x7: {  	_ = 	snop  }
__scs_overlays_trampoline_lowered:
0x8: {  	[smem:$0x3FA9] =	sst s0  }
0x9: {  	[smem:$0x3FAA] =	sst s1  }
0xa: {  	[smem:$0x3FAB] =	sst s2  }
0xb: {  	[smem:$0x3FAC] =	sst s3  }
0xc: {  	[smem:$0x3FAD] =	sst s4  }
0xd: {  	[smem:$0x3FAE] =	sst s5  }
0xe: {  	[smem:$0x3FAF] =	sst s6  }
0xf: {  	[smem:$0x3FB0] =	sst s7  }
0x10: {  	[smem:$0x3FB1] =	sst s8  }
0x11: {  	[smem:$0x3FB2] =	sst s9;
	s0 =	simm.s32 @!p0 $0x0  }
0x12: {  	s1 =	sld [smem:$0x3F98];
	s0 =	simm.s32 @p0 $0x1  }
0x13: {  	[smem:$0x3FB3] =	sst s0;
	s0 =	simm.s32 @!p1 $0x0  }
0x14: {  	s2 =	sld [smem:$0x3F97];
	s0 =	simm.s32 @p1 $0x1  }
0x15: {  	[smem:$0x3FB4] =	sst s0;
	s0 =	simm.s32 @!p2 $0x0  }
0x16: {  	s3 =	sld [smem:$0x3FDB];
	s0 =	simm.s32 @p2 $0x1  }
0x17: {  	s4 =	simm.s32 $0x1BF5;
	[smem:$0x3FB6] =	sst s0  }
0x18: {  	s0 =	sld [smem:$0x3F99];
	_ =	swait.ge [sflag:s4], $0x0  }
0x19: {  	s7 =	sld [smem:$0x3F9A]  }
0x1a: {  	s8 =	sadd.s32 $0xFFFFE003, lr  }
0x1b: {  	s9 =	sadd.s32 $0xFFFFFEF7, lr;
	s5 =	simm.s32 $0xFFFFFFFF;
	p2 =	slt.u32 s8, $0xFFFFF086  }
0x1c: {  	p1 =	slt.u32 s9, $0xF7A;
	s5 =	simm.s32 @!p2 $0x0  }
0x1d: {  	s5 =	simm.s32 @p1 $0x1;
	p0 =	seq.s32 s7, s2  }
0x1e: {  	s7 =	smul.u32 @!p0 $0xF7A, s2;
	p2 =	seq.s32 @!p0 s5, $0x0  }
0x1f: {  	s9 =	smul.u32 $0xF7A, s1;
	s8 =	simm.s32 @!p0 $0x1BF5;
	p2 =	por !p2, p0  }
0x20: {  	[sflag:s8] =	ssyncset.s32 @!p0 $0xFFFFF086;
	s6 =	sadd.s32 @!p0 s3, s7;
	s7 =	simm.s32 @!p0 $0x108  }
0x21: {  	s3 =	sadd.s32 s3, s9;
	s6 =	sadd.s32 @!p0 $0x88, s6;
	s7 =	simm.s32 @p2 $0x1082  }
0x22: {  	[simem:s7], [sflag:s8] =	dma.local @!p0 [hbm:s6], $0xF7A  }
0x23: {  	s9 =	sor.u32 $0xD0000000, s2;
	s6 =	simm.s32 $0x108;
	_ =	swait.ge @!p0 [sflag:s8], $0x0  }
0x24: {  	s3 =	sadd.s32 $0x88, s3;
	s6 =	simm.s32 @!p1 $0x1082;
	[sflag:s4] =	ssyncset.s32 $0xFFFFF086  }
0x25: {  	[simem:s6], [sflag:s4] =	dma.local [hbm:s3], $0xF7A  }
0x26: {  	[smem:$0x3F9A] =	sst s1;
	(tag) =	ssettag s2;
	_ =	strace s9  }
0x27: {  	s1 =	sld [smem:$0x3FAA]  }
0x28: {  	s2 =	sld [smem:$0x3FAB]  }
0x29: {  	s4 =	sld [smem:$0x3FAD]  }
0x2a: {  	p0 =	seq.s32 s5, $0x0;
	s5 =	sld [smem:$0x3FAE]  }
0x2b: {  	s6 =	sld [smem:$0x3FAF]  }
0x2c: {  	s7 =	sld [smem:$0x3FB0]  }
0x2d: {  	s3 =	simm.s32 $0x108;
	s8 =	sld [smem:$0x3FB1]  }
0x2e: {  	s3 =	simm.s32 @!p0 $0x1082;
	s9 =	sld [smem:$0x3FB2]  }
0x2f: {  	lr =	sadd.s32 s0, s3;
	s0 =	sld [smem:$0x3FA9]  }
0x30: {  	s3 =	sld [smem:$0x3FAC]  }
0x31: {  	[smem:$0x3FB5] =	sst s10  }
0x32: {  	s10 =	sld [smem:$0x3FB3];
	_ =	sdelay $0x3  }
0x33: {  	p0 =	seq.s32 s10, $0x1;
	s10 =	sld [smem:$0x3FB5];
	_ =	sdelay $0x3  }
0x34: {  	[smem:$0x3FB5] =	sst s10  }
0x35: {  	s10 =	sld [smem:$0x3FB4];
	_ =	sdelay $0x3  }
0x36: {  	p1 =	seq.s32 s10, $0x1;
	s10 =	sld [smem:$0x3FB5];
	_ =	sdelay $0x3  }
0x37: {  	[smem:$0x3FB5] =	sst s10  }
0x38: {  	s10 =	sld [smem:$0x3FB6]  }
0x39: {  	_ = 	snop;
	(pc) =	sbr.ind lr, $3  }
0x3a: {  	_ = 	snop  }
0x3b: {  	_ = 	snop  }
0x3c: {  	p2 =	seq.s32 s10, $0x1;
	s10 =	sld [smem:$0x3FB5]  }
0x3d: {  	_ =	shalt  }
0x3e: {  	_ =	shalt  }
0x3f: {  	_ =	shalt  }
0x40: {  	_ =	shalt  }
0x41: {  	_ =	shalt  }
0x42: {  	_ =	shalt  }
0x43: {  	_ =	shalt  }
0x44: {  	_ =	shalt  }
0x45: {  	_ =	shalt  }
0x46: {  	_ =	shalt  }
0x47: {  	_ =	shalt  }
0x48: {  	_ =	shalt  }
0x49: {  	_ =	shalt  }
0x4a: {  	_ =	shalt  }
0x4b: {  	_ =	shalt  }
0x4c: {  	_ =	shalt  }
0x4d: {  	_ =	shalt  }
0x4e: {  	_ =	shalt  }
0x4f: {  	_ =	shalt  }
0x50: {  	_ =	shalt  }
0x51: {  	_ =	shalt  }
0x52: {  	_ =	shalt  }
0x53: {  	_ =	shalt  }
0x54: {  	_ =	shalt  }
0x55: {  	_ =	shalt  }
0x56: {  	_ =	shalt  }
0x57: {  	_ =	shalt  }
0x58: {  	_ =	shalt  }
0x59: {  	_ =	shalt  }
0x5a: {  	_ =	shalt  }
0x5b: {  	_ =	shalt  }
0x5c: {  	_ =	shalt  }
0x5d: {  	_ =	shalt  }
0x5e: {  	_ =	shalt  }
0x5f: {  	_ =	shalt  }
0x60: {  	_ =	shalt  }
0x61: {  	_ =	shalt  }
0x62: {  	_ =	shalt  }
0x63: {  	_ =	shalt  }
0x64: {  	_ =	shalt  }
0x65: {  	_ =	shalt  }
0x66: {  	_ =	shalt  }
0x67: {  	_ =	shalt  }
0x68: {  	_ =	shalt  }
0x69: {  	_ =	shalt  }
0x6a: {  	_ =	shalt  }
0x6b: {  	_ =	shalt  }
0x6c: {  	_ =	shalt  }
0x6d: {  	_ =	shalt  }
0x6e: {  	_ =	shalt  }
0x6f: {  	_ =	shalt  }
0x70: {  	_ =	shalt  }
0x71: {  	_ =	shalt  }
0x72: {  	_ =	shalt  }
0x73: {  	_ =	shalt  }
0x74: {  	_ =	shalt  }
0x75: {  	_ =	shalt  }
0x76: {  	_ =	shalt  }
0x77: {  	_ =	shalt  }
0x78: {  	_ =	shalt  }
0x79: {  	_ =	shalt  }
0x7a: {  	_ =	shalt  }
0x7b: {  	_ =	shalt  }
0x7c: {  	_ =	shalt  }
0x7d: {  	_ =	shalt  }
0x7e: {  	_ =	shalt  }
0x7f: {  	_ =	shalt  }
0x80: {  	_ =	shalt  }
0x81: {  	_ =	shalt  }
0x82: {  	_ =	shalt  }
0x83: {  	_ =	shalt  }
0x84: {  	_ =	shalt  }
0x85: {  	_ =	shalt  }
0x86: {  	_ =	shalt  }
0x87: {  	_ =	shalt  }
.Lfunc_end0:
.L_simem_size_0:
called_computation.1_lowered:
.L_overlay_start_0:
0x88: {  	s2 =	sld [smem:$0x3FD9]  }
0x89: {  	s3 =	sld [smem:$0x3FFE];
	_ =	sdelay $0x1  }
0x8a: {  	s1 =	srdreg.scid  }
0x8b: {  	s0 =	sand.u32 $0x1, s1  }
0x8c: {  	s17 =	sshll.u32 s0, $0xA;
	s2 =	sadd.s32 s3, s2  }
0x8d: {  	s2 =	sadd.s32 s2, s17  }
0x8e: {  	[smem:$0x3FC1] =	sst s2  }
0x8f: {  	_ = 	snop  }
0x90: {  	s2 =	sld [smem:$0x3FD0];
	(tm) =	ssettm $0x1  }
0x91: {  	s18 =	sld [smem:$0x3FFB];
	_ =	sdelay $0x3  }
0x92: {  	_ =	strace s18  }
0x93: {  	s3 =	sld [smem:$0x3FFC];
	_ =	sdelay $0x3  }
0x94: {  	_ =	strace s3  }
0x95: {  	s3 =	sld [smem:$0x3FFD];
	_ =	sdelay $0x3  }
0x96: {  	_ =	strace s3  }
0x97: {  	_ =	strace $0x8FFFFFFF  }
0x98: {  	s19 =	sld [smem:$0x3FDB];
	_ =	sdelay $0x1  }
0x99: {  	s4 =	simm.s32 $_scs_section_size  }
0x9a: {  	s5 =	simm.s32 $_size__tile_overlayer_lowered;
	s6 =	simm.s32 $_tile_overlayer_lowered  }
0x9b: {  	s22 =	simm.s32 $0x1BFF;
	s21 =	sshll.u32 s6, $0x1;
	s3 =	sadd.s32 s4, s19  }
0x9c: {  	s7 =	simm.s32 $0x0;
	s20 =	sshll.u32 s5, $0x1;
	s5 =	sadd.s32 s21, s3  }
0x9d: {  	[timem:s7], [sflag:s22] =	dma.local [hbm:s5], s20  }
0x9e: {  	_ =	swait.ge [sflag:s22], s20  }
0x9f: {  	s4 =	ssub.s32 $0x0, s20;
	[sflag:s22] =	ssyncset.done $0x0  }
0xa0: {  	[sflag:s22] =	ssyncadd.s32 s4;
	_ =	sdelay $0x1  }
0xa1: {  	s23 =	simm.s32 $0x1B8B  }
0xa2: {  	_ =	swait.ge [sflag:s23], $0x1  }
0xa3: {  	[sflag:s23] =	ssyncset.done $0x0  }
0xa4: {  	s25 =	simm.s32 $0x1B8E;
	s24 =	sld [smem:$0x3FFE];
	[sflag:s23] =	ssyncadd.s32 $0xFFFFFFFF  }
0xa5: {  	s26 =	simm.s32 $execute0_lowered;
	[smem:$0x3FD2] =	sst s25  }
0xa6: {  	s5 =	sshll.u32 s26, $0x1;
	_ =	strace $0x80000049;
	[dreg:$0x1] =	wrdreg $0xFFFFFFFF  }
0xa7: {  	s28 =	simm.s32 $_size_execute0_lowered;
	s3 =	sadd.s32 s3, s5;
	[dreg:$0x0] =	wrdreg $0x0  }
0xa8: {  	s5 =	sshll.u32 s28, $0x1;
	[dreg:$0x2] =	wrdreg s3  }
0xa9: {  	[dreg:$0x3] =	wrdreg s5  }
0xaa: {  	[dreg:$0x4] =	wrdreg $0xC0  }
0xab: {  	_ =	task [dreg:s7], $0x5FFFF  }
0xac: {  	[dreg:$0x1] =	wrdreg $0xFFFFFFFF  }
0xad: {  	[dreg:$0x0] =	wrdreg $0x60  }
0xae: {  	[dreg:$0x2] =	wrdreg s24  }
0xaf: {  	[dreg:$0x3] =	wrdreg s2  }
0xb0: {  	[dreg:$0x4] =	wrdreg $0x123800  }
0xb1: {  	[dreg:$0x5] =	wrdreg $0x9  }
0xb2: {  	_ =	task.clear_ibuf [dreg:s7], $0x6FFFF;
	_ =	strace $0x90000049  }
0xb3: {  	s29 =	simm.s32 $0x9;
	_ =	strace $0x8000004B  }
0xb4: {  	_ =	swait.ge [sflag:s29], $0x1  }
0xb5: {  	[sflag:s29] =	ssyncadd.s32 $0xFFFFFFFF  }
0xb6: {  	_ =	strace $0x9000004B  }
0xb7: {  	_ =	sfence  }
0xb8: {  	s30 =	sld [smem:$0x0];
	_ =	sdelay $0x2  }
0xb9: {  	s31 =	sshll.u32 s1, $0xD;
	s1 =	sshrl.u32 s1, $0x2  }
0xba: {  	s3 =	sand.u32 $0x4000, s31;
	s1 =	sadd.s32 s1, s30  }
0xbb: {  	s0 =	sor.u32 s3, s0;
	s1 =	sshll.u32 s1, $0x11  }
0xbc: {  	s0 =	sor.u32 s1, s0  }
0xbd: {  	s0 =	sadd.s32 $0x8F2B, s0  }
0xbe: {  	[sflag:s0] =	ssyncadd.remote.s32 $0x1  }
0xbf: {  	_ =	sfence.sel $0xFFFF  }
0xc0: {  	[dreg:$0x0] =	wrdreg $0xFFFFFFFF;
	(pc) =	sbr.abs _section_cstart, $3  }
0xc1: {  	[dreg:$0x1] =	wrdreg $0xFFFFFFFF  }
0xc2: {  	_ =	task.clear_ibuf [dreg:s7], $0x2FFFF;
	_ =	strace $0x9FFFFFFF  }
0xc3: {  	(tm) =	ssettm $0x7FFFFFFF  }
tec
execute0_lowered:
.L_overlay_start_1:
0x0: {  	(tag) =	ssettag $0x1  }
0x1: {  	s0 =	rddreg [dreg:$0x0]  }
0x2: {  	s3 =	rddreg [dreg:$0x2];
	s4 =	simm.s32 $0x0;
	s1 =	srdreg.scid  }
0x3: {  	s10 =	stileid.u32;
	s28 =	simm.s32 $0xE380;
	s29 =	simm.s32 $0x80  }
0x4: {  	s30 =	simm.s32 $0x9780;
	[smem:$0x7FF] =	sst s4;
	s2 =	smul.u32 $0xC400, s10  }
0x5: {  	s1 =	sand.u32 $0x1, s1;
	s5 =	sadd.s32 $0x12D200, s0;
	s6 =	sadd.s32 $0x272200, s0  }
0x6: {  	s8 =	sshll.u32 s10, $0x1;
	s10 =	smul.u32 $0x31000, s10;
	s11 =	sadd.s32 $0x28B200, s0  }
0x7: {  	s31 =	simm.s32 $0x1;
	_ =	strace $0x8000004A;
	s7 =	smul.u32 $0xC4000, s1  }
0x8: {  	s8 =	sor.u32 s1, s8;
	[dreg:$0x4] =	wrdreg s11;
	s1 =	ssub.s32 $0x2, s1  }
0x9: {  	s8 =	smul.u32 $0x6400, s8;
	s16 =	sshrl.u32 s1, $0x1;
	s10 =	sshrl.u32 s10, $0x2  }
0xa: {  	s9 =	sadd.s32 s2, s7;
	s7 =	sadd.s32 $0x259200, s0;
	s1 =	ssub.s32 s1, s16  }
0xb: {  	s18 =	sadd.s32 s10, s3;
	s2 =	sadd.s32 s2, s3;
	s9 =	sshrl.u32 s9, $0x3  }
0xc: {  	s17 =	sshrl.u32 s8, $0x9;
	[dreg:$0x5] =	wrdreg s2;
	s20 =	sadd.s32 $0x3100, s18  }
0xd: {  	s21 =	sadd.s32 $0x6200, s18;
	s22 =	sadd.s32 $0x9300, s18;
	s24 =	sshrl.u32 s8, $0x3  }
0xe: {  	s16 =	sadd.s32 $0x400, s8;
	s26 =	smax.u32 s1, $0x1;
	[dreg:$0x6] =	wrdreg s20  }
0xf: {  	s18 =	simm.s32 $0xD380;
	s0 =	sadd.s32 s9, s0;
	[dreg:$0x7] =	wrdreg s21  }
0x10: {  	s19 =	smul.u32 $0x300, s17;
	[dreg:$0x8] =	wrdreg s22;
	s25 =	sadd.s32 s6, s24  }
0x11: {  	s2 =	sadd.s32 s7, s24;
	[dreg:$0xd] =	wrdreg s26;
	s20 =	simm.s32 $0x3100  }
0x12: {  	s21 =	simm.s32 $0xA380;
	s22 =	simm.s32 $0x3380;
	s24 =	simm.s32 $0x9B80  }
.Ltmp0:
0x13: {  	s26 =	simm.s32 $0x3;
	[dreg:$0xa] =	wrdreg s25;
	(pc) =	sbr.rel .LBB2_1-.Ltmp0, $4  }
0x14: {  	s17 =	simm.s32 $0x9680;
	s9 =	simm.s32 $0x9700;
	[dreg:$0xb] =	wrdreg s2  }
0x15: {  	s0 =	sadd.s32 $0x1200, s0;
	s25 =	simm.s32 $0x2;
	s2 =	simm.s32 $0x0  }
0x16: {  	v1 =	vlaneseq.u32;
	s23 =	sadd.s32 s5, s19;
	[dreg:$0xc] =	wrdreg s0;
	s19 =	simm.s32 $0x5  }
0x17: {  	v0 =	vimm.f32 $0.0e+00;
	v1 =	vmul.u32 $0x10, v1;
	s0 =	simm.s32 $0xDB80;
	[dreg:$0x9] =	wrdreg s23;
	s23 =	simm.s32 $0x9380  }
.LBB2_20:
0x18: {  	_ =	swait.ge [sflag:s26], $0x800  }
0x19: {  	[sflag:s26] =	ssyncset.done $0x0  }
0x1a: {  	[sflag:s26] =	ssyncadd.s32 $0xFFFFF800  }
0x1b: {  	_ =	swait.ge [sflag:s26], $0x800  }
0x1c: {  	[sflag:s26] =	ssyncset.done $0x0  }
0x1d: {  	[sflag:s26] =	ssyncadd.s32 $0xFFFFF800  }
0x1e: {  	_ =	swait.ge [sflag:s26], $0x800  }
0x1f: {  	[sflag:s26] =	ssyncset.done $0x0  }
0x20: {  	[sflag:s26] =	ssyncadd.s32 $0xFFFFF800  }
0x21: {  	_ =	swait.ge [sflag:s26], $0x800  }
0x22: {  	[sflag:s26] =	ssyncset.done $0x0  }
0x23: {  	[sflag:s26] =	ssyncadd.s32 $0xFFFFF800  }
0x24: {  	_ =	swait.ge [sflag:s26], $0x800  }
0x25: {  	[sflag:s26] =	ssyncset.done $0x0  }
0x26: {  	[sflag:s26] =	ssyncadd.s32 $0xFFFFF800  }
0x27: {  	_ =	swait.ge [sflag:s26], $0x800  }
0x28: {  	[sflag:s26] =	ssyncset.done $0x0  }
0x29: {  	[sflag:s26] =	ssyncadd.s32 $0xFFFFF800  }
0x2a: {  	_ =	swait.ge [sflag:s26], $0x800  }
0x2b: {  	[sflag:s26] =	ssyncset.done $0x0  }
0x2c: {  	[sflag:s26] =	ssyncadd.s32 $0xFFFFF800  }
0x2d: {  	_ =	swait.ge [sflag:s26], $0x800  }
0x2e: {  	[sflag:s26] =	ssyncset.done $0x0  }
0x2f: {  	[sflag:s26] =	ssyncadd.s32 $0xFFFFF800  }
0x30: {  	s1 =	stileid.u32;
	[bflag:$0x0] =	sbarrier.arrive $0xFFFF  }
0x31: {  	s1 =	sshll.u32 s1, $0x6;
	s2 =	rddreg [dreg:$0x5]  }
0x32: {  	s1 =	sor.u32 $0x1C05, s1;
	s8 =	rddreg [dreg:$0xc];
	s2 =	sshrl.u32 s2, $0x3  }
0x33: {  	[hbm:s8], [sflag:s1] =	dma.local [spmem:s2], $0x1880  }
0x34: {  	_ =	swait.ge [sflag:s19], $0x1880  }
0x35: {  	s14 =	rddreg [dreg:$0xe]  }
0x36: {  	s15 =	rddreg [dreg:$0xd];
	s2 =	sadd.s32 $0x1, s14  }
0x37: {  	p0 =	sne.s32 s2, s15  }
.Ltmp1:
0x38: {  	_ = 	snop;
	(pc) =	sbr.rel @!p0 .LBB2_21-.Ltmp1, $3  }
0x39: {  	_ =	sdelay $0x1  }
0x3a: {  	[sflag:s19] =	ssyncset.done $0x0  }
0x3b: {  	[sflag:s19] =	ssyncadd.s32 $0xFFFFE780  }
.LBB2_1:
0x3c: {  	[dreg:$0xe] =	wrdreg s2  }
0x3d: {  	s1 =	rddreg [dreg:$0x1]  }
0x3e: {  	[tilespmem:s4], [sflag:$0x5] =	stream.linear.gather [hbm4b:s1+s4], $0x3100, $0x38;
	[tilespmem:$0x1E780] =	vst v63  }
0x3f: {  	_ =	swait.ge [sflag:s19], $0x3100  }
0x40: {  	[sflag:s19] =	ssyncset.done $0x0  }
0x41: {  	s15 =	rddreg [dreg:$0x4];
	[sflag:s19] =	ssyncadd.s32 $0xFFFFCF00  }
0x42: {  	[tilespmem:s20], [sflag:$0x5] =	stream.linear.gather [hbm4b:s15+s4], $0x280, $0x38;
	[tilespmem:$0x1E780] =	vst v63  }
0x43: {  	_ =	swait.ge [sflag:s19], $0x280  }
0x44: {  	[sflag:s19] =	ssyncset.done $0x0  }
0x45: {  	s2 =	simm.s32 $0x0;
	s1 =	simm.s32 $0x40;
	[sflag:s19] =	ssyncadd.s32 $0xFFFFFD80  }
.LBB2_2:
0x46: {  	p0 =	sne.s32 s1, $0xFFC0;
	[tilespmem:s2+$0xA380] =	vst v0;
	s8 =	smov.u32 s1;
	s1 =	sadd.s32 $0x40, s1  }
.Ltmp2:
0x47: {  	[tilespmem:s2+$0xE380] =	vst v0;
	(pc) =	sbr.rel @p0 .LBB2_2-.Ltmp2, $2  }
0x48: {  	_ =	sdelay $0x2  }
0x49: {  	s2 =	sshra.s32 s8, $0x2  }
0x4a: {  	[tilespmem:s2+$0xA380] =	vst v0  }
0x4b: {  	[tilespmem:s2+$0xE380] =	vst v0;
	s1 =	rddreg [dreg:$0x5]  }
0x4c: {  	[spmem:s1] =	stream.linear.scatter [tilespmem:s21], [sflag:$0x5], $0x3100, $0x38;
	[tilespmem:$0x1E780] =	vst v63  }
0x4d: {  	_ =	swait.ge [sflag:s19], $0x3100  }
0x4e: {  	[sflag:s19] =	ssyncset.done $0x0  }
0x4f: {  	s10 =	rddreg [dreg:$0x6];
	[sflag:s19] =	ssyncadd.s32 $0xFFFFCF00  }
0x50: {  	[spmem:s10] =	stream.linear.scatter [tilespmem:s21], [sflag:$0x5], $0x3100, $0x38;
	[tilespmem:$0x1E780] =	vst v63  }
0x51: {  	_ =	swait.ge [sflag:s19], $0x3100  }
0x52: {  	[sflag:s19] =	ssyncset.done $0x0  }
0x53: {  	s11 =	rddreg [dreg:$0x7];
	[sflag:s19] =	ssyncadd.s32 $0xFFFFCF00  }
0x54: {  	[spmem:s11] =	stream.linear.scatter [tilespmem:s21], [sflag:$0x5], $0x3100, $0x38;
	[tilespmem:$0x1E780] =	vst v63  }
0x55: {  	_ =	swait.ge [sflag:s19], $0x3100  }
0x56: {  	[sflag:s19] =	ssyncset.done $0x0  }
0x57: {  	s12 =	rddreg [dreg:$0x8];
	[sflag:s19] =	ssyncadd.s32 $0xFFFFCF00  }
0x58: {  	[spmem:s12] =	stream.linear.scatter [tilespmem:s21], [sflag:$0x5], $0x3100, $0x38;
	[tilespmem:$0x1E780] =	vst v63  }
0x59: {  	_ =	swait.ge [sflag:s19], $0x3100  }
0x5a: {  	[sflag:s19] =	ssyncset.done $0x0  }
0x5b: {  	[sflag:s19] =	ssyncadd.s32 $0xFFFFCF00  }
0x5c: {  	[bflag:$0x0] =	sbarrier.arrive $0xFFFF  }
0x5d: {  	s1 =	simm.s32 $0x0;
	s13 =	rddreg [dreg:$0x9]  }
0x5e: {  	[tilespmem:s22], [sflag:$0x1] =	stream.linear.gather [hbm4b:s13+s1], $0x3000, $0x38;
	[tilespmem:$0x1E780] =	vst v63  }
.Ltmp3:
0x5f: {  	_ = 	snop;
	(pc) =	sbr.rel .LBB2_4-.Ltmp3, $4  }
0x60: {  	s14 =	rddreg [dreg:$0xa]  }
0x61: {  	[tilespmem:s23], [sflag:$0x1] =	stream.linear.gather [hbm4b:s14+s1], $0x400, $0x38;
	[tilespmem:$0x1E780] =	vst v63  }
0x62: {  	s15 =	rddreg [dreg:$0xb]  }
0x63: {  	[tilespmem:s24], [sflag:$0x1] =	stream.linear.gather [hbm4b:s15+s1], $0x400, $0x38;
	[tilespmem:$0x1E780] =	vst v63  }
.LBB2_19:
0x64: {  	s1 =	sadd.s32 $0x1, s1  }
0x65: {  	p0 =	sne.s32 s1, $0x19  }
.Ltmp4:
0x66: {  	_ = 	snop;
	(pc) =	sbr.rel @!p0 .LBB2_20-.Ltmp4, $1  }
0x67: {  	_ =	sdelay $0x3  }
.LBB2_4:
0x68: {  	s2 =	sand.u32 $0x1, s1  }
0x69: {  	p0 =	seq.s32 s2, $0x1  }
.Ltmp5:
0x6a: {  	_ = 	snop;
	(pc) =	sbr.rel @!p0 .LBB2_5-.Ltmp5, $1  }
0x6b: {  	_ =	sdelay $0x3  }
0x6c: {  	_ =	swait.ge [sflag:s25], $0x3000  }
0x6d: {  	[sflag:s25] =	ssyncset.done $0x0  }
0x6e: {  	[sflag:s25] =	ssyncadd.s32 $0xFFFFD000  }
0x6f: {  	_ =	swait.ge [sflag:s25], $0x400  }
0x70: {  	[sflag:s25] =	ssyncset.done $0x0  }
0x71: {  	[sflag:s25] =	ssyncadd.s32 $0xFFFFFC00  }
0x72: {  	_ =	swait.ge [sflag:s25], $0x400  }
0x73: {  	[sflag:s25] =	ssyncset.done $0x0  }
0x74: {  	[sflag:s25] =	ssyncadd.s32 $0xFFFFFC00  }
0x75: {  	_ =	swait.ge [sflag:s26], $0x800  }
0x76: {  	[sflag:s26] =	ssyncset.done $0x0  }
0x77: {  	[sflag:s26] =	ssyncadd.s32 $0xFFFFF800  }
0x78: {  	_ =	swait.ge [sflag:s26], $0x800  }
0x79: {  	[sflag:s26] =	ssyncset.done $0x0  }
0x7a: {  	[sflag:s26] =	ssyncadd.s32 $0xFFFFF800  }
0x7b: {  	_ =	swait.ge [sflag:s26], $0x800  }
0x7c: {  	[sflag:s26] =	ssyncset.done $0x0  }
0x7d: {  	[sflag:s26] =	ssyncadd.s32 $0xFFFFF800  }
0x7e: {  	_ =	swait.ge [sflag:s26], $0x800  }
0x7f: {  	[sflag:s26] =	ssyncset.done $0x0  }
0x80: {  	[sflag:s26] =	ssyncadd.s32 $0xFFFFF800  }
0x81: {  	_ =	swait.ge [sflag:s26], $0x800  }
0x82: {  	[sflag:s26] =	ssyncset.done $0x0  }
0x83: {  	[sflag:s26] =	ssyncadd.s32 $0xFFFFF800  }
0x84: {  	_ =	swait.ge [sflag:s26], $0x800  }
0x85: {  	[sflag:s26] =	ssyncset.done $0x0  }
0x86: {  	[sflag:s26] =	ssyncadd.s32 $0xFFFFF800  }
0x87: {  	s2 =	sshll.u32 s1, $0xA;
	_ =	swait.ge [sflag:s26], $0x800  }
0x88: {  	s8 =	sadd.s32 s2, s16;
	[sflag:s26] =	ssyncset.done $0x0  }
0x89: {  	s2 =	sshrl.u32 s8, $0x9;
	[sflag:s26] =	ssyncadd.s32 $0xFFFFF800  }
0x8a: {  	s2 =	smul.u32 $0x300, s2;
	_ =	swait.ge [sflag:s26], $0x800  }
0x8b: {  	s8 =	sshrl.u32 s8, $0x3;
	[sflag:s26] =	ssyncset.done $0x0  }
0x8c: {  	s10 =	sadd.s32 s5, s2;
	s2 =	simm.s32 $0x0;
	[sflag:s26] =	ssyncadd.s32 $0xFFFFF800  }
0x8d: {  	[tilespmem:s22], [sflag:$0x1] =	stream.linear.gather [hbm4b:s10+s2], $0x3000, $0x38;
	[tilespmem:$0x1E780] =	vst v63  }
0x8e: {  	s15 =	sadd.s32 s6, s8  }
0x8f: {  	[tilespmem:s23], [sflag:$0x1] =	stream.linear.gather [hbm4b:s15+s2], $0x400, $0x38;
	[tilespmem:$0x1E780] =	vst v63  }
0x90: {  	p1 =	por $0x1, $0x1;
	s8 =	sadd.s32 s7, s8  }
0x91: {  	[tilespmem:s24], [sflag:$0x1] =	stream.linear.gather [hbm4b:s8+s2], $0x400, $0x38;
	[tilespmem:$0x1E780] =	vst v63  }
.LBB2_13:
0x92: {  	s8 =	smul.u32 $0x6000, s2  }
0x93: {  	s2 =	sshll.u32 s2, $0x9;
	p0 =	por p1, p1  }
0x94: {  	s12 =	simm.s32 $0x0;
	s11 =	sand.u32 $0x3FFFFE00, s2;
	s8 =	sshra.s32 s8, $0x2  }
0x95: {  	s10 =	sadd.s32 $0x9F80, s11;
	s11 =	sadd.s32 $0x9780, s11;
	s8 =	sadd.s32 $0x6D80, s8  }
.LBB2_14:
0x96: {  	v2 =	vmov s10;
	_ =	sdelay $0x1  }
0x97: {  	v3 =	vmov s11  }
0x98: {  	s13 =	simm.s32 $0x0;
	v4 =	vmov s8;
	s14 =	smov.u32 s2  }
.LBB2_15:
0x99: {  	s15 =	sshra.s32 s13, $0x2  }
0x9a: {  	v5 =	vld.idx.msk [tilespmem:v2+s15+$0x0 ss:$0x1], $0xffff;
	_ =	sdelay $0x1  }
0x9b: {  	v6 =	vld.idx.msk [tilespmem:v3+s15+$0x0 ss:$0x1], $0xffff;
	_ =	sdelay $0x2  }
0x9c: {  	v7 =	vshrl.u32 v5, $0x2;
	_ =	sdelay $0x1  }
0x9d: {  	v8 =	vshrl.u32 v6, $0x2;
	_ =	sdelay $0x2  }
0x9e: {  	v7 =	vld.idx.msk [tilespmem:v7+s4+$0x0], $0xffff;
	_ =	sdelay $0x1  }
0x9f: {  	v8 =	vld.idx.msk [tilespmem:v8+s4+$0x0], $0xffff  }
0xa0: {  	v5 =	vshll.u32 v5, $0x3  }
0xa1: {  	v5 =	vand.u32 $0x18, v5  }
0xa2: {  	v6 =	vshll.u32 v6, $0x3;
	v5 =	vshrl.u32 v7, v5  }
0xa3: {  	v6 =	vand.u32 $0x18, v6;
	v5 =	vand.u32 $0x7, v5  }
0xa4: {  	v6 =	vshrl.u32 v8, v6;
	v5 =	vmul.u32 $0x5, v5  }
0xa5: {  	v62 =	vld.idx.msk [tilespmem:v4+s15+$0xFFFFFA00 ss:$0x1], $0xffff;
	v6 =	vand.u32 $0x7, v6  }
0xa6: {  	v10 =	vld.idx.msk [tilespmem:v4+s15+$0xFFFFFC00 ss:$0x1], $0xffff;
	v5 =	vadd.s32 v6, v5  }
0xa7: {  	v11 =	vld.idx.msk [tilespmem:v4+s15+$0xFFFFFE00 ss:$0x1], $0xffff;
	v5 =	vmul.u32 $0x18, v5  }
0xa8: {  	v13 =	vld.idx.msk [tilespmem:v4+s15+$0x0 ss:$0x1], $0xffff  }
0xa9: {  	v17 =	vld.idx.msk [tilespmem:v4+s15+$0x200 ss:$0x1], $0xffff;
	v9 =	vor.u32 $0x1, v5  }
0xaa: {  	v20 =	vld.idx.msk [tilespmem:v4+s15+$0x400 ss:$0x1], $0xffff;
	v12 =	vor.u32 $0x2, v5  }
0xab: {  	v7 =	vld.idx.msk [tilespmem:v4+s15+$0xFFFFF800 ss:$0x1], $0xffff;
	v15 =	vor.u32 $0x3, v5  }
0xac: {  	v6 =	vld.idx.msk [tilespmem:v4+s15+$0xFFFFF600 ss:$0x1], $0xffff;
	v16 =	vor.u32 $0x4, v5  }
0xad: {  	v18 =	vor.u32 $0x5, v5;
	v14 =	vld.idx.msk [tilespmem:v5+s20+$0x0], $0xffff  }
0xae: {  	v19 =	vor.u32 $0x6, v5;
	v9 =	vld.idx.msk [tilespmem:v9+s20+$0x0], $0xffff  }
0xaf: {  	v21 =	vor.u32 $0x7, v5;
	v12 =	vld.idx.msk [tilespmem:v12+s20+$0x0], $0xffff  }
0xb0: {  	v22 =	vadd.s32 $0x8, v5;
	v15 =	vld.idx.msk [tilespmem:v15+s20+$0x0], $0xffff  }
0xb1: {  	v23 =	vadd.s32 $0x9, v5;
	v16 =	vld.idx.msk [tilespmem:v16+s20+$0x0], $0xffff  }
0xb2: {  	v24 =	vadd.s32 $0x10, v5;
	v18 =	vld.idx.msk [tilespmem:v18+s20+$0x0], $0xffff  }
0xb3: {  	v32 =	vadd.s32 $0x11, v5;
	v63 =	vld.idx.msk [tilespmem:v19+s20+$0x0], $0xffff  }
0xb4: {  	v25 =	vadd.s32 $0xA, v5;
	v21 =	vld.idx.msk [tilespmem:v21+s20+$0x0], $0xffff  }
0xb5: {  	v35 =	vadd.s32 $0x12, v5;
	v34 =	vld.idx.msk [tilespmem:v22+s20+$0x0], $0xffff  }
0xb6: {  	v26 =	vadd.s32 $0xB, v5;
	v23 =	vld.idx.msk [tilespmem:v23+s20+$0x0], $0xffff  }
0xb7: {  	v27 =	vadd.s32 $0xC, v5;
	v37 =	vld.idx.msk [tilespmem:v24+s20+$0x0], $0xffff  }
0xb8: {  	v38 =	vadd.s32 $0x13, v5;
	v19 =	vld.idx.msk [tilespmem:v32+s20+$0x0], $0xffff  }
0xb9: {  	v54 =	vmov s14;
	v41 =	vadd.s32 $0x14, v5;
	v28 =	vadd.s32 $0xD, v5;
	v40 =	vld.idx.msk [tilespmem:v25+s20+$0x0], $0xffff  }
0xba: {  	v43 =	vadd.s32 $0x15, v5;
	v29 =	vadd.s32 $0xE, v5;
	v22 =	vld.idx.msk [tilespmem:v35+s20+$0x0], $0xffff;
	v14 =	vmul.f32 v14, v6  }
0xbb: {  	v46 =	vadd.s32 $0xF, v5;
	v42 =	vld.idx.msk [tilespmem:v26+s20+$0x0], $0xffff;
	v9 =	vmul.f32 v9, v7;
	v12 =	vmul.f32 v12, v62  }
0xbc: {  	v45 =	vadd.s32 $0x16, v5;
	v44 =	vld.idx.msk [tilespmem:v27+s20+$0x0], $0xffff;
	v33 =	vmul.f32 v15, v10;
	v36 =	vmul.f32 v16, v11  }
0xbd: {  	v5 =	vadd.s32 $0x17, v5;
	v24 =	vld.idx.msk [tilespmem:v38+s20+$0x0], $0xffff;
	v15 =	vmul.f32 v34, v6;
	v23 =	vmul.f32 v23, v7  }
0xbe: {  	v47 =	vld.idx.msk [tilespmem:v28+s20+$0x0], $0xffff;
	v6 =	vmul.f32 v37, v6;
	v7 =	vmul.f32 v19, v7;
	v9 =	vadd.f32 v9, v14  }
0xbf: {  	v25 =	vld.idx.msk [tilespmem:v41+s20+$0x0], $0xffff;
	v39 =	vmul.f32 v18, v13;
	v18 =	vmul.f32 v40, v62;
	v15 =	vadd.f32 v23, v15  }
0xc0: {  	v53 =	vld.idx.msk [tilespmem:v46+s20+$0x0], $0xffff;
	v6 =	vadd.f32 v7, v6;
	v7 =	vmul.f32 v22, v62;
	v9 =	vadd.f32 v12, v9  }
0xc1: {  	v48 =	vld.idx.msk [tilespmem:v43+s20+$0x0], $0xffff;
	v50 =	vmul.f32 v44, v11;
	v15 =	vadd.f32 v18, v15;
	v12 =	vmul.f32 v42, v10  }
0xc2: {  	v49 =	vld.idx.msk [tilespmem:v29+s20+$0x0], $0xffff;
	v6 =	vadd.f32 v7, v6;
	v7 =	vmul.f32 v24, v10;
	v9 =	vadd.f32 v33, v9  }
0xc3: {  	v51 =	vld.idx.msk [tilespmem:v45+s20+$0x0], $0xffff;
	v52 =	vmul.f32 v21, v20;
	v8 =	vmul.f32 v47, v13;
	v12 =	vadd.f32 v12, v15  }
0xc4: {  	v5 =	vld.idx.msk [tilespmem:v5+s20+$0x0], $0xffff;
	v6 =	vadd.f32 v7, v6;
	v7 =	vmul.f32 v25, v11;
	v9 =	vadd.f32 v36, v9  }
0xc5: {  	v56 =	vmul.f32 v53, v20;
	v14 =	vmul.f32 v63, v17;
	v12 =	vadd.f32 v50, v12  }
0xc6: {  	v6 =	vadd.f32 v7, v6;
	v7 =	vmul.f32 v48, v13;
	v9 =	vadd.f32 v39, v9  }
0xc7: {  	v55 =	vld.idx.msk [tilespmem:v4+s15+$0x600 ss:$0x1], $0xffff;
	v10 =	vmul.f32 v49, v17;
	v11 =	vshll.u32 v54, $0x4;
	v8 =	vadd.f32 v8, v12  }
0xc8: {  	v6 =	vadd.f32 v7, v6;
	v7 =	vmul.f32 v51, v17;
	v9 =	vadd.f32 v14, v9  }
0xc9: {  	v5 =	vmul.f32 v5, v20;
	v11 =	vor.u32 v1, v11;
	v8 =	vadd.f32 v10, v8  }
0xca: {  	v6 =	vadd.f32 v7, v6;
	v7 =	vor.u32 $0x1, v11;
	v9 =	vadd.f32 v52, v9  }
0xcb: {  	v57 =	vor.u32 $0x2, v11;
	v8 =	vadd.f32 v56, v8  }
0xcc: {  	v5 =	vadd.f32 v5, v6;
	v6 =	vmul.f32 v55, v9  }
0xcd: {  	v58 =	vmul.f32 v55, v8  }
0xce: {  	[tilespmem:v11+s28+$0x0] =	vst.idx.msk $0xffff, v6;
	v6 =	vmul.f32 v5, v55  }
0xcf: {  	[tilespmem:v7+s28+$0x0] =	vst.idx.msk $0xffff, v58  }
0xd0: {  	[tilespmem:v57+s28+$0x0] =	vst.idx.msk $0xffff, v6  }
0xd1: {  	v6 =	vld.idx.msk [tilespmem:v4+s15+$0x800 ss:$0x1], $0xffff;
	_ =	sdelay $0x1  }
0xd2: {  	v7 =	vor.u32 $0x3, v11  }
0xd3: {  	v59 =	vor.u32 $0x4, v11  }
0xd4: {  	v60 =	vor.u32 $0x5, v11  }
0xd5: {  	v61 =	vmul.f32 v6, v9  }
0xd6: {  	v62 =	vmul.f32 v6, v8  }
0xd7: {  	v6 =	vmul.f32 v6, v5;
	[tilespmem:v7+s28+$0x0] =	vst.idx.msk $0xffff, v61  }
0xd8: {  	[tilespmem:v59+s28+$0x0] =	vst.idx.msk $0xffff, v62  }
0xd9: {  	[tilespmem:v60+s28+$0x0] =	vst.idx.msk $0xffff, v6  }
0xda: {  	v6 =	vld.idx.msk [tilespmem:v4+s15+$0xA00 ss:$0x1], $0xffff;
	_ =	sdelay $0x1  }
0xdb: {  	v7 =	vor.u32 $0x6, v11  }
0xdc: {  	v63 =	vor.u32 $0x7, v11  }
0xdd: {  	p1 =	sne.s32 s13, $0x1C0;
	v11 =	vor.u32 $0x8, v11  }
.Ltmp6:
0xde: {  	v9 =	vmul.f32 v6, v9;
	(pc) =	sbr.rel @p1 .LBB2_15-.Ltmp6, $4  }
0xdf: {  	v8 =	vmul.f32 v6, v8  }
0xe0: {  	v5 =	vmul.f32 v6, v5;
	[tilespmem:v7+s28+$0x0] =	vst.idx.msk $0xffff, v9  }
0xe1: {  	[tilespmem:v63+s28+$0x0] =	vst.idx.msk $0xffff, v8  }
0xe2: {  	s14 =	sadd.s32 $0x10, s14;
	s13 =	sadd.s32 $0x40, s13;
	[tilespmem:v11+s28+$0x0] =	vst.idx.msk $0xffff, v5  }
0xe3: {  	s12 =	sadd.s32 $0x1, s12  }
0xe4: {  	p1 =	sne.s32 s12, $0x4  }
.Ltmp7:
0xe5: {  	_ = 	snop;
	(pc) =	sbr.rel @p1 .LBB2_14-.Ltmp7, $3  }
0xe6: {  	_ =	sdelay $0x1  }
0xe7: {  	s10 =	sadd.s32 $0x80, s10  }
0xe8: {  	s11 =	sadd.s32 $0x80, s11;
	s2 =	sadd.s32 $0x80, s2;
	s8 =	sadd.s32 $0x80, s8  }
.Ltmp8:
0xe9: {  	(pc) =	sbr.rel @p0 .LBB2_13-.Ltmp8, $2  }
0xea: {  	_ =	sdelay $0x2  }
0xeb: {  	s2 =	simm.s32 $0x1;
	p1 =	por $0x0, $0x0  }
0xec: {  	[spmem:s3] =	stream.indirect.scatter.add.f32 [tilespmem:s28], [sflag:$0x4], $0x10, s30, s29, $0xb8;
	[tilespmem:$0x1E780] =	vst v63  }
0xed: {  	s2 =	simm.s32 $0x9800;
	s8 =	simm.s32 $0xEB80  }
0xee: {  	[spmem:s3] =	stream.indirect.scatter.add.f32 [tilespmem:s8], [sflag:$0x4], $0x10, s2, s29, $0xb8;
	[tilespmem:$0x1E780] =	vst v63  }
0xef: {  	s10 =	simm.s32 $0x9880;
	s11 =	simm.s32 $0xF380  }
0xf0: {  	[spmem:s3] =	stream.indirect.scatter.add.f32 [tilespmem:s11], [sflag:$0x4], $0x10, s10, s29, $0xb8;
	[tilespmem:$0x1E780] =	vst v63  }
0xf1: {  	s12 =	simm.s32 $0x9900;
	s13 =	simm.s32 $0xFB80  }
0xf2: {  	[spmem:s3] =	stream.indirect.scatter.add.f32 [tilespmem:s13], [sflag:$0x4], $0x10, s12, s29, $0xb8;
	[tilespmem:$0x1E780] =	vst v63  }
0xf3: {  	s14 =	simm.s32 $0x9980;
	s15 =	simm.s32 $0x10380  }
0xf4: {  	[spmem:s3] =	stream.indirect.scatter.add.f32 [tilespmem:s15], [sflag:$0x4], $0x10, s14, s29, $0xb8;
	[tilespmem:$0x1E780] =	vst v63  }
0xf5: {  	s10 =	simm.s32 $0x9A00;
	s11 =	simm.s32 $0x10B80  }
0xf6: {  	[spmem:s3] =	stream.indirect.scatter.add.f32 [tilespmem:s11], [sflag:$0x4], $0x10, s10, s29, $0xb8;
	[tilespmem:$0x1E780] =	vst v63  }
.Ltmp9:
0xf7: {  	_ = 	snop;
	(pc) =	sbr.rel .LBB2_19-.Ltmp9, $4  }
0xf8: {  	s12 =	simm.s32 $0x9A80;
	s13 =	simm.s32 $0x11380  }
0xf9: {  	[spmem:s3] =	stream.indirect.scatter.add.f32 [tilespmem:s13], [sflag:$0x4], $0x10, s12, s29, $0xb8;
	[tilespmem:$0x1E780] =	vst v63  }
0xfa: {  	s14 =	simm.s32 $0x9B00;
	s15 =	simm.s32 $0x11B80  }
0xfb: {  	[spmem:s3] =	stream.indirect.scatter.add.f32 [tilespmem:s15], [sflag:$0x4], $0x10, s14, s29, $0xb8;
	[tilespmem:$0x1E780] =	vst v63  }
.LBB2_5:
0xfc: {  	_ =	swait.ge [sflag:s31], $0x3000  }
0xfd: {  	[sflag:s31] =	ssyncset.done $0x0  }
0xfe: {  	[sflag:s31] =	ssyncadd.s32 $0xFFFFD000  }
0xff: {  	_ =	swait.ge [sflag:s31], $0x400  }
0x100: {  	[sflag:s31] =	ssyncset.done $0x0  }
0x101: {  	[sflag:s31] =	ssyncadd.s32 $0xFFFFFC00  }
0x102: {  	_ =	swait.ge [sflag:s31], $0x400  }
0x103: {  	p0 =	seq.s32 s1, $0x0;
	[sflag:s31] =	ssyncset.done $0x0  }
0x104: {  	s2 =	simm.s32 @!p0 $0x4;
	[sflag:s31] =	ssyncadd.s32 $0xFFFFFC00  }
0x105: {  	_ =	swait.ge @!p0 [sflag:s2], $0x800  }
0x106: {  	[sflag:s2] =	ssyncset.done @!p0 $0x0  }
0x107: {  	[sflag:s2] =	ssyncadd.s32 @!p0 $0xFFFFF800  }
0x108: {  	_ =	swait.ge @!p0 [sflag:s2], $0x800  }
0x109: {  	[sflag:s2] =	ssyncset.done @!p0 $0x0  }
0x10a: {  	[sflag:s2] =	ssyncadd.s32 @!p0 $0xFFFFF800  }
0x10b: {  	_ =	swait.ge @!p0 [sflag:s2], $0x800  }
0x10c: {  	[sflag:s2] =	ssyncset.done @!p0 $0x0  }
0x10d: {  	[sflag:s2] =	ssyncadd.s32 @!p0 $0xFFFFF800  }
0x10e: {  	_ =	swait.ge @!p0 [sflag:s2], $0x800  }
0x10f: {  	[sflag:s2] =	ssyncset.done @!p0 $0x0  }
0x110: {  	[sflag:s2] =	ssyncadd.s32 @!p0 $0xFFFFF800  }
0x111: {  	_ =	swait.ge @!p0 [sflag:s2], $0x800  }
0x112: {  	[sflag:s2] =	ssyncset.done @!p0 $0x0  }
0x113: {  	[sflag:s2] =	ssyncadd.s32 @!p0 $0xFFFFF800  }
0x114: {  	_ =	swait.ge @!p0 [sflag:s2], $0x800  }
0x115: {  	[sflag:s2] =	ssyncset.done @!p0 $0x0  }
0x116: {  	[sflag:s2] =	ssyncadd.s32 @!p0 $0xFFFFF800  }
0x117: {  	_ =	swait.ge @!p0 [sflag:s2], $0x800  }
0x118: {  	[sflag:s2] =	ssyncset.done @!p0 $0x0  }
0x119: {  	[sflag:s2] =	ssyncadd.s32 @!p0 $0xFFFFF800  }
0x11a: {  	p1 =	seq.s32 @!p0 s1, $0x18;
	_ =	swait.ge @!p0 [sflag:s2], $0x800  }
0x11b: {  	p1 =	por p0, !p1;
	[sflag:s2] =	ssyncset.done @!p0 $0x0  }
0x11c: {  	[sflag:s2] =	ssyncadd.s32 @!p0 $0xFFFFF800;
	s2 =	sshll.u32 @p1 s1, $0xA  }
0x11d: {  	s2 =	sadd.s32 @p1 s2, s16  }
0x11e: {  	s8 =	sshrl.u32 @p1 s2, $0x9  }
0x11f: {  	s8 =	smul.u32 @p1 $0x300, s8;
	_ =	sdelay $0x1  }
0x120: {  	s10 =	simm.s32 @p1 $0x6380;
	s2 =	sshrl.u32 @p1 s2, $0x3;
	s8 =	sadd.s32 @p1 s5, s8  }
0x121: {  	[tilespmem:s10], [sflag:$0x2] =	stream.linear.gather @p1 [hbm4b:s8+s4], $0x3000, $0x38;
	[tilespmem:$0x1E780] =	vst v63  }
0x122: {  	s8 =	sadd.s32 @p1 s6, s2  }
0x123: {  	[tilespmem:s30], [sflag:$0x2] =	stream.linear.gather @p1 [hbm4b:s8+s4], $0x400, $0x38;
	[tilespmem:$0x1E780] =	vst v63  }
0x124: {  	s2 =	sadd.s32 @p1 s7, s2;
	s8 =	simm.s32 @p1 $0x9F80  }
0x125: {  	[tilespmem:s8], [sflag:$0x2] =	stream.linear.gather @p1 [hbm4b:s2+s4], $0x400, $0x38;
	[tilespmem:$0x1E780] =	vst v63  }
0x126: {  	s2 =	simm.s32 $0x0;
	p1 =	por $0x1, $0x1  }
.LBB2_6:
0x127: {  	s8 =	smul.u32 $0x6000, s2  }
0x128: {  	s14 =	sshll.u32 s2, $0x9;
	p0 =	por p1, p1  }
0x129: {  	s12 =	simm.s32 $0x0;
	s15 =	sand.u32 $0x3FFFFE00, s14;
	s13 =	sshra.s32 s8, $0x2  }
0x12a: {  	s10 =	sadd.s32 $0x9B80, s15;
	s11 =	sadd.s32 $0x9380, s15;
	s8 =	sadd.s32 $0x3D80, s13  }
.LBB2_7:
0x12b: {  	v2 =	vmov s10;
	_ =	sdelay $0x1  }
0x12c: {  	v3 =	vmov s11  }
0x12d: {  	s13 =	simm.s32 $0x0;
	v4 =	vmov s8;
	s2 =	smov.u32 s14  }
.LBB2_8:
0x12e: {  	s15 =	sshra.s32 s13, $0x2  }
0x12f: {  	v5 =	vld.idx.msk [tilespmem:v2+s15+$0x0 ss:$0x1], $0xffff;
	_ =	sdelay $0x1  }
0x130: {  	v6 =	vld.idx.msk [tilespmem:v3+s15+$0x0 ss:$0x1], $0xffff;
	_ =	sdelay $0x2  }
0x131: {  	v7 =	vshrl.u32 v5, $0x2;
	_ =	sdelay $0x1  }
0x132: {  	v8 =	vshrl.u32 v6, $0x2;
	_ =	sdelay $0x2  }
0x133: {  	v7 =	vld.idx.msk [tilespmem:v7+s4+$0x0], $0xffff;
	_ =	sdelay $0x1  }
0x134: {  	v8 =	vld.idx.msk [tilespmem:v8+s4+$0x0], $0xffff  }
0x135: {  	v5 =	vshll.u32 v5, $0x3  }
0x136: {  	v5 =	vand.u32 $0x18, v5  }
0x137: {  	v6 =	vshll.u32 v6, $0x3;
	v5 =	vshrl.u32 v7, v5  }
0x138: {  	v6 =	vand.u32 $0x18, v6;
	v5 =	vand.u32 $0x7, v5  }
0x139: {  	v6 =	vshrl.u32 v8, v6;
	v5 =	vmul.u32 $0x5, v5  }
0x13a: {  	v62 =	vld.idx.msk [tilespmem:v4+s15+$0xFFFFFA00 ss:$0x1], $0xffff;
	v6 =	vand.u32 $0x7, v6  }
0x13b: {  	v10 =	vld.idx.msk [tilespmem:v4+s15+$0xFFFFFC00 ss:$0x1], $0xffff;
	v5 =	vadd.s32 v6, v5  }
0x13c: {  	v11 =	vld.idx.msk [tilespmem:v4+s15+$0xFFFFFE00 ss:$0x1], $0xffff;
	v5 =	vmul.u32 $0x18, v5  }
0x13d: {  	v13 =	vld.idx.msk [tilespmem:v4+s15+$0x0 ss:$0x1], $0xffff  }
0x13e: {  	v17 =	vld.idx.msk [tilespmem:v4+s15+$0x200 ss:$0x1], $0xffff;
	v9 =	vor.u32 $0x1, v5  }
0x13f: {  	v20 =	vld.idx.msk [tilespmem:v4+s15+$0x400 ss:$0x1], $0xffff;
	v12 =	vor.u32 $0x2, v5  }
0x140: {  	v7 =	vld.idx.msk [tilespmem:v4+s15+$0xFFFFF800 ss:$0x1], $0xffff;
	v15 =	vor.u32 $0x3, v5  }
0x141: {  	v6 =	vld.idx.msk [tilespmem:v4+s15+$0xFFFFF600 ss:$0x1], $0xffff;
	v16 =	vor.u32 $0x4, v5  }
0x142: {  	v18 =	vor.u32 $0x5, v5;
	v14 =	vld.idx.msk [tilespmem:v5+s20+$0x0], $0xffff  }
0x143: {  	v19 =	vor.u32 $0x6, v5;
	v9 =	vld.idx.msk [tilespmem:v9+s20+$0x0], $0xffff  }
0x144: {  	v21 =	vor.u32 $0x7, v5;
	v12 =	vld.idx.msk [tilespmem:v12+s20+$0x0], $0xffff  }
0x145: {  	v22 =	vadd.s32 $0x8, v5;
	v15 =	vld.idx.msk [tilespmem:v15+s20+$0x0], $0xffff  }
0x146: {  	v23 =	vadd.s32 $0x9, v5;
	v16 =	vld.idx.msk [tilespmem:v16+s20+$0x0], $0xffff  }
0x147: {  	v24 =	vadd.s32 $0x10, v5;
	v18 =	vld.idx.msk [tilespmem:v18+s20+$0x0], $0xffff  }
0x148: {  	v32 =	vadd.s32 $0x11, v5;
	v63 =	vld.idx.msk [tilespmem:v19+s20+$0x0], $0xffff  }
0x149: {  	v25 =	vadd.s32 $0xA, v5;
	v21 =	vld.idx.msk [tilespmem:v21+s20+$0x0], $0xffff  }
0x14a: {  	v35 =	vadd.s32 $0x12, v5;
	v34 =	vld.idx.msk [tilespmem:v22+s20+$0x0], $0xffff  }
0x14b: {  	v26 =	vadd.s32 $0xB, v5;
	v23 =	vld.idx.msk [tilespmem:v23+s20+$0x0], $0xffff  }
0x14c: {  	v27 =	vadd.s32 $0xC, v5;
	v37 =	vld.idx.msk [tilespmem:v24+s20+$0x0], $0xffff  }
0x14d: {  	v38 =	vadd.s32 $0x13, v5;
	v19 =	vld.idx.msk [tilespmem:v32+s20+$0x0], $0xffff  }
0x14e: {  	v54 =	vmov s2;
	v41 =	vadd.s32 $0x14, v5;
	v28 =	vadd.s32 $0xD, v5;
	v40 =	vld.idx.msk [tilespmem:v25+s20+$0x0], $0xffff  }
0x14f: {  	v43 =	vadd.s32 $0x15, v5;
	v29 =	vadd.s32 $0xE, v5;
	v22 =	vld.idx.msk [tilespmem:v35+s20+$0x0], $0xffff;
	v14 =	vmul.f32 v14, v6  }
0x150: {  	v46 =	vadd.s32 $0xF, v5;
	v42 =	vld.idx.msk [tilespmem:v26+s20+$0x0], $0xffff;
	v9 =	vmul.f32 v9, v7;
	v12 =	vmul.f32 v12, v62  }
0x151: {  	v45 =	vadd.s32 $0x16, v5;
	v44 =	vld.idx.msk [tilespmem:v27+s20+$0x0], $0xffff;
	v33 =	vmul.f32 v15, v10;
	v36 =	vmul.f32 v16, v11  }
0x152: {  	v5 =	vadd.s32 $0x17, v5;
	v24 =	vld.idx.msk [tilespmem:v38+s20+$0x0], $0xffff;
	v15 =	vmul.f32 v34, v6;
	v23 =	vmul.f32 v23, v7  }
0x153: {  	v47 =	vld.idx.msk [tilespmem:v28+s20+$0x0], $0xffff;
	v6 =	vmul.f32 v37, v6;
	v7 =	vmul.f32 v19, v7;
	v9 =	vadd.f32 v9, v14  }
0x154: {  	v25 =	vld.idx.msk [tilespmem:v41+s20+$0x0], $0xffff;
	v39 =	vmul.f32 v18, v13;
	v18 =	vmul.f32 v40, v62;
	v15 =	vadd.f32 v23, v15  }
0x155: {  	v53 =	vld.idx.msk [tilespmem:v46+s20+$0x0], $0xffff;
	v6 =	vadd.f32 v7, v6;
	v7 =	vmul.f32 v22, v62;
	v9 =	vadd.f32 v12, v9  }
0x156: {  	v48 =	vld.idx.msk [tilespmem:v43+s20+$0x0], $0xffff;
	v50 =	vmul.f32 v44, v11;
	v15 =	vadd.f32 v18, v15;
	v12 =	vmul.f32 v42, v10  }
0x157: {  	v49 =	vld.idx.msk [tilespmem:v29+s20+$0x0], $0xffff;
	v6 =	vadd.f32 v7, v6;
	v7 =	vmul.f32 v24, v10;
	v9 =	vadd.f32 v33, v9  }
0x158: {  	v51 =	vld.idx.msk [tilespmem:v45+s20+$0x0], $0xffff;
	v52 =	vmul.f32 v21, v20;
	v8 =	vmul.f32 v47, v13;
	v12 =	vadd.f32 v12, v15  }
0x159: {  	v5 =	vld.idx.msk [tilespmem:v5+s20+$0x0], $0xffff;
	v6 =	vadd.f32 v7, v6;
	v7 =	vmul.f32 v25, v11;
	v9 =	vadd.f32 v36, v9  }
0x15a: {  	v56 =	vmul.f32 v53, v20;
	v14 =	vmul.f32 v63, v17;
	v12 =	vadd.f32 v50, v12  }
0x15b: {  	v6 =	vadd.f32 v7, v6;
	v7 =	vmul.f32 v48, v13;
	v9 =	vadd.f32 v39, v9  }
0x15c: {  	v55 =	vld.idx.msk [tilespmem:v4+s15+$0x600 ss:$0x1], $0xffff;
	v10 =	vmul.f32 v49, v17;
	v11 =	vshll.u32 v54, $0x4;
	v8 =	vadd.f32 v8, v12  }
0x15d: {  	v6 =	vadd.f32 v7, v6;
	v7 =	vmul.f32 v51, v17;
	v9 =	vadd.f32 v14, v9  }
0x15e: {  	v5 =	vmul.f32 v5, v20;
	v11 =	vor.u32 v1, v11;
	v8 =	vadd.f32 v10, v8  }
0x15f: {  	v6 =	vadd.f32 v7, v6;
	v7 =	vor.u32 $0x1, v11;
	v9 =	vadd.f32 v52, v9  }
0x160: {  	v57 =	vor.u32 $0x2, v11;
	v8 =	vadd.f32 v56, v8  }
0x161: {  	v5 =	vadd.f32 v5, v6;
	v6 =	vmul.f32 v55, v9  }
0x162: {  	v58 =	vmul.f32 v55, v8  }
0x163: {  	[tilespmem:v11+s21+$0x0] =	vst.idx.msk $0xffff, v6;
	v6 =	vmul.f32 v5, v55  }
0x164: {  	[tilespmem:v7+s21+$0x0] =	vst.idx.msk $0xffff, v58  }
0x165: {  	[tilespmem:v57+s21+$0x0] =	vst.idx.msk $0xffff, v6  }
0x166: {  	v6 =	vld.idx.msk [tilespmem:v4+s15+$0x800 ss:$0x1], $0xffff;
	_ =	sdelay $0x1  }
0x167: {  	v7 =	vor.u32 $0x3, v11  }
0x168: {  	v59 =	vor.u32 $0x4, v11  }
0x169: {  	v60 =	vor.u32 $0x5, v11  }
0x16a: {  	v61 =	vmul.f32 v6, v9  }
0x16b: {  	v62 =	vmul.f32 v6, v8  }
0x16c: {  	v6 =	vmul.f32 v6, v5;
	[tilespmem:v7+s21+$0x0] =	vst.idx.msk $0xffff, v61  }
0x16d: {  	[tilespmem:v59+s21+$0x0] =	vst.idx.msk $0xffff, v62  }
0x16e: {  	[tilespmem:v60+s21+$0x0] =	vst.idx.msk $0xffff, v6  }
0x16f: {  	v6 =	vld.idx.msk [tilespmem:v4+s15+$0xA00 ss:$0x1], $0xffff;
	_ =	sdelay $0x1  }
0x170: {  	v7 =	vor.u32 $0x6, v11  }
0x171: {  	v63 =	vor.u32 $0x7, v11  }
0x172: {  	p1 =	sne.s32 s13, $0x1C0;
	v11 =	vor.u32 $0x8, v11  }
.Ltmp10:
0x173: {  	v9 =	vmul.f32 v6, v9;
	(pc) =	sbr.rel @p1 .LBB2_8-.Ltmp10, $4  }
0x174: {  	v8 =	vmul.f32 v6, v8  }
0x175: {  	v5 =	vmul.f32 v6, v5;
	[tilespmem:v7+s21+$0x0] =	vst.idx.msk $0xffff, v9  }
0x176: {  	[tilespmem:v63+s21+$0x0] =	vst.idx.msk $0xffff, v8  }
0x177: {  	s2 =	sadd.s32 $0x10, s2;
	s13 =	sadd.s32 $0x40, s13;
	[tilespmem:v11+s21+$0x0] =	vst.idx.msk $0xffff, v5  }
0x178: {  	s12 =	sadd.s32 $0x1, s12  }
0x179: {  	p1 =	sne.s32 s12, $0x4  }
.Ltmp11:
0x17a: {  	_ = 	snop;
	(pc) =	sbr.rel @p1 .LBB2_7-.Ltmp11, $3  }
0x17b: {  	_ =	sdelay $0x1  }
0x17c: {  	s10 =	sadd.s32 $0x80, s10  }
0x17d: {  	s11 =	sadd.s32 $0x80, s11;
	s14 =	sadd.s32 $0x80, s14;
	s8 =	sadd.s32 $0x80, s8  }
.Ltmp12:
0x17e: {  	(pc) =	sbr.rel @p0 .LBB2_6-.Ltmp12, $2  }
0x17f: {  	_ =	sdelay $0x2  }
0x180: {  	s2 =	simm.s32 $0x1;
	p1 =	por $0x0, $0x0  }
0x181: {  	[spmem:s3] =	stream.indirect.scatter.add.f32 [tilespmem:s21], [sflag:$0x3], $0x10, s23, s29, $0xb8;
	[tilespmem:$0x1E780] =	vst v63  }
0x182: {  	s2 =	simm.s32 $0x9400;
	s8 =	simm.s32 $0xAB80  }
0x183: {  	[spmem:s3] =	stream.indirect.scatter.add.f32 [tilespmem:s8], [sflag:$0x3], $0x10, s2, s29, $0xb8;
	[tilespmem:$0x1E780] =	vst v63  }
0x184: {  	s14 =	simm.s32 $0x9480;
	s15 =	simm.s32 $0xB380  }
0x185: {  	[spmem:s3] =	stream.indirect.scatter.add.f32 [tilespmem:s15], [sflag:$0x3], $0x10, s14, s29, $0xb8;
	[tilespmem:$0x1E780] =	vst v63  }
0x186: {  	s10 =	simm.s32 $0x9500;
	s11 =	simm.s32 $0xBB80  }
0x187: {  	[spmem:s3] =	stream.indirect.scatter.add.f32 [tilespmem:s11], [sflag:$0x3], $0x10, s10, s29, $0xb8;
	[tilespmem:$0x1E780] =	vst v63  }
0x188: {  	s12 =	simm.s32 $0x9580;
	s13 =	simm.s32 $0xC380  }
0x189: {  	[spmem:s3] =	stream.indirect.scatter.add.f32 [tilespmem:s13], [sflag:$0x3], $0x10, s12, s29, $0xb8;
	[tilespmem:$0x1E780] =	vst v63  }
0x18a: {  	s14 =	simm.s32 $0x9600;
	s15 =	simm.s32 $0xCB80  }
0x18b: {  	[spmem:s3] =	stream.indirect.scatter.add.f32 [tilespmem:s15], [sflag:$0x3], $0x10, s14, s29, $0xb8;
	[tilespmem:$0x1E780] =	vst v63  }
.Ltmp13:
0x18c: {  	_ = 	snop;
	(pc) =	sbr.rel .LBB2_19-.Ltmp13, $4  }
0x18d: {  	_ = 	snop  }
0x18e: {  	[spmem:s3] =	stream.indirect.scatter.add.f32 [tilespmem:s18], [sflag:$0x3], $0x10, s17, s29, $0xb8;
	[tilespmem:$0x1E780] =	vst v63  }
0x18f: {  	_ = 	snop  }
0x190: {  	[spmem:s3] =	stream.indirect.scatter.add.f32 [tilespmem:s0], [sflag:$0x3], $0x10, s9, s29, $0xb8;
	[tilespmem:$0x1E780] =	vst v63  }
.LBB2_21:
0x191: {  	_ =	sfence.sel $0x180000  }
0x192: {  	[bflag:$0x0] =	sbarrier.arrive $0xFFFF  }
0x193: {  	_ =	strace $0x9000004A  }
0x194: {  	s0 =	stileid.u32;
	[bflag:$0x2] =	sbarrier.arrive $0xFFFF  }
0x195: {  	p0 =	sne.s32 s0, $0x0;
	s0 =	rddreg [dreg:$0x3]  }
0x196: {  	s0 =	sadd.s32 @!p0 $0x100000, s0  }
0x197: {  	[sflag:s0] =	ssyncadd.tile.s32 @!p0 $0x1;
	_ =	shalt  }
.Lfunc_end2:
_tile_overlayer_lowered:
.L_overlay_start_2:
0x198: {  	(tag) =	ssettag $0x2  }
0x199: {  	s0 =	rddreg [dreg:$0x0];
	s2 =	stileid.u32  }
0x19a: {  	s1 =	rddreg [dreg:$0x1];
	p0 =	sne.s32 s2, $0x0  }
0x19b: {  	s3 =	rddreg [dreg:$0x2];
	[bflag:$0x3] =	sbarrier.arrive $0xFFFF;
	s2 =	simm.s32 @!p0 $0x1C05  }
0x19c: {  	[timem:s3], [sflag:s2] =	dma.local @!p0 [hbm:s0], s1  }
0x19d: {  	s0 =	simm.s32 @!p0 $0x5  }
0x19e: {  	_ =	swait.ge @!p0 [sflag:s0], s1  }
0x19f: {  	s1 =	ssub.s32 @!p0 $0x0, s1;
	[sflag:s0] =	ssyncset.done @!p0 $0x0  }
0x1a0: {  	[sflag:s0] =	ssyncadd.s32 @!p0 s1  }
0x1a1: {  	[bflag:$0x3] =	sbarrier.arrive $0xFFFF  }
0x1a2: {  	_ =	shalt  }

// kernel: sparse-core-data-format-call.cloned.1.call-start
scs
called_computation_lowered:
.L_overlay_start_0:
0x0: {  	s1 =	sld [smem:$0x3FD9]  }
0x1: {  	s2 =	sld [smem:$0x3FFE];
	_ =	sdelay $0x1  }
0x2: {  	s3 =	srdreg.scid  }
0x3: {  	s0 =	sand.u32 $0x1, s3  }
0x4: {  	s17 =	sshll.u32 s0, $0xA;
	s1 =	sadd.s32 s2, s1  }
0x5: {  	s1 =	sadd.s32 s1, s17  }
0x6: {  	[smem:$0x3FC1] =	sst s1  }
0x7: {  	_ = 	snop  }
0x8: {  	(tm) =	ssettm $0x1  }
0x9: {  	s18 =	sld [smem:$0x3FFB];
	_ =	sdelay $0x3  }
0xa: {  	_ =	strace s18  }
0xb: {  	s1 =	sld [smem:$0x3FFC];
	_ =	sdelay $0x3  }
0xc: {  	_ =	strace s1  }
0xd: {  	s1 =	sld [smem:$0x3FFD];
	_ =	sdelay $0x3  }
0xe: {  	_ =	strace s1  }
0xf: {  	_ =	strace $0x8FFFFFFF  }
0x10: {  	s19 =	sld [smem:$0x3FDB];
	_ =	sdelay $0x1  }
0x11: {  	s20 =	simm.s32 $_scs_section_size  }
0x12: {  	s4 =	simm.s32 $_size__tile_overlayer_lowered;
	s5 =	simm.s32 $_tile_overlayer_lowered  }
0x13: {  	s23 =	simm.s32 $0x1BFF;
	s22 =	sshll.u32 s5, $0x1;
	s1 =	sadd.s32 s20, s19  }
0x14: {  	s6 =	simm.s32 $0x0;
	s21 =	sshll.u32 s4, $0x1;
	s4 =	sadd.s32 s22, s1  }
0x15: {  	[timem:s6], [sflag:s23] =	dma.local [hbm:s4], s21  }
0x16: {  	_ =	swait.ge [sflag:s23], s21  }
0x17: {  	s2 =	ssub.s32 $0x0, s21;
	[sflag:s23] =	ssyncset.done $0x0  }
0x18: {  	[sflag:s23] =	ssyncadd.s32 s2;
	_ =	sdelay $0x1  }
0x19: {  	s24 =	simm.s32 $0x1B8B  }
0x1a: {  	_ =	swait.ge [sflag:s24], $0x1  }
0x1b: {  	[sflag:s24] =	ssyncset.done $0x0  }
0x1c: {  	s26 =	simm.s32 $0x1B8E;
	s25 =	sld [smem:$0x3FFE];
	[sflag:s24] =	ssyncadd.s32 $0xFFFFFFFF  }
0x1d: {  	s27 =	simm.s32 $execute0_lowered;
	[smem:$0x3FD2] =	sst s26  }
0x1e: {  	s4 =	sshll.u32 s27, $0x1;
	_ =	strace $0x80000046;
	[dreg:$0x1] =	wrdreg $0xFFFFFFFF  }
0x1f: {  	s28 =	simm.s32 $_size_execute0_lowered;
	s1 =	sadd.s32 s1, s4;
	[dreg:$0x0] =	wrdreg $0x0  }
0x20: {  	s4 =	sshll.u32 s28, $0x1;
	[dreg:$0x2] =	wrdreg s1  }
0x21: {  	[dreg:$0x3] =	wrdreg s4  }
0x22: {  	[dreg:$0x4] =	wrdreg $0xC0  }
0x23: {  	_ =	task [dreg:s6], $0x5FFFF  }
0x24: {  	[dreg:$0x1] =	wrdreg $0xFFFFFFFF  }
0x25: {  	[dreg:$0x0] =	wrdreg $0x60  }
0x26: {  	[dreg:$0x2] =	wrdreg s25  }
0x27: {  	[dreg:$0x3] =	wrdreg $0x9  }
0x28: {  	_ =	task.clear_ibuf [dreg:s6], $0x4FFFF;
	_ =	strace $0x90000046  }
0x29: {  	s29 =	simm.s32 $0x9;
	_ =	strace $0x80000048  }
0x2a: {  	_ =	swait.ge [sflag:s29], $0x1  }
0x2b: {  	[sflag:s29] =	ssyncadd.s32 $0xFFFFFFFF  }
0x2c: {  	_ =	strace $0x90000048  }
0x2d: {  	_ =	sfence  }
0x2e: {  	s30 =	sld [smem:$0x0];
	_ =	sdelay $0x2  }
0x2f: {  	s31 =	sshll.u32 s3, $0xD;
	s3 =	sshrl.u32 s3, $0x2  }
0x30: {  	s2 =	sand.u32 $0x4000, s31;
	s1 =	sadd.s32 s3, s30  }
0x31: {  	s0 =	sor.u32 s2, s0;
	s1 =	sshll.u32 s1, $0x11  }
0x32: {  	s0 =	sor.u32 s1, s0  }
0x33: {  	s0 =	sadd.s32 $0x8F2B, s0  }
0x34: {  	[sflag:s0] =	ssyncadd.remote.s32 $0x1  }
0x35: {  	_ =	sfence.sel $0xFFFF  }
0x36: {  	[dreg:$0x0] =	wrdreg $0xFFFFFFFF;
	(pc) =	sbr.abs _section_cstart, $3  }
0x37: {  	[dreg:$0x1] =	wrdreg $0xFFFFFFFF  }
0x38: {  	_ =	task.clear_ibuf [dreg:s6], $0x2FFFF;
	_ =	strace $0x9FFFFFFF  }
0x39: {  	(tm) =	ssettm $0x7FFFFFFF  }
tec
execute0_lowered:
.L_overlay_start_1:
0x0: {  	(tag) =	ssettag $0x1  }
0x1: {  	s0 =	srdreg.scid  }
0x2: {  	s1 =	sshll.u32 s0, $0x4  }
0x3: {  	s4 =	rddreg [dreg:$0x0];
	s0 =	stileid.u32;
	s1 =	sand.u32 $0x10, s1  }
0x4: {  	s7 =	simm.s32 $0x1;
	s8 =	simm.s32 $0x2;
	s1 =	sor.u32 s0, s1  }
0x5: {  	s9 =	simm.s32 $0x0;
	s12 =	simm.s32 $0x0;
	s2 =	sshll.u32 s1, $0x2  }
0x6: {  	s11 =	simm.s32 $0x0;
	s3 =	sadd.s32 $0x1200, s4;
	s6 =	ssub.s32 $0x960, s2  }
.Ltmp0:
0x7: {  	s4 =	sadd.s32 $0x12D200, s4;
	s5 =	sand.u32 $0x7C, s6;
	(pc) =	sbr.rel .LBB1_1-.Ltmp0, $4  }
0x8: {  	s1 =	rddreg [dreg:$0x1];
	_ =	strace $0x80000047;
	p0 =	sne.s32 s5, $0x0  }
0x9: {  	s6 =	sshrl.u32 s6, $0x7;
	s5 =	simm.s32 $0x1;
	s7 =	simm.s32 @!p0 $0x0  }
0xa: {  	s10 =	smov.u32 s2;
	[sflag:s5] =	ssyncpa.u1 $0x0;
	s6 =	sadd.s32 s7, s6  }
0xb: {  	[sflag:s8] =	ssyncpa.u1 $0x0;
	s8 =	simm.s32 $0x0;
	s7 =	sadd.s32 $0x1, s6  }
.LBB1_9:
0xc: {  	s14 =	sadd.s32 $0x80, s10  }
0xd: {  	p1 =	sgt.s32 s14, $0x95F  }
0xe: {  	s14 =	smov.u32 @p1 s2;
	p1 =	sne.s32 s11, s7  }
.Ltmp1:
0xf: {  	p0 =	slt.u32 s11, $0x2;
	(pc) =	sbr.rel @!p1 .LBB1_10-.Ltmp1, $4  }
0x10: {  	s13 =	simm.s32 @!p0 $0x2  }
0x11: {  	s15 =	sadd.s32 $0x1, s11;
	_ =	swait.ge @!p0 [sflag:s13], $0x4000  }
0x12: {  	s12 =	smov.u32 s10;
	s9 =	sadd.s32 $0x4000, s9;
	[sflag:s13] =	ssyncset.done @!p0 $0x0  }
0x13: {  	s11 =	smov.u32 s15;
	s10 =	smov.u32 s14;
	[sflag:s13] =	ssyncadd.s32 @!p0 $0xFFFFC000  }
.LBB1_1:
0x14: {  	p0 =	sge.u32 s11, s6  }
0x15: {  	s13 =	sxor.u32 @!p0 $0xFFFFFFFF, s11  }
0x16: {  	s31 =	sadd.s32 $0xFFFFFFFF, s11;
	s14 =	sshll.u32 @!p0 s10, $0x9;
	s13 =	sshll.u32 @!p0 s13, $0xE  }
0x17: {  	s15 =	simm.s32 @!p0 $0x0;
	s14 =	sadd.s32 @!p0 s3, s14;
	s13 =	sand.u32 @!p0 $0x4000, s13  }
0x18: {  	[tilespmem:s13], [sflag:$0x1] =	stream.linear.gather @!p0 [hbm4b:s14+s15], $0x4000, $0x38;
	[tilespmem:$0x10000] =	vst v63  }
0x19: {  	p0 =	sge.u32 s31, s6  }
.Ltmp2:
0x1a: {  	_ = 	snop;
	(pc) =	sbr.rel @p0 .LBB1_9-.Ltmp2, $1  }
0x1b: {  	_ =	sdelay $0x3  }
0x1c: {  	s14 =	sand.u32 $0x4000, s9  }
0x1d: {  	_ =	swait.ge [sflag:s5], $0x4000;
	s15 =	sshll.u32 s11, $0xE;
	s16 =	simm.s32 $0x0  }
0x1e: {  	s13 =	sor.u32 $0x40, s14;
	[sflag:s5] =	ssyncset.done $0x0;
	s15 =	sand.u32 $0x4000, s15  }
0x1f: {  	s14 =	sor.u32 $0x8040, s14;
	[sflag:s5] =	ssyncadd.s32 $0xFFFFC000;
	s15 =	sor.u32 $0x8000, s15  }
.LBB1_3:
0x20: {  	s17 =	smov.u32 s14;
	s18 =	smov.u32 s13;
	s19 =	simm.s32 $0x0  }
.LBB1_4:
0x21: {  	v0 =	vmov s17;
	v2 =	vld [tilespmem:s18+$0x30]  }
0x22: {  	v4 =	vld [tilespmem:s18+$0xFFFFFFD0]  }
0x23: {  	v6 =	vld [tilespmem:s18+$0xFFFFFFE0]  }
0x24: {  	v7 =	vld [tilespmem:s18+$0xFFFFFFF0]  }
0x25: {  	s20 =	simm.s32 $0x0;
	v1 =	vld [tilespmem:s18+$0x0]  }
0x26: {  	v3 =	vld [tilespmem:s18+$0x10];
	[tilespmem:v0+s20+$0x30 ss:$0x1] =	vst.idx.msk $0xffff, v2  }
0x27: {  	v5 =	vld [tilespmem:s18+$0x20];
	[tilespmem:v0+s20+$0xFFFFFFD0 ss:$0x1] =	vst.idx.msk $0xffff, v4  }
0x28: {  	s21 =	sadd.s32 $0x80, s18;
	v2 =	vld [tilespmem:s18+$0xFFFFFFC0];
	[tilespmem:v0+s20+$0xFFFFFFE0 ss:$0x1] =	vst.idx.msk $0xffff, v6  }
0x29: {  	s22 =	simm.s32 $0x800;
	s23 =	simm.s32 $0x1000;
	v4 =	vld [tilespmem:s21+$0x30];
	[tilespmem:v0+s20+$0xFFFFFFF0 ss:$0x1] =	vst.idx.msk $0xffff, v7  }
.LBB1_5:
0x2a: {  	p0 =	sne.s32 s23, $0x3800;
	v6 =	vld [tilespmem:s21+$0xFFFFFFD0];
	[tilespmem:v0+s20+$0x0 ss:$0x1] =	vst.idx.msk $0xffff, v1  }
0x2b: {  	v7 =	vld [tilespmem:s21+$0xFFFFFFE0];
	[tilespmem:v0+s20+$0x10 ss:$0x1] =	vst.idx.msk $0xffff, v3  }
0x2c: {  	v8 =	vld [tilespmem:s21+$0xFFFFFFF0];
	[tilespmem:v0+s20+$0x20 ss:$0x1] =	vst.idx.msk $0xffff, v5  }
.Ltmp3:
0x2d: {  	v1 =	vld [tilespmem:s21+$0x0];
	[tilespmem:v0+s20+$0xFFFFFFC0 ss:$0x1] =	vst.idx.msk $0xffff, v2;
	s20 =	sshra.s32 s22, $0x2;
	s22 =	smov.u32 s23;
	(pc) =	sbr.rel @p0 .LBB1_5-.Ltmp3, $4  }
0x2e: {  	v3 =	vld [tilespmem:s21+$0x10];
	[tilespmem:v0+s20+$0x30 ss:$0x1] =	vst.idx.msk $0xffff, v4  }
0x2f: {  	[tilespmem:v0+s20+$0xFFFFFFD0 ss:$0x1] =	vst.idx.msk $0xffff, v6;
	v5 =	vld [tilespmem:s21+$0x20]  }
0x30: {  	v2 =	vld [tilespmem:s21+$0xFFFFFFC0];
	[tilespmem:v0+s20+$0xFFFFFFE0 ss:$0x1] =	vst.idx.msk $0xffff, v7;
	s21 =	sadd.s32 $0x80, s21  }
0x31: {  	s23 =	sadd.s32 $0x800, s23;
	v4 =	vld [tilespmem:s21+$0x30];
	[tilespmem:v0+s20+$0xFFFFFFF0 ss:$0x1] =	vst.idx.msk $0xffff, v8  }
0x32: {  	_ =	sdelay $0x3  }
0x33: {  	v6 =	vld [tilespmem:s21+$0xFFFFFFD0];
	[tilespmem:v0+s20+$0x0 ss:$0x1] =	vst.idx.msk $0xffff, v1  }
0x34: {  	v58 =	vld [tilespmem:s21+$0xFFFFFFE0];
	[tilespmem:v0+s20+$0x10 ss:$0x1] =	vst.idx.msk $0xffff, v3  }
0x35: {  	v59 =	vld [tilespmem:s21+$0xFFFFFFF0];
	[tilespmem:v0+s20+$0x20 ss:$0x1] =	vst.idx.msk $0xffff, v5  }
0x36: {  	s22 =	sshra.s32 s22, $0x2;
	v60 =	vld [tilespmem:s21+$0x0];
	[tilespmem:v0+s20+$0xFFFFFFC0 ss:$0x1] =	vst.idx.msk $0xffff, v2  }
0x37: {  	v61 =	vld [tilespmem:s21+$0x10];
	[tilespmem:v0+s22+$0x30 ss:$0x1] =	vst.idx.msk $0xffff, v4  }
0x38: {  	v62 =	vld [tilespmem:s21+$0x20];
	s19 =	sadd.s32 $0x1, s19;
	[tilespmem:v0+s22+$0xFFFFFFD0 ss:$0x1] =	vst.idx.msk $0xffff, v6  }
0x39: {  	v63 =	vld [tilespmem:s21+$0xFFFFFFC0];
	p0 =	sne.s32 s19, $0x4;
	[tilespmem:v0+s22+$0xFFFFFFE0 ss:$0x1] =	vst.idx.msk $0xffff, v58  }
.Ltmp4:
0x3a: {  	[tilespmem:v0+s22+$0xFFFFFFF0 ss:$0x1] =	vst.idx.msk $0xffff, v59;
	(pc) =	sbr.rel @p0 .LBB1_4-.Ltmp4, $4  }
0x3b: {  	[tilespmem:v0+s22+$0x0 ss:$0x1] =	vst.idx.msk $0xffff, v60  }
0x3c: {  	[tilespmem:v0+s22+$0x10 ss:$0x1] =	vst.idx.msk $0xffff, v61  }
0x3d: {  	[tilespmem:v0+s22+$0x20 ss:$0x1] =	vst.idx.msk $0xffff, v62  }
0x3e: {  	s18 =	sadd.s32 $0x400, s18;
	s17 =	sadd.s32 $0x80, s17;
	[tilespmem:v0+s22+$0xFFFFFFC0 ss:$0x1] =	vst.idx.msk $0xffff, v63  }
0x3f: {  	s16 =	sadd.s32 $0x1, s16  }
0x40: {  	p0 =	sne.s32 s16, $0x4  }
.Ltmp5:
0x41: {  	_ = 	snop;
	(pc) =	sbr.rel @p0 .LBB1_3-.Ltmp5, $2  }
0x42: {  	_ =	sdelay $0x2  }
0x43: {  	s13 =	sadd.s32 $0x1000, s13;
	s14 =	sadd.s32 $0x1000, s14  }
.Ltmp6:
0x44: {  	(pc) =	sbr.rel .LBB1_9-.Ltmp6, $4  }
0x45: {  	_ = 	snop  }
0x46: {  	s12 =	sshll.u32 s12, $0x9  }
0x47: {  	s12 =	sadd.s32 s4, s12  }
0x48: {  	[hbm4b:s12+s8] =	stream.linear.scatter [tilespmem:s15], [sflag:$0x2], $0x4000, $0x38;
	[tilespmem:$0x10000] =	vst v63  }
.LBB1_10:
0x49: {  	_ =	sfence.sel $0x180000  }
0x4a: {  	s2 =	simm.s32 $0x1;
	[bflag:$0x0] =	sbarrier.arrive $0xFFFF  }
0x4b: {  	s31 =	simm.s32 $0x2;
	[sflag:s2] =	ssyncpa.u1 $0x1  }
0x4c: {  	[sflag:s31] =	ssyncpa.u1 $0x1  }
0x4d: {  	p0 =	sne.s32 s0, $0x0;
	_ =	strace $0x90000047  }
0x4e: {  	s0 =	sadd.s32 @!p0 $0x100000, s1;
	[bflag:$0x2] =	sbarrier.arrive $0xFFFF  }
0x4f: {  	[sflag:s0] =	ssyncadd.tile.s32 @!p0 $0x1;
	_ =	shalt  }
.Lfunc_end1:
_tile_overlayer_lowered:
.L_overlay_start_2:
0x50: {  	(tag) =	ssettag $0x2  }
0x51: {  	s0 =	rddreg [dreg:$0x0];
	s2 =	stileid.u32  }
0x52: {  	s1 =	rddreg [dreg:$0x1];
	p0 =	sne.s32 s2, $0x0  }
0x53: {  	s3 =	rddreg [dreg:$0x2];
	[bflag:$0x3] =	sbarrier.arrive $0xFFFF;
	s2 =	simm.s32 @!p0 $0x1C01  }
0x54: {  	[timem:s3], [sflag:s2] =	dma.local @!p0 [hbm:s0], s1  }
0x55: {  	s0 =	simm.s32 @!p0 $0x1  }
0x56: {  	_ =	swait.ge @!p0 [sflag:s0], s1  }
0x57: {  	s1 =	ssub.s32 @!p0 $0x0, s1;
	[sflag:s0] =	ssyncset.done @!p0 $0x0  }
0x58: {  	[sflag:s0] =	ssyncadd.s32 @!p0 s1  }
0x59: {  	[bflag:$0x3] =	sbarrier.arrive $0xFFFF  }
0x5a: {  	_ =	shalt  }

</sc_bundles>
